<compile_context>
chip_gen: v7x
topology: tpu7x:2x2x1
jax: 0.10.2.dev20260603
libtpu: 0.0.44.dev20260713+nightly
codegen_flags: <defaults>
</compile_context>

<pallas_src>
import functools

import jax
import jax.numpy as jnp
from jax import lax
from jax.experimental import pallas as pl
from jax.experimental.pallas import tpu as pltpu
from jax.experimental.pallas import tpu_sc as plsc

T = 2048
D = 1024
E = 8
K = 2
F = 2048
CAP = 640
NR = E * CAP
NSLOT = T * K

NC = 2
NS = 16
NW = NC * NS
L = 16

@functools.lru_cache(maxsize=None)
def _mesh():
    return plsc.VectorSubcoreMesh(core_axis_name="c", subcore_axis_name="s",
                                  num_cores=NC, num_subcores=NS)


def _wid():
    return lax.axis_index("s") * NC + lax.axis_index("c")



def _router_body(x_ref, wr_ref, topi_ref, gates_ref, mp_ref):
    x = x_ref[...]
    wr = wr_ref[...]
    logits = jnp.dot(x, wr, preferred_element_type=jnp.float32)
    m = jnp.max(logits, axis=1, keepdims=True)
    ex = jnp.exp(logits - m)
    probs = ex / jnp.sum(ex, axis=1, keepdims=True)
    iota = lax.broadcasted_iota(jnp.int32, (T, E), 1)
    m1 = jnp.max(probs, axis=1, keepdims=True)
    i1 = jnp.min(jnp.where(probs == m1, iota, E), axis=1, keepdims=True)
    probs2 = jnp.where(iota == i1, -1.0, probs)
    m2 = jnp.max(probs2, axis=1, keepdims=True)
    i2 = jnp.min(jnp.where(probs2 == m2, iota, E), axis=1, keepdims=True)
    s = m1 + m2 + 1e-9
    topi_ref[:, 0:1] = i1
    topi_ref[:, 1:2] = i2
    gates_ref[:, 0:1] = m1 / s
    gates_ref[:, 1:2] = m2 / s
    mp_ref[...] = jnp.sum(probs, axis=0, keepdims=True) * (1.0 / T)


_router = pl.pallas_call(
    _router_body,
    out_shape=[
        jax.ShapeDtypeStruct((T, K), jnp.int32),
        jax.ShapeDtypeStruct((T, K), jnp.float32),
        jax.ShapeDtypeStruct((1, E), jnp.float32),
    ],
)



_CB = 512


def _dispa_body(topi_ref, gates_ref, mp_ref, roww_ref, rowr_ref, aux_ref):
    i1 = topi_ref[:, 0:1]
    i2 = topi_ref[:, 1:2]
    io8 = lax.broadcasted_iota(jnp.int32, (T, E), 1)
    A = (i1 == io8).astype(jnp.float32)
    B = (i2 == io8).astype(jnp.float32)
    Cc = A + B
    cums = []
    for rb in range(T // _CB):
        ri = rb * _CB + lax.broadcasted_iota(jnp.int32, (_CB, T), 0)
        ci = lax.broadcasted_iota(jnp.int32, (_CB, T), 1)
        Lc = (ri > ci).astype(jnp.float32)
        cums.append(jnp.dot(Lc, Cc, preferred_element_type=jnp.float32))
    Cum = jnp.concatenate(cums, axis=0)
    pos0 = jnp.sum(A * Cum, axis=1, keepdims=True)
    pos1 = jnp.sum(B * Cum, axis=1, keepdims=True)
    cnt = jnp.sum(Cc, axis=0, keepdims=True)
    filled = jnp.minimum(cnt, float(CAP))
    mn = jnp.min(filled, axis=1, keepdims=True)
    io18 = lax.broadcasted_iota(jnp.int32, (1, E), 1).astype(jnp.float32)
    esp = jnp.min(jnp.where(filled == mn, io18, float(E)), axis=1,
                  keepdims=True)
    spare = esp * CAP + (CAP - 1)
    row0 = i1.astype(jnp.float32) * CAP + pos0
    row1 = i2.astype(jnp.float32) * CAP + pos1
    v0 = pos0 < CAP
    v1 = pos1 < CAP
    roww_ref[:, 0:1] = jnp.where(v0, row0, -1.0)
    roww_ref[:, 1:2] = jnp.where(v1, row1, -1.0)
    rowr_ref[:, 0:1] = jnp.where(v0, row0, spare).astype(jnp.int32)
    rowr_ref[:, 1:2] = jnp.where(v1, row1, spare).astype(jnp.int32)
    aux_ref[...] = (jnp.sum(mp_ref[...] * cnt, axis=1, keepdims=True)
                    * (float(E) / NSLOT))


_dispa = pl.pallas_call(
    _dispa_body,
    out_shape=[
        jax.ShapeDtypeStruct((T, K), jnp.float32),
        jax.ShapeDtypeStruct((T, K), jnp.int32),
        jax.ShapeDtypeStruct((1, 1), jnp.float32),
    ],
)



_PB = 512


def _dispb_body(rwt_ref, gates_ref, rowrf_ref, out_ref):
    rb = pl.program_id(0)
    pio = rb * _PB + lax.broadcasted_iota(jnp.int32, (_PB, T), 0)
    piof = pio.astype(jnp.float32)
    OH0 = (rwt_ref[0:1, :] == piof).astype(jnp.float32)
    OH1 = (rwt_ref[1:2, :] == piof).astype(jnp.float32)
    tf = lax.broadcasted_iota(jnp.int32, (T, 1), 0).astype(jnp.float32)
    v0 = jnp.concatenate([tf, gates_ref[:, 0:1], rowrf_ref[...]], axis=1)
    v1 = jnp.concatenate([tf, gates_ref[:, 1:2], rowrf_ref[...]], axis=1)
    out_ref[...] = (jnp.dot(OH0, v0, preferred_element_type=jnp.float32)
                    + jnp.dot(OH1, v1, preferred_element_type=jnp.float32))


_dispb = pl.pallas_call(
    _dispb_body,
    grid=(NR // _PB,),
    in_specs=[
        pl.BlockSpec((K, T), lambda rb: (0, 0)),
        pl.BlockSpec((T, K), lambda rb: (0, 0)),
        pl.BlockSpec((T, K), lambda rb: (0, 0)),
    ],
    out_specs=pl.BlockSpec((_PB, 4), lambda rb: (rb, 0)),
    out_shape=jax.ShapeDtypeStruct((NR, 4), jnp.float32),
)



_G_RPT = NR // NW
_G_CH = 80
_G_NCH = _G_RPT // _G_CH


def _gather_body(src_hbm, idx_hbm, out_hbm, idx_v, idx_c, buf_v, sem):
    wid = _wid()
    base = wid * _G_RPT
    pltpu.sync_copy(idx_hbm.at[pl.ds(base, _G_RPT)], idx_v)
    for c in range(_G_NCH):
        for j in range(_G_CH // L):
            idx_c[pl.ds(j * L, L)] = idx_v[pl.ds(c * _G_CH + j * L, L)]
        pltpu.async_copy(src_hbm.at[idx_c], buf_v, sem).wait()
        pltpu.sync_copy(buf_v, out_hbm.at[pl.ds(base + c * _G_CH, _G_CH)])


@functools.lru_cache(maxsize=None)
def _gather():
    return pl.kernel(
        _gather_body,
        out_type=jax.ShapeDtypeStruct((NR, D), jnp.float32),
        mesh=_mesh(),
        scratch_types=[
            pltpu.VMEM((_G_RPT,), jnp.int32),
            pltpu.VMEM((_G_CH,), jnp.int32),
            pltpu.VMEM((_G_CH, D), jnp.float32),
            pltpu.SemaphoreType.DMA,
        ],
    )



_BF = 512
_NFB = F // _BF


def _ffn_body(xe_ref, w1_ref, b1_ref, w2_ref, b2_ref, g_ref, y_ref):
    fb = pl.program_id(1)
    h = jnp.dot(xe_ref[...], w1_ref[0], preferred_element_type=jnp.float32)
    h = jnp.maximum(h + b1_ref[0], 0.0)
    yp = jnp.dot(h, w2_ref[0], preferred_element_type=jnp.float32)

    @pl.when(fb == 0)
    def _():
        y_ref[...] = yp

    @pl.when(fb != 0)
    def _():
        y_ref[...] = y_ref[...] + yp

    @pl.when(fb == _NFB - 1)
    def _():
        y_ref[...] = (y_ref[...] + b2_ref[0]) * g_ref[0]


_ffn_call = pl.pallas_call(
    _ffn_body,
    grid=(E, _NFB),
    in_specs=[
        pl.BlockSpec((CAP, D), lambda e, fb: (e, 0)),
        pl.BlockSpec((1, D, _BF), lambda e, fb: (e, 0, fb)),
        pl.BlockSpec((1, 1, _BF), lambda e, fb: (e, 0, fb)),
        pl.BlockSpec((1, _BF, D), lambda e, fb: (e, fb, 0)),
        pl.BlockSpec((1, 1, D), lambda e, fb: (e, 0, 0)),
        pl.BlockSpec((1, CAP, 1), lambda e, fb: (e, 0, 0)),
    ],
    out_specs=pl.BlockSpec((CAP, D), lambda e, fb: (e, 0)),
    out_shape=jax.ShapeDtypeStruct((NR, D), jnp.float32),
    compiler_params=pltpu.CompilerParams(
        dimension_semantics=("arbitrary", "arbitrary"),
    ),
)


def _ffn(xe, W1, b1, W2, b2, g3):
    return _ffn_call(xe, W1, b1.reshape(E, 1, F), W2, b2.reshape(E, 1, D), g3)



def _gather2_body(y_hbm, r0_hbm, r1_hbm, out_hbm, i0_v, i1_v, i0_c, i1_c,
                  b_v, sem):
    wid = _wid()
    base = wid * _G_RPT
    pltpu.sync_copy(r0_hbm.at[pl.ds(base, _G_RPT)], i0_v)
    pltpu.sync_copy(r1_hbm.at[pl.ds(base, _G_RPT)], i1_v)
    for c in range(_G_NCH):
        for j in range(_G_CH // L):
            off = c * _G_CH + j * L
            i0_c[pl.ds(j * L, L)] = i0_v[pl.ds(off, L)]
            i1_c[pl.ds(j * L, L)] = i1_v[pl.ds(off, L)]
        pltpu.async_copy(y_hbm.at[i0_c], b_v, sem).wait()
        pltpu.async_copy(y_hbm.at[i1_c], b_v, sem, add=True).wait()
        pltpu.sync_copy(b_v, out_hbm.at[pl.ds(base + c * _G_CH, _G_CH)])


@functools.lru_cache(maxsize=None)
def _gather2():
    return pl.kernel(
        _gather2_body,
        out_type=jax.ShapeDtypeStruct((NR, D), jnp.float32),
        mesh=_mesh(),
        scratch_types=[
            pltpu.VMEM((_G_RPT,), jnp.int32),
            pltpu.VMEM((_G_RPT,), jnp.int32),
            pltpu.VMEM((_G_CH,), jnp.int32),
            pltpu.VMEM((_G_CH,), jnp.int32),
            pltpu.VMEM((_G_CH, D), jnp.float32),
            pltpu.SemaphoreType.DMA,
        ],
    )


_C_TPT = T // NW


def _combine_body(y_hbm, r0_hbm, r1_hbm, out_hbm, i0_v, i1_v, b_v, sem):
    wid = _wid()
    tbase = wid * _C_TPT
    pltpu.sync_copy(r0_hbm.at[pl.ds(tbase, _C_TPT)], i0_v)
    pltpu.sync_copy(r1_hbm.at[pl.ds(tbase, _C_TPT)], i1_v)
    pltpu.async_copy(y_hbm.at[i0_v], b_v, sem).wait()
    pltpu.async_copy(y_hbm.at[i1_v], b_v, sem, add=True).wait()
    pltpu.sync_copy(b_v, out_hbm.at[pl.ds(tbase, _C_TPT)])


@functools.lru_cache(maxsize=None)
def _combine():
    return pl.kernel(
        _combine_body,
        out_type=jax.ShapeDtypeStruct((T, D), jnp.float32),
        mesh=_mesh(),
        scratch_types=[
            pltpu.VMEM((_C_TPT,), jnp.int32),
            pltpu.VMEM((_C_TPT,), jnp.int32),
            pltpu.VMEM((_C_TPT, D), jnp.float32),
            pltpu.SemaphoreType.DMA,
        ],
    )



def kernel(input, Wr, W1_in, b1_in, W2_in, b2_in, W1_out, b1_out, W2_out,
           b2_out):
    topi, gates, mp = _router(input, Wr)
    roww, rowr, aux11 = _dispa(topi, gates, mp)
    pk = _dispb(roww.T, gates, rowr.astype(jnp.float32))
    tok_idx = pk[:, 0].astype(jnp.int32)
    g3 = pk[:, 1].reshape(E, CAP, 1)
    rr0 = pk[:, 2].astype(jnp.int32)
    rr1 = pk[:, 3].astype(jnp.int32)
    row0 = rowr[:, 0]
    row1 = rowr[:, 1]
    xe = _gather()(input, tok_idx)
    y1 = _ffn(xe, W1_in, b1_in, W2_in, b2_in, g3)
    xe2 = _gather2()(y1, rr0, rr1)
    y2 = _ffn(xe2, W1_out, b1_out, W2_out, b2_out, g3)
    output = _combine()(y2, row0, row1)
    return output, aux11[0, 0]

# --- scband reference (transcript-rebuilt; emitter-appended) ---
"""Pipeline reference for scband-mixture-of-experts-attention-model-32650341384280 (READ-ONLY COPY).

The authoritative reference and input builder live on the scoring server;
editing this copy changes nothing except your own understanding.
"""

import jax, jax.numpy as jnp
import numpy as np

T = 2048
D = 1024
E = 8
K = 2
F = 2048
CAP = int(np.ceil(T * K / E * 1.25))


def setup_inputs(seed: int = 0) -> dict:
    key = jax.random.key(seed)
    ks = jax.random.split(key, 8)
    s = 0.02
    return {
        "input": jax.random.normal(ks[0], (T, D), dtype=jnp.float32),
        "Wr": jax.random.normal(ks[1], (D, E), dtype=jnp.float32) * s,
        "W1_in": jax.random.normal(ks[2], (E, D, F), dtype=jnp.float32) * s,
        "b1_in": jnp.zeros((E, F), dtype=jnp.float32),
        "W2_in": jax.random.normal(ks[3], (E, F, D), dtype=jnp.float32) * s,
        "b2_in": jnp.zeros((E, D), dtype=jnp.float32),
        "W1_out": jax.random.normal(ks[4], (E, D, F), dtype=jnp.float32) * s,
        "b1_out": jnp.zeros((E, F), dtype=jnp.float32),
        "W2_out": jax.random.normal(ks[5], (E, F, D), dtype=jnp.float32) * s,
        "b2_out": jnp.zeros((E, D), dtype=jnp.float32),
    }


def _expert_stack(x, gates_flat, topi_flat, W1, b1, W2, b2):
    # capacity-based dispatch: for each expert gather up to CAP assigned token slots,
    # run the expert FFN, scatter-add weighted results back to token positions.
    out = jnp.zeros_like(x)
    for e in range(E):
        mask = (topi_flat == e)
        order = jnp.argsort(jnp.where(mask, 0, 1), stable=True)
        sel = order[:CAP]
        tok = sel // K
        g = gates_flat[sel] * mask[sel].astype(x.dtype)
        xe = jnp.take(x, tok, axis=0)
        h = jax.nn.relu(xe @ W1[e] + b1[e]) @ W2[e] + b2[e]
        out = out.at[tok].add(g[:, None] * h)
    return out


def reference(input, Wr, W1_in, b1_in, W2_in, b2_in, W1_out, b1_out, W2_out, b2_out):
    # shared router + sampler (init_sampler_option == SHARED): routing decisions are
    # computed once on the input and reused by both expert stacks.
    logits = input @ Wr
    probs = jax.nn.softmax(logits, axis=-1)
    topv, topi = jax.lax.top_k(probs, K)
    gates = topv / (jnp.sum(topv, axis=-1, keepdims=True) + 1e-9)
    gates_flat = gates.reshape(-1)
    topi_flat = topi.reshape(-1)
    hidden = _expert_stack(input, gates_flat, topi_flat, W1_in, b1_in, W2_in, b2_in)
    output = _expert_stack(hidden, gates_flat, topi_flat, W1_out, b1_out, W2_out, b2_out)
    # load-balancing auxiliary (sampler/expert) loss
    mean_prob = jnp.mean(probs, axis=0)
    frac = jnp.bincount(topi_flat, length=E).astype(jnp.float32) / float(T * K)
    aux_loss = E * jnp.sum(mean_prob * frac)
    return output, aux_loss

if __name__ == "__main__":
    import jax
    _d = setup_inputs()
    print(jax.jit(kernel)(*tuple(_d.values())))

</pallas_src>

<mosaic_0001>
#map = affine_map<(d0, d1) -> (0, 0)>
#map1 = affine_map<(d0, d1) -> (0)>
module attributes {stable_mosaic.version = 14 : i64} {
  func.func @_gather_body(%arg0: i32, %arg1: i32, %arg2: memref<2048x1024xf32, #tpu.memory_space<hbm>>, %arg3: memref<5120xi32, #tpu.memory_space<hbm>>, %arg4: memref<5120x1024xf32, #tpu.memory_space<hbm>>, %arg5: memref<160xi32, #tpu.memory_space<vmem>>, %arg6: memref<80xi32, #tpu.memory_space<vmem>>, %arg7: memref<80x1024xf32, #tpu.memory_space<vmem>>, %arg8: memref<!tpu.dma_semaphore, #tpu.memory_space<semaphore_mem>>) attributes {dimension_semantics = [#tpu.dimension_semantics<core_parallel>, #tpu.dimension_semantics<subcore_parallel>], iteration_bounds = array<i64: 2, 16>, scalar_prefetch = 0 : i64, scratch_operands = 4 : i64, tpu.core_type = #tpu.core_type<sc_vector_subcore>, window_params = [{transform_indices = #map}, {transform_indices = #map1}, {transform_indices = #map}]} {
    %mul3A = arith.constant 2 : i32
    %mul3A_0 = arith.muli %arg1, %mul3A : i32
    %add3A = arith.addi %mul3A_0, %arg0 : i32
    %mul3A_1 = arith.constant 160 : i32
    %mul3A_2 = arith.muli %add3A, %mul3A_1 : i32
    "tpu.region"() ({
      %run_scoped3A = tpu.sem_alloc : memref<!tpu.dma_semaphore, #tpu.memory_space<semaphore_mem>>
      %dma_start3A_85 = tpu.memref_slice %arg3[%mul3A_2] : memref<5120xi32, #tpu.memory_space<hbm>> -> memref<160xi32, #tpu.memory_space<hbm>>
      %dma_start3A_86 = tpu.memref_slice %arg3[%mul3A_2] : memref<5120xi32, #tpu.memory_space<hbm>> -> memref<160xi32, #tpu.memory_space<hbm>>
      tpu.enqueue_dma source(%dma_start3A_86 : memref<160xi32, #tpu.memory_space<hbm>>) target(%arg5 : memref<160xi32, #tpu.memory_space<vmem>>) target_semaphore(%run_scoped3A : memref<!tpu.dma_semaphore, #tpu.memory_space<semaphore_mem>>)
      %dma_wait3A_87 = tpu.memref_slice %arg3[%mul3A_2] : memref<5120xi32, #tpu.memory_space<hbm>> -> memref<160xi32, #tpu.memory_space<hbm>>
      %dma_wait3A_88 = tpu.memref_slice %arg3[%mul3A_2] : memref<5120xi32, #tpu.memory_space<hbm>> -> memref<160xi32, #tpu.memory_space<hbm>>
      tpu.wait_dma2 semaphore(%run_scoped3A : memref<!tpu.dma_semaphore, #tpu.memory_space<semaphore_mem>>) src(%dma_wait3A_88 : memref<160xi32, #tpu.memory_space<hbm>>) dst(%arg5 : memref<160xi32, #tpu.memory_space<vmem>>)
      tpu.yield
    }) : () -> ()
    %get3A = arith.constant 0 : index
    %get3A_3 = tpu.vector_load %arg5[%get3A] {strides = array<i32>} : memref<160xi32, #tpu.memory_space<vmem>>, vector<16xi32>,
    %get3A_4 = vector.shape_cast %get3A_3 : vector<16xi32> to vector<16xi32>
    %swap3A = arith.constant 0 : index
    %swap3A_5 = tpu.vector_load %arg6[%swap3A] {strides = array<i32>} : memref<80xi32, #tpu.memory_space<vmem>>, vector<16xi32>,
    %swap3A_6 = vector.shape_cast %swap3A_5 : vector<16xi32> to vector<16xi32>
    %swap3A_7 = vector.shape_cast %get3A_4 : vector<16xi32> to vector<16xi32>
    tpu.vector_store %arg6[%swap3A], %swap3A_7 {strides = array<i32>} : memref<80xi32, #tpu.memory_space<vmem>>, vector<16xi32>,
    %get3A_8 = arith.constant 16 : index
    %get3A_9 = tpu.vector_load %arg5[%get3A_8] {strides = array<i32>} : memref<160xi32, #tpu.memory_space<vmem>>, vector<16xi32>,
    %get3A_10 = vector.shape_cast %get3A_9 : vector<16xi32> to vector<16xi32>
    %swap3A_11 = arith.constant 16 : index
    %swap3A_12 = tpu.vector_load %arg6[%swap3A_11] {strides = array<i32>} : memref<80xi32, #tpu.memory_space<vmem>>, vector<16xi32>,
    %swap3A_13 = vector.shape_cast %swap3A_12 : vector<16xi32> to vector<16xi32>
    %swap3A_14 = vector.shape_cast %get3A_10 : vector<16xi32> to vector<16xi32>
    tpu.vector_store %arg6[%swap3A_11], %swap3A_14 {strides = array<i32>} : memref<80xi32, #tpu.memory_space<vmem>>, vector<16xi32>,
    %get3A_15 = arith.constant 32 : index
    %get3A_16 = tpu.vector_load %arg5[%get3A_15] {strides = array<i32>} : memref<160xi32, #tpu.memory_space<vmem>>, vector<16xi32>,
    %get3A_17 = vector.shape_cast %get3A_16 : vector<16xi32> to vector<16xi32>
    %swap3A_18 = arith.constant 32 : index
    %swap3A_19 = tpu.vector_load %arg6[%swap3A_18] {strides = array<i32>} : memref<80xi32, #tpu.memory_space<vmem>>, vector<16xi32>,
    %swap3A_20 = vector.shape_cast %swap3A_19 : vector<16xi32> to vector<16xi32>
    %swap3A_21 = vector.shape_cast %get3A_17 : vector<16xi32> to vector<16xi32>
    tpu.vector_store %arg6[%swap3A_18], %swap3A_21 {strides = array<i32>} : memref<80xi32, #tpu.memory_space<vmem>>, vector<16xi32>,
    %get3A_22 = arith.constant 48 : index
    %get3A_23 = tpu.vector_load %arg5[%get3A_22] {strides = array<i32>} : memref<160xi32, #tpu.memory_space<vmem>>, vector<16xi32>,
    %get3A_24 = vector.shape_cast %get3A_23 : vector<16xi32> to vector<16xi32>
    %swap3A_25 = arith.constant 48 : index
    %swap3A_26 = tpu.vector_load %arg6[%swap3A_25] {strides = array<i32>} : memref<80xi32, #tpu.memory_space<vmem>>, vector<16xi32>,
    %swap3A_27 = vector.shape_cast %swap3A_26 : vector<16xi32> to vector<16xi32>
    %swap3A_28 = vector.shape_cast %get3A_24 : vector<16xi32> to vector<16xi32>
    tpu.vector_store %arg6[%swap3A_25], %swap3A_28 {strides = array<i32>} : memref<80xi32, #tpu.memory_space<vmem>>, vector<16xi32>,
    %get3A_29 = arith.constant 64 : index
    %get3A_30 = tpu.vector_load %arg5[%get3A_29] {strides = array<i32>} : memref<160xi32, #tpu.memory_space<vmem>>, vector<16xi32>,
    %get3A_31 = vector.shape_cast %get3A_30 : vector<16xi32> to vector<16xi32>
    %swap3A_32 = arith.constant 64 : index
    %swap3A_33 = tpu.vector_load %arg6[%swap3A_32] {strides = array<i32>} : memref<80xi32, #tpu.memory_space<vmem>>, vector<16xi32>,
    %swap3A_34 = vector.shape_cast %swap3A_33 : vector<16xi32> to vector<16xi32>
    %swap3A_35 = vector.shape_cast %get3A_31 : vector<16xi32> to vector<16xi32>
    tpu.vector_store %arg6[%swap3A_32], %swap3A_35 {strides = array<i32>} : memref<80xi32, #tpu.memory_space<vmem>>, vector<16xi32>,
    %dma_start3A = arith.constant 0 : i32
    %dma_start3A_36 = arith.constant 0 : i32
    %dma_start3A_37 = tpu.memref_slice %arg2[%dma_start3A, %dma_start3A_36] : memref<2048x1024xf32, #tpu.memory_space<hbm>> -> memref<2048x1024xf32, #tpu.memory_space<hbm>>
    tpu.enqueue_indirect_dma source(%dma_start3A_37 : memref<2048x1024xf32, #tpu.memory_space<hbm>>) target(%arg7 : memref<80x1024xf32, #tpu.memory_space<vmem>>) offsets(%arg6 : memref<80xi32, #tpu.memory_space<vmem>>) semaphore(%arg8 : memref<!tpu.dma_semaphore, #tpu.memory_space<semaphore_mem>>)
    %dma_wait3A = arith.constant 0 : i32
    %dma_wait3A_38 = arith.constant 0 : i32
    %dma_wait3A_39 = tpu.memref_slice %arg2[%dma_wait3A, %dma_wait3A_38] : memref<2048x1024xf32, #tpu.memory_space<hbm>> -> memref<2048x1024xf32, #tpu.memory_space<hbm>>
    tpu.wait_indirect_dma semaphore(%arg8 : memref<!tpu.dma_semaphore, #tpu.memory_space<semaphore_mem>>) src(%dma_wait3A_39 : memref<2048x1024xf32, #tpu.memory_space<hbm>>) dst(%arg7 : memref<80x1024xf32, #tpu.memory_space<vmem>>)
    %add3A_40 = arith.constant 0 : i32
    %add3A_41 = arith.addi %mul3A_2, %add3A_40 : i32
    "tpu.region"() ({
      %run_scoped3A = tpu.sem_alloc : memref<!tpu.dma_semaphore, #tpu.memory_space<semaphore_mem>>
      %dma_start3A_85 = arith.constant 0 : i32
      %dma_start3A_86 = tpu.memref_slice %arg4[%add3A_41, %dma_start3A_85] : memref<5120x1024xf32, #tpu.memory_space<hbm>> -> memref<80x1024xf32, #tpu.memory_space<hbm>>
      %dma_start3A_87 = arith.constant 0 : i32
      %dma_start3A_88 = tpu.memref_slice %arg4[%add3A_41, %dma_start3A_87] : memref<5120x1024xf32, #tpu.memory_space<hbm>> -> memref<80x1024xf32, #tpu.memory_space<hbm>>
      tpu.enqueue_dma source(%arg7 : memref<80x1024xf32, #tpu.memory_space<vmem>>) target(%dma_start3A_88 : memref<80x1024xf32, #tpu.memory_space<hbm>>) target_semaphore(%run_scoped3A : memref<!tpu.dma_semaphore, #tpu.memory_space<semaphore_mem>>)
      %dma_wait3A_89 = arith.constant 0 : i32
      %dma_wait3A_90 = tpu.memref_slice %arg4[%add3A_41, %dma_wait3A_89] : memref<5120x1024xf32, #tpu.memory_space<hbm>> -> memref<80x1024xf32, #tpu.memory_space<hbm>>
      %dma_wait3A_91 = arith.constant 0 : i32
      %dma_wait3A_92 = tpu.memref_slice %arg4[%add3A_41, %dma_wait3A_91] : memref<5120x1024xf32, #tpu.memory_space<hbm>> -> memref<80x1024xf32, #tpu.memory_space<hbm>>
      tpu.wait_dma2 semaphore(%run_scoped3A : memref<!tpu.dma_semaphore, #tpu.memory_space<semaphore_mem>>) src(%arg7 : memref<80x1024xf32, #tpu.memory_space<vmem>>) dst(%dma_wait3A_92 : memref<80x1024xf32, #tpu.memory_space<hbm>>)
      tpu.yield
    }) : () -> ()
    %get3A_42 = arith.constant 80 : index
    %get3A_43 = tpu.vector_load %arg5[%get3A_42] {strides = array<i32>} : memref<160xi32, #tpu.memory_space<vmem>>, vector<16xi32>,
    %get3A_44 = vector.shape_cast %get3A_43 : vector<16xi32> to vector<16xi32>
    %swap3A_45 = arith.constant 0 : index
    %swap3A_46 = tpu.vector_load %arg6[%swap3A_45] {strides = array<i32>} : memref<80xi32, #tpu.memory_space<vmem>>, vector<16xi32>,
    %swap3A_47 = vector.shape_cast %swap3A_46 : vector<16xi32> to vector<16xi32>
    %swap3A_48 = vector.shape_cast %get3A_44 : vector<16xi32> to vector<16xi32>
    tpu.vector_store %arg6[%swap3A_45], %swap3A_48 {strides = array<i32>} : memref<80xi32, #tpu.memory_space<vmem>>, vector<16xi32>,
    %get3A_49 = arith.constant 96 : index
    %get3A_50 = tpu.vector_load %arg5[%get3A_49] {strides = array<i32>} : memref<160xi32, #tpu.memory_space<vmem>>, vector<16xi32>,
    %get3A_51 = vector.shape_cast %get3A_50 : vector<16xi32> to vector<16xi32>
    %swap3A_52 = arith.constant 16 : index
    %swap3A_53 = tpu.vector_load %arg6[%swap3A_52] {strides = array<i32>} : memref<80xi32, #tpu.memory_space<vmem>>, vector<16xi32>,
    %swap3A_54 = vector.shape_cast %swap3A_53 : vector<16xi32> to vector<16xi32>
    %swap3A_55 = vector.shape_cast %get3A_51 : vector<16xi32> to vector<16xi32>
    tpu.vector_store %arg6[%swap3A_52], %swap3A_55 {strides = array<i32>} : memref<80xi32, #tpu.memory_space<vmem>>, vector<16xi32>,
    %get3A_56 = arith.constant 112 : index
    %get3A_57 = tpu.vector_load %arg5[%get3A_56] {strides = array<i32>} : memref<160xi32, #tpu.memory_space<vmem>>, vector<16xi32>,
    %get3A_58 = vector.shape_cast %get3A_57 : vector<16xi32> to vector<16xi32>
    %swap3A_59 = arith.constant 32 : index
    %swap3A_60 = tpu.vector_load %arg6[%swap3A_59] {strides = array<i32>} : memref<80xi32, #tpu.memory_space<vmem>>, vector<16xi32>,
    %swap3A_61 = vector.shape_cast %swap3A_60 : vector<16xi32> to vector<16xi32>
    %swap3A_62 = vector.shape_cast %get3A_58 : vector<16xi32> to vector<16xi32>
    tpu.vector_store %arg6[%swap3A_59], %swap3A_62 {strides = array<i32>} : memref<80xi32, #tpu.memory_space<vmem>>, vector<16xi32>,
    %get3A_63 = arith.constant 128 : index
    %get3A_64 = tpu.vector_load %arg5[%get3A_63] {strides = array<i32>} : memref<160xi32, #tpu.memory_space<vmem>>, vector<16xi32>,
    %get3A_65 = vector.shape_cast %get3A_64 : vector<16xi32> to vector<16xi32>
    %swap3A_66 = arith.constant 48 : index
    %swap3A_67 = tpu.vector_load %arg6[%swap3A_66] {strides = array<i32>} : memref<80xi32, #tpu.memory_space<vmem>>, vector<16xi32>,
    %swap3A_68 = vector.shape_cast %swap3A_67 : vector<16xi32> to vector<16xi32>
    %swap3A_69 = vector.shape_cast %get3A_65 : vector<16xi32> to vector<16xi32>
    tpu.vector_store %arg6[%swap3A_66], %swap3A_69 {strides = array<i32>} : memref<80xi32, #tpu.memory_space<vmem>>, vector<16xi32>,
    %get3A_70 = arith.constant 144 : index
    %get3A_71 = tpu.vector_load %arg5[%get3A_70] {strides = array<i32>} : memref<160xi32, #tpu.memory_space<vmem>>, vector<16xi32>,
    %get3A_72 = vector.shape_cast %get3A_71 : vector<16xi32> to vector<16xi32>
    %swap3A_73 = arith.constant 64 : index
    %swap3A_74 = tpu.vector_load %arg6[%swap3A_73] {strides = array<i32>} : memref<80xi32, #tpu.memory_space<vmem>>, vector<16xi32>,
    %swap3A_75 = vector.shape_cast %swap3A_74 : vector<16xi32> to vector<16xi32>
    %swap3A_76 = vector.shape_cast %get3A_72 : vector<16xi32> to vector<16xi32>
    tpu.vector_store %arg6[%swap3A_73], %swap3A_76 {strides = array<i32>} : memref<80xi32, #tpu.memory_space<vmem>>, vector<16xi32>,
    %dma_start3A_77 = arith.constant 0 : i32
    %dma_start3A_78 = arith.constant 0 : i32
    %dma_start3A_79 = tpu.memref_slice %arg2[%dma_start3A_77, %dma_start3A_78] : memref<2048x1024xf32, #tpu.memory_space<hbm>> -> memref<2048x1024xf32, #tpu.memory_space<hbm>>
    tpu.enqueue_indirect_dma source(%dma_start3A_79 : memref<2048x1024xf32, #tpu.memory_space<hbm>>) target(%arg7 : memref<80x1024xf32, #tpu.memory_space<vmem>>) offsets(%arg6 : memref<80xi32, #tpu.memory_space<vmem>>) semaphore(%arg8 : memref<!tpu.dma_semaphore, #tpu.memory_space<semaphore_mem>>)
    %dma_wait3A_80 = arith.constant 0 : i32
    %dma_wait3A_81 = arith.constant 0 : i32
    %dma_wait3A_82 = tpu.memref_slice %arg2[%dma_wait3A_80, %dma_wait3A_81] : memref<2048x1024xf32, #tpu.memory_space<hbm>> -> memref<2048x1024xf32, #tpu.memory_space<hbm>>
    tpu.wait_indirect_dma semaphore(%arg8 : memref<!tpu.dma_semaphore, #tpu.memory_space<semaphore_mem>>) src(%dma_wait3A_82 : memref<2048x1024xf32, #tpu.memory_space<hbm>>) dst(%arg7 : memref<80x1024xf32, #tpu.memory_space<vmem>>)
    %add3A_83 = arith.constant 80 : i32
    %add3A_84 = arith.addi %mul3A_2, %add3A_83 : i32
    "tpu.region"() ({
      %run_scoped3A = tpu.sem_alloc : memref<!tpu.dma_semaphore, #tpu.memory_space<semaphore_mem>>
      %dma_start3A_85 = arith.constant 0 : i32
      %dma_start3A_86 = tpu.memref_slice %arg4[%add3A_84, %dma_start3A_85] : memref<5120x1024xf32, #tpu.memory_space<hbm>> -> memref<80x1024xf32, #tpu.memory_space<hbm>>
      %dma_start3A_87 = arith.constant 0 : i32
      %dma_start3A_88 = tpu.memref_slice %arg4[%add3A_84, %dma_start3A_87] : memref<5120x1024xf32, #tpu.memory_space<hbm>> -> memref<80x1024xf32, #tpu.memory_space<hbm>>
      tpu.enqueue_dma source(%arg7 : memref<80x1024xf32, #tpu.memory_space<vmem>>) target(%dma_start3A_88 : memref<80x1024xf32, #tpu.memory_space<hbm>>) target_semaphore(%run_scoped3A : memref<!tpu.dma_semaphore, #tpu.memory_space<semaphore_mem>>)
      %dma_wait3A_89 = arith.constant 0 : i32
      %dma_wait3A_90 = tpu.memref_slice %arg4[%add3A_84, %dma_wait3A_89] : memref<5120x1024xf32, #tpu.memory_space<hbm>> -> memref<80x1024xf32, #tpu.memory_space<hbm>>
      %dma_wait3A_91 = arith.constant 0 : i32
      %dma_wait3A_92 = tpu.memref_slice %arg4[%add3A_84, %dma_wait3A_91] : memref<5120x1024xf32, #tpu.memory_space<hbm>> -> memref<80x1024xf32, #tpu.memory_space<hbm>>
      tpu.wait_dma2 semaphore(%run_scoped3A : memref<!tpu.dma_semaphore, #tpu.memory_space<semaphore_mem>>) src(%arg7 : memref<80x1024xf32, #tpu.memory_space<vmem>>) dst(%dma_wait3A_92 : memref<80x1024xf32, #tpu.memory_space<hbm>>)
      tpu.yield
    }) : () -> ()
    return
  }
}

#map = affine_map<(d0, d1) -> (0, 0)>
#map1 = affine_map<(d0, d1) -> (0)>
module attributes {stable_mosaic.version = 14 : i64} {
  func.func @_gather2_body(%arg0: i32, %arg1: i32, %arg2: memref<5120x1024xf32, #tpu.memory_space<hbm>>, %arg3: memref<5120xi32, #tpu.memory_space<hbm>>, %arg4: memref<5120xi32, #tpu.memory_space<hbm>>, %arg5: memref<5120x1024xf32, #tpu.memory_space<hbm>>, %arg6: memref<160xi32, #tpu.memory_space<vmem>>, %arg7: memref<160xi32, #tpu.memory_space<vmem>>, %arg8: memref<80xi32, #tpu.memory_space<vmem>>, %arg9: memref<80xi32, #tpu.memory_space<vmem>>, %arg10: memref<80x1024xf32, #tpu.memory_space<vmem>>, %arg11: memref<!tpu.dma_semaphore, #tpu.memory_space<semaphore_mem>>) attributes {dimension_semantics = [#tpu.dimension_semantics<core_parallel>, #tpu.dimension_semantics<subcore_parallel>], iteration_bounds = array<i64: 2, 16>, scalar_prefetch = 0 : i64, scratch_operands = 6 : i64, tpu.core_type = #tpu.core_type<sc_vector_subcore>, window_params = [{transform_indices = #map}, {transform_indices = #map1}, {transform_indices = #map1}, {transform_indices = #map}]} {
    %mul3A = arith.constant 2 : i32
    %mul3A_0 = arith.muli %arg1, %mul3A : i32
    %add3A = arith.addi %mul3A_0, %arg0 : i32
    %mul3A_1 = arith.constant 160 : i32
    %mul3A_2 = arith.muli %add3A, %mul3A_1 : i32
    "tpu.region"() ({
      %run_scoped3A = tpu.sem_alloc : memref<!tpu.dma_semaphore, #tpu.memory_space<semaphore_mem>>
      %dma_start3A_167 = tpu.memref_slice %arg3[%mul3A_2] : memref<5120xi32, #tpu.memory_space<hbm>> -> memref<160xi32, #tpu.memory_space<hbm>>
      %dma_start3A_168 = tpu.memref_slice %arg3[%mul3A_2] : memref<5120xi32, #tpu.memory_space<hbm>> -> memref<160xi32, #tpu.memory_space<hbm>>
      tpu.enqueue_dma source(%dma_start3A_168 : memref<160xi32, #tpu.memory_space<hbm>>) target(%arg6 : memref<160xi32, #tpu.memory_space<vmem>>) target_semaphore(%run_scoped3A : memref<!tpu.dma_semaphore, #tpu.memory_space<semaphore_mem>>)
      %dma_wait3A_169 = tpu.memref_slice %arg3[%mul3A_2] : memref<5120xi32, #tpu.memory_space<hbm>> -> memref<160xi32, #tpu.memory_space<hbm>>
      %dma_wait3A_170 = tpu.memref_slice %arg3[%mul3A_2] : memref<5120xi32, #tpu.memory_space<hbm>> -> memref<160xi32, #tpu.memory_space<hbm>>
      tpu.wait_dma2 semaphore(%run_scoped3A : memref<!tpu.dma_semaphore, #tpu.memory_space<semaphore_mem>>) src(%dma_wait3A_170 : memref<160xi32, #tpu.memory_space<hbm>>) dst(%arg6 : memref<160xi32, #tpu.memory_space<vmem>>)
      tpu.yield
    }) : () -> ()
    "tpu.region"() ({
      %run_scoped3A = tpu.sem_alloc : memref<!tpu.dma_semaphore, #tpu.memory_space<semaphore_mem>>
      %dma_start3A_167 = tpu.memref_slice %arg4[%mul3A_2] : memref<5120xi32, #tpu.memory_space<hbm>> -> memref<160xi32, #tpu.memory_space<hbm>>
      %dma_start3A_168 = tpu.memref_slice %arg4[%mul3A_2] : memref<5120xi32, #tpu.memory_space<hbm>> -> memref<160xi32, #tpu.memory_space<hbm>>
      tpu.enqueue_dma source(%dma_start3A_168 : memref<160xi32, #tpu.memory_space<hbm>>) target(%arg7 : memref<160xi32, #tpu.memory_space<vmem>>) target_semaphore(%run_scoped3A : memref<!tpu.dma_semaphore, #tpu.memory_space<semaphore_mem>>)
      %dma_wait3A_169 = tpu.memref_slice %arg4[%mul3A_2] : memref<5120xi32, #tpu.memory_space<hbm>> -> memref<160xi32, #tpu.memory_space<hbm>>
      %dma_wait3A_170 = tpu.memref_slice %arg4[%mul3A_2] : memref<5120xi32, #tpu.memory_space<hbm>> -> memref<160xi32, #tpu.memory_space<hbm>>
      tpu.wait_dma2 semaphore(%run_scoped3A : memref<!tpu.dma_semaphore, #tpu.memory_space<semaphore_mem>>) src(%dma_wait3A_170 : memref<160xi32, #tpu.memory_space<hbm>>) dst(%arg7 : memref<160xi32, #tpu.memory_space<vmem>>)
      tpu.yield
    }) : () -> ()
    %get3A = arith.constant 0 : index
    %get3A_3 = tpu.vector_load %arg6[%get3A] {strides = array<i32>} : memref<160xi32, #tpu.memory_space<vmem>>, vector<16xi32>,
    %get3A_4 = vector.shape_cast %get3A_3 : vector<16xi32> to vector<16xi32>
    %swap3A = arith.constant 0 : index
    %swap3A_5 = tpu.vector_load %arg8[%swap3A] {strides = array<i32>} : memref<80xi32, #tpu.memory_space<vmem>>, vector<16xi32>,
    %swap3A_6 = vector.shape_cast %swap3A_5 : vector<16xi32> to vector<16xi32>
    %swap3A_7 = vector.shape_cast %get3A_4 : vector<16xi32> to vector<16xi32>
    tpu.vector_store %arg8[%swap3A], %swap3A_7 {strides = array<i32>} : memref<80xi32, #tpu.memory_space<vmem>>, vector<16xi32>,
    %get3A_8 = arith.constant 0 : index
    %get3A_9 = tpu.vector_load %arg7[%get3A_8] {strides = array<i32>} : memref<160xi32, #tpu.memory_space<vmem>>, vector<16xi32>,
    %get3A_10 = vector.shape_cast %get3A_9 : vector<16xi32> to vector<16xi32>
    %swap3A_11 = arith.constant 0 : index
    %swap3A_12 = tpu.vector_load %arg9[%swap3A_11] {strides = array<i32>} : memref<80xi32, #tpu.memory_space<vmem>>, vector<16xi32>,
    %swap3A_13 = vector.shape_cast %swap3A_12 : vector<16xi32> to vector<16xi32>
    %swap3A_14 = vector.shape_cast %get3A_10 : vector<16xi32> to vector<16xi32>
    tpu.vector_store %arg9[%swap3A_11], %swap3A_14 {strides = array<i32>} : memref<80xi32, #tpu.memory_space<vmem>>, vector<16xi32>,
    %get3A_15 = arith.constant 16 : index
    %get3A_16 = tpu.vector_load %arg6[%get3A_15] {strides = array<i32>} : memref<160xi32, #tpu.memory_space<vmem>>, vector<16xi32>,
    %get3A_17 = vector.shape_cast %get3A_16 : vector<16xi32> to vector<16xi32>
    %swap3A_18 = arith.constant 16 : index
    %swap3A_19 = tpu.vector_load %arg8[%swap3A_18] {strides = array<i32>} : memref<80xi32, #tpu.memory_space<vmem>>, vector<16xi32>,
    %swap3A_20 = vector.shape_cast %swap3A_19 : vector<16xi32> to vector<16xi32>
    %swap3A_21 = vector.shape_cast %get3A_17 : vector<16xi32> to vector<16xi32>
    tpu.vector_store %arg8[%swap3A_18], %swap3A_21 {strides = array<i32>} : memref<80xi32, #tpu.memory_space<vmem>>, vector<16xi32>,
    %get3A_22 = arith.constant 16 : index
    %get3A_23 = tpu.vector_load %arg7[%get3A_22] {strides = array<i32>} : memref<160xi32, #tpu.memory_space<vmem>>, vector<16xi32>,
    %get3A_24 = vector.shape_cast %get3A_23 : vector<16xi32> to vector<16xi32>
    %swap3A_25 = arith.constant 16 : index
    %swap3A_26 = tpu.vector_load %arg9[%swap3A_25] {strides = array<i32>} : memref<80xi32, #tpu.memory_space<vmem>>, vector<16xi32>,
    %swap3A_27 = vector.shape_cast %swap3A_26 : vector<16xi32> to vector<16xi32>
    %swap3A_28 = vector.shape_cast %get3A_24 : vector<16xi32> to vector<16xi32>
    tpu.vector_store %arg9[%swap3A_25], %swap3A_28 {strides = array<i32>} : memref<80xi32, #tpu.memory_space<vmem>>, vector<16xi32>,
    %get3A_29 = arith.constant 32 : index
    %get3A_30 = tpu.vector_load %arg6[%get3A_29] {strides = array<i32>} : memref<160xi32, #tpu.memory_space<vmem>>, vector<16xi32>,
    %get3A_31 = vector.shape_cast %get3A_30 : vector<16xi32> to vector<16xi32>
    %swap3A_32 = arith.constant 32 : index
    %swap3A_33 = tpu.vector_load %arg8[%swap3A_32] {strides = array<i32>} : memref<80xi32, #tpu.memory_space<vmem>>, vector<16xi32>,
    %swap3A_34 = vector.shape_cast %swap3A_33 : vector<16xi32> to vector<16xi32>
    %swap3A_35 = vector.shape_cast %get3A_31 : vector<16xi32> to vector<16xi32>
    tpu.vector_store %arg8[%swap3A_32], %swap3A_35 {strides = array<i32>} : memref<80xi32, #tpu.memory_space<vmem>>, vector<16xi32>,
    %get3A_36 = arith.constant 32 : index
    %get3A_37 = tpu.vector_load %arg7[%get3A_36] {strides = array<i32>} : memref<160xi32, #tpu.memory_space<vmem>>, vector<16xi32>,
    %get3A_38 = vector.shape_cast %get3A_37 : vector<16xi32> to vector<16xi32>
    %swap3A_39 = arith.constant 32 : index
    %swap3A_40 = tpu.vector_load %arg9[%swap3A_39] {strides = array<i32>} : memref<80xi32, #tpu.memory_space<vmem>>, vector<16xi32>,
    %swap3A_41 = vector.shape_cast %swap3A_40 : vector<16xi32> to vector<16xi32>
    %swap3A_42 = vector.shape_cast %get3A_38 : vector<16xi32> to vector<16xi32>
    tpu.vector_store %arg9[%swap3A_39], %swap3A_42 {strides = array<i32>} : memref<80xi32, #tpu.memory_space<vmem>>, vector<16xi32>,
    %get3A_43 = arith.constant 48 : index
    %get3A_44 = tpu.vector_load %arg6[%get3A_43] {strides = array<i32>} : memref<160xi32, #tpu.memory_space<vmem>>, vector<16xi32>,
    %get3A_45 = vector.shape_cast %get3A_44 : vector<16xi32> to vector<16xi32>
    %swap3A_46 = arith.constant 48 : index
    %swap3A_47 = tpu.vector_load %arg8[%swap3A_46] {strides = array<i32>} : memref<80xi32, #tpu.memory_space<vmem>>, vector<16xi32>,
    %swap3A_48 = vector.shape_cast %swap3A_47 : vector<16xi32> to vector<16xi32>
    %swap3A_49 = vector.shape_cast %get3A_45 : vector<16xi32> to vector<16xi32>
    tpu.vector_store %arg8[%swap3A_46], %swap3A_49 {strides = array<i32>} : memref<80xi32, #tpu.memory_space<vmem>>, vector<16xi32>,
    %get3A_50 = arith.constant 48 : index
    %get3A_51 = tpu.vector_load %arg7[%get3A_50] {strides = array<i32>} : memref<160xi32, #tpu.memory_space<vmem>>, vector<16xi32>,
    %get3A_52 = vector.shape_cast %get3A_51 : vector<16xi32> to vector<16xi32>
    %swap3A_53 = arith.constant 48 : index
    %swap3A_54 = tpu.vector_load %arg9[%swap3A_53] {strides = array<i32>} : memref<80xi32, #tpu.memory_space<vmem>>, vector<16xi32>,
    %swap3A_55 = vector.shape_cast %swap3A_54 : vector<16xi32> to vector<16xi32>
    %swap3A_56 = vector.shape_cast %get3A_52 : vector<16xi32> to vector<16xi32>
    tpu.vector_store %arg9[%swap3A_53], %swap3A_56 {strides = array<i32>} : memref<80xi32, #tpu.memory_space<vmem>>, vector<16xi32>,
    %get3A_57 = arith.constant 64 : index
    %get3A_58 = tpu.vector_load %arg6[%get3A_57] {strides = array<i32>} : memref<160xi32, #tpu.memory_space<vmem>>, vector<16xi32>,
    %get3A_59 = vector.shape_cast %get3A_58 : vector<16xi32> to vector<16xi32>
    %swap3A_60 = arith.constant 64 : index
    %swap3A_61 = tpu.vector_load %arg8[%swap3A_60] {strides = array<i32>} : memref<80xi32, #tpu.memory_space<vmem>>, vector<16xi32>,
    %swap3A_62 = vector.shape_cast %swap3A_61 : vector<16xi32> to vector<16xi32>
    %swap3A_63 = vector.shape_cast %get3A_59 : vector<16xi32> to vector<16xi32>
    tpu.vector_store %arg8[%swap3A_60], %swap3A_63 {strides = array<i32>} : memref<80xi32, #tpu.memory_space<vmem>>, vector<16xi32>,
    %get3A_64 = arith.constant 64 : index
    %get3A_65 = tpu.vector_load %arg7[%get3A_64] {strides = array<i32>} : memref<160xi32, #tpu.memory_space<vmem>>, vector<16xi32>,
    %get3A_66 = vector.shape_cast %get3A_65 : vector<16xi32> to vector<16xi32>
    %swap3A_67 = arith.constant 64 : index
    %swap3A_68 = tpu.vector_load %arg9[%swap3A_67] {strides = array<i32>} : memref<80xi32, #tpu.memory_space<vmem>>, vector<16xi32>,
    %swap3A_69 = vector.shape_cast %swap3A_68 : vector<16xi32> to vector<16xi32>
    %swap3A_70 = vector.shape_cast %get3A_66 : vector<16xi32> to vector<16xi32>
    tpu.vector_store %arg9[%swap3A_67], %swap3A_70 {strides = array<i32>} : memref<80xi32, #tpu.memory_space<vmem>>, vector<16xi32>,
    %dma_start3A = arith.constant 0 : i32
    %dma_start3A_71 = arith.constant 0 : i32
    %dma_start3A_72 = tpu.memref_slice %arg2[%dma_start3A, %dma_start3A_71] : memref<5120x1024xf32, #tpu.memory_space<hbm>> -> memref<5120x1024xf32, #tpu.memory_space<hbm>>
    tpu.enqueue_indirect_dma source(%dma_start3A_72 : memref<5120x1024xf32, #tpu.memory_space<hbm>>) target(%arg10 : memref<80x1024xf32, #tpu.memory_space<vmem>>) offsets(%arg8 : memref<80xi32, #tpu.memory_space<vmem>>) semaphore(%arg11 : memref<!tpu.dma_semaphore, #tpu.memory_space<semaphore_mem>>)
    %dma_wait3A = arith.constant 0 : i32
    %dma_wait3A_73 = arith.constant 0 : i32
    %dma_wait3A_74 = tpu.memref_slice %arg2[%dma_wait3A, %dma_wait3A_73] : memref<5120x1024xf32, #tpu.memory_space<hbm>> -> memref<5120x1024xf32, #tpu.memory_space<hbm>>
    tpu.wait_indirect_dma semaphore(%arg11 : memref<!tpu.dma_semaphore, #tpu.memory_space<semaphore_mem>>) src(%dma_wait3A_74 : memref<5120x1024xf32, #tpu.memory_space<hbm>>) dst(%arg10 : memref<80x1024xf32, #tpu.memory_space<vmem>>)
    %dma_start3A_75 = arith.constant 0 : i32
    %dma_start3A_76 = arith.constant 0 : i32
    %dma_start3A_77 = tpu.memref_slice %arg2[%dma_start3A_75, %dma_start3A_76] : memref<5120x1024xf32, #tpu.memory_space<hbm>> -> memref<5120x1024xf32, #tpu.memory_space<hbm>>
    tpu.enqueue_indirect_dma source(%dma_start3A_77 : memref<5120x1024xf32, #tpu.memory_space<hbm>>) target(%arg10 : memref<80x1024xf32, #tpu.memory_space<vmem>>) offsets(%arg9 : memref<80xi32, #tpu.memory_space<vmem>>) semaphore(%arg11 : memref<!tpu.dma_semaphore, #tpu.memory_space<semaphore_mem>>) {add = true}
    %dma_wait3A_78 = arith.constant 0 : i32
    %dma_wait3A_79 = arith.constant 0 : i32
    %dma_wait3A_80 = tpu.memref_slice %arg2[%dma_wait3A_78, %dma_wait3A_79] : memref<5120x1024xf32, #tpu.memory_space<hbm>> -> memref<5120x1024xf32, #tpu.memory_space<hbm>>
    tpu.wait_indirect_dma semaphore(%arg11 : memref<!tpu.dma_semaphore, #tpu.memory_space<semaphore_mem>>) src(%dma_wait3A_80 : memref<5120x1024xf32, #tpu.memory_space<hbm>>) dst(%arg10 : memref<80x1024xf32, #tpu.memory_space<vmem>>)
    %add3A_81 = arith.constant 0 : i32
    %add3A_82 = arith.addi %mul3A_2, %add3A_81 : i32
    "tpu.region"() ({
      %run_scoped3A = tpu.sem_alloc : memref<!tpu.dma_semaphore, #tpu.memory_space<semaphore_mem>>
      %dma_start3A_167 = arith.constant 0 : i32
      %dma_start3A_168 = tpu.memref_slice %arg5[%add3A_82, %dma_start3A_167] : memref<5120x1024xf32, #tpu.memory_space<hbm>> -> memref<80x1024xf32, #tpu.memory_space<hbm>>
      %dma_start3A_169 = arith.constant 0 : i32
      %dma_start3A_170 = tpu.memref_slice %arg5[%add3A_82, %dma_start3A_169] : memref<5120x1024xf32, #tpu.memory_space<hbm>> -> memref<80x1024xf32, #tpu.memory_space<hbm>>
      tpu.enqueue_dma source(%arg10 : memref<80x1024xf32, #tpu.memory_space<vmem>>) target(%dma_start3A_170 : memref<80x1024xf32, #tpu.memory_space<hbm>>) target_semaphore(%run_scoped3A : memref<!tpu.dma_semaphore, #tpu.memory_space<semaphore_mem>>)
      %dma_wait3A_171 = arith.constant 0 : i32
      %dma_wait3A_172 = tpu.memref_slice %arg5[%add3A_82, %dma_wait3A_171] : memref<5120x1024xf32, #tpu.memory_space<hbm>> -> memref<80x1024xf32, #tpu.memory_space<hbm>>
      %dma_wait3A_173 = arith.constant 0 : i32
      %dma_wait3A_174 = tpu.memref_slice %arg5[%add3A_82, %dma_wait3A_173] : memref<5120x1024xf32, #tpu.memory_space<hbm>> -> memref<80x1024xf32, #tpu.memory_space<hbm>>
      tpu.wait_dma2 semaphore(%run_scoped3A : memref<!tpu.dma_semaphore, #tpu.memory_space<semaphore_mem>>) src(%arg10 : memref<80x1024xf32, #tpu.memory_space<vmem>>) dst(%dma_wait3A_174 : memref<80x1024xf32, #tpu.memory_space<hbm>>)
      tpu.yield
    }) : () -> ()
    %get3A_83 = arith.constant 80 : index
    %get3A_84 = tpu.vector_load %arg6[%get3A_83] {strides = array<i32>} : memref<160xi32, #tpu.memory_space<vmem>>, vector<16xi32>,
    %get3A_85 = vector.shape_cast %get3A_84 : vector<16xi32> to vector<16xi32>
    %swap3A_86 = arith.constant 0 : index
    %swap3A_87 = tpu.vector_load %arg8[%swap3A_86] {strides = array<i32>} : memref<80xi32, #tpu.memory_space<vmem>>, vector<16xi32>,
    %swap3A_88 = vector.shape_cast %swap3A_87 : vector<16xi32> to vector<16xi32>
    %swap3A_89 = vector.shape_cast %get3A_85 : vector<16xi32> to vector<16xi32>
    tpu.vector_store %arg8[%swap3A_86], %swap3A_89 {strides = array<i32>} : memref<80xi32, #tpu.memory_space<vmem>>, vector<16xi32>,
    %get3A_90 = arith.constant 80 : index
    %get3A_91 = tpu.vector_load %arg7[%get3A_90] {strides = array<i32>} : memref<160xi32, #tpu.memory_space<vmem>>, vector<16xi32>,
    %get3A_92 = vector.shape_cast %get3A_91 : vector<16xi32> to vector<16xi32>
    %swap3A_93 = arith.constant 0 : index
    %swap3A_94 = tpu.vector_load %arg9[%swap3A_93] {strides = array<i32>} : memref<80xi32, #tpu.memory_space<vmem>>, vector<16xi32>,
    %swap3A_95 = vector.shape_cast %swap3A_94 : vector<16xi32> to vector<16xi32>
    %swap3A_96 = vector.shape_cast %get3A_92 : vector<16xi32> to vector<16xi32>
    tpu.vector_store %arg9[%swap3A_93], %swap3A_96 {strides = array<i32>} : memref<80xi32, #tpu.memory_space<vmem>>, vector<16xi32>,
    %get3A_97 = arith.constant 96 : index
    %get3A_98 = tpu.vector_load %arg6[%get3A_97] {strides = array<i32>} : memref<160xi32, #tpu.memory_space<vmem>>, vector<16xi32>,
    %get3A_99 = vector.shape_cast %get3A_98 : vector<16xi32> to vector<16xi32>
    %swap3A_100 = arith.constant 16 : index
    %swap3A_101 = tpu.vector_load %arg8[%swap3A_100] {strides = array<i32>} : memref<80xi32, #tpu.memory_space<vmem>>, vector<16xi32>,
    %swap3A_102 = vector.shape_cast %swap3A_101 : vector<16xi32> to vector<16xi32>
    %swap3A_103 = vector.shape_cast %get3A_99 : vector<16xi32> to vector<16xi32>
    tpu.vector_store %arg8[%swap3A_100], %swap3A_103 {strides = array<i32>} : memref<80xi32, #tpu.memory_space<vmem>>, vector<16xi32>,
    %get3A_104 = arith.constant 96 : index
    %get3A_105 = tpu.vector_load %arg7[%get3A_104] {strides = array<i32>} : memref<160xi32, #tpu.memory_space<vmem>>, vector<16xi32>,
    %get3A_106 = vector.shape_cast %get3A_105 : vector<16xi32> to vector<16xi32>
    %swap3A_107 = arith.constant 16 : index
    %swap3A_108 = tpu.vector_load %arg9[%swap3A_107] {strides = array<i32>} : memref<80xi32, #tpu.memory_space<vmem>>, vector<16xi32>,
    %swap3A_109 = vector.shape_cast %swap3A_108 : vector<16xi32> to vector<16xi32>
    %swap3A_110 = vector.shape_cast %get3A_106 : vector<16xi32> to vector<16xi32>
    tpu.vector_store %arg9[%swap3A_107], %swap3A_110 {strides = array<i32>} : memref<80xi32, #tpu.memory_space<vmem>>, vector<16xi32>,
    %get3A_111 = arith.constant 112 : index
    %get3A_112 = tpu.vector_load %arg6[%get3A_111] {strides = array<i32>} : memref<160xi32, #tpu.memory_space<vmem>>, vector<16xi32>,
    %get3A_113 = vector.shape_cast %get3A_112 : vector<16xi32> to vector<16xi32>
    %swap3A_114 = arith.constant 32 : index
    %swap3A_115 = tpu.vector_load %arg8[%swap3A_114] {strides = array<i32>} : memref<80xi32, #tpu.memory_space<vmem>>, vector<16xi32>,
    %swap3A_116 = vector.shape_cast %swap3A_115 : vector<16xi32> to vector<16xi32>
    %swap3A_117 = vector.shape_cast %get3A_113 : vector<16xi32> to vector<16xi32>
    tpu.vector_store %arg8[%swap3A_114], %swap3A_117 {strides = array<i32>} : memref<80xi32, #tpu.memory_space<vmem>>, vector<16xi32>,
    %get3A_118 = arith.constant 112 : index
    %get3A_119 = tpu.vector_load %arg7[%get3A_118] {strides = array<i32>} : memref<160xi32, #tpu.memory_space<vmem>>, vector<16xi32>,
    %get3A_120 = vector.shape_cast %get3A_119 : vector<16xi32> to vector<16xi32>
    %swap3A_121 = arith.constant 32 : index
    %swap3A_122 = tpu.vector_load %arg9[%swap3A_121] {strides = array<i32>} : memref<80xi32, #tpu.memory_space<vmem>>, vector<16xi32>,
    %swap3A_123 = vector.shape_cast %swap3A_122 : vector<16xi32> to vector<16xi32>
    %swap3A_124 = vector.shape_cast %get3A_120 : vector<16xi32> to vector<16xi32>
    tpu.vector_store %arg9[%swap3A_121], %swap3A_124 {strides = array<i32>} : memref<80xi32, #tpu.memory_space<vmem>>, vector<16xi32>,
    %get3A_125 = arith.constant 128 : index
    %get3A_126 = tpu.vector_load %arg6[%get3A_125] {strides = array<i32>} : memref<160xi32, #tpu.memory_space<vmem>>, vector<16xi32>,
    %get3A_127 = vector.shape_cast %get3A_126 : vector<16xi32> to vector<16xi32>
    %swap3A_128 = arith.constant 48 : index
    %swap3A_129 = tpu.vector_load %arg8[%swap3A_128] {strides = array<i32>} : memref<80xi32, #tpu.memory_space<vmem>>, vector<16xi32>,
    %swap3A_130 = vector.shape_cast %swap3A_129 : vector<16xi32> to vector<16xi32>
    %swap3A_131 = vector.shape_cast %get3A_127 : vector<16xi32> to vector<16xi32>
    tpu.vector_store %arg8[%swap3A_128], %swap3A_131 {strides = array<i32>} : memref<80xi32, #tpu.memory_space<vmem>>, vector<16xi32>,
    %get3A_132 = arith.constant 128 : index
    %get3A_133 = tpu.vector_load %arg7[%get3A_132] {strides = array<i32>} : memref<160xi32, #tpu.memory_space<vmem>>, vector<16xi32>,
    %get3A_134 = vector.shape_cast %get3A_133 : vector<16xi32> to vector<16xi32>
    %swap3A_135 = arith.constant 48 : index
    %swap3A_136 = tpu.vector_load %arg9[%swap3A_135] {strides = array<i32>} : memref<80xi32, #tpu.memory_space<vmem>>, vector<16xi32>,
    %swap3A_137 = vector.shape_cast %swap3A_136 : vector<16xi32> to vector<16xi32>
    %swap3A_138 = vector.shape_cast %get3A_134 : vector<16xi32> to vector<16xi32>
    tpu.vector_store %arg9[%swap3A_135], %swap3A_138 {strides = array<i32>} : memref<80xi32, #tpu.memory_space<vmem>>, vector<16xi32>,
    %get3A_139 = arith.constant 144 : index
    %get3A_140 = tpu.vector_load %arg6[%get3A_139] {strides = array<i32>} : memref<160xi32, #tpu.memory_space<vmem>>, vector<16xi32>,
    %get3A_141 = vector.shape_cast %get3A_140 : vector<16xi32> to vector<16xi32>
    %swap3A_142 = arith.constant 64 : index
    %swap3A_143 = tpu.vector_load %arg8[%swap3A_142] {strides = array<i32>} : memref<80xi32, #tpu.memory_space<vmem>>, vector<16xi32>,
    %swap3A_144 = vector.shape_cast %swap3A_143 : vector<16xi32> to vector<16xi32>
    %swap3A_145 = vector.shape_cast %get3A_141 : vector<16xi32> to vector<16xi32>
    tpu.vector_store %arg8[%swap3A_142], %swap3A_145 {strides = array<i32>} : memref<80xi32, #tpu.memory_space<vmem>>, vector<16xi32>,
    %get3A_146 = arith.constant 144 : index
    %get3A_147 = tpu.vector_load %arg7[%get3A_146] {strides = array<i32>} : memref<160xi32, #tpu.memory_space<vmem>>, vector<16xi32>,
    %get3A_148 = vector.shape_cast %get3A_147 : vector<16xi32> to vector<16xi32>
    %swap3A_149 = arith.constant 64 : index
    %swap3A_150 = tpu.vector_load %arg9[%swap3A_149] {strides = array<i32>} : memref<80xi32, #tpu.memory_space<vmem>>, vector<16xi32>,
    %swap3A_151 = vector.shape_cast %swap3A_150 : vector<16xi32> to vector<16xi32>
    %swap3A_152 = vector.shape_cast %get3A_148 : vector<16xi32> to vector<16xi32>
    tpu.vector_store %arg9[%swap3A_149], %swap3A_152 {strides = array<i32>} : memref<80xi32, #tpu.memory_space<vmem>>, vector<16xi32>,
    %dma_start3A_153 = arith.constant 0 : i32
    %dma_start3A_154 = arith.constant 0 : i32
    %dma_start3A_155 = tpu.memref_slice %arg2[%dma_start3A_153, %dma_start3A_154] : memref<5120x1024xf32, #tpu.memory_space<hbm>> -> memref<5120x1024xf32, #tpu.memory_space<hbm>>
    tpu.enqueue_indirect_dma source(%dma_start3A_155 : memref<5120x1024xf32, #tpu.memory_space<hbm>>) target(%arg10 : memref<80x1024xf32, #tpu.memory_space<vmem>>) offsets(%arg8 : memref<80xi32, #tpu.memory_space<vmem>>) semaphore(%arg11 : memref<!tpu.dma_semaphore, #tpu.memory_space<semaphore_mem>>)
    %dma_wait3A_156 = arith.constant 0 : i32
    %dma_wait3A_157 = arith.constant 0 : i32
    %dma_wait3A_158 = tpu.memref_slice %arg2[%dma_wait3A_156, %dma_wait3A_157] : memref<5120x1024xf32, #tpu.memory_space<hbm>> -> memref<5120x1024xf32, #tpu.memory_space<hbm>>
    tpu.wait_indirect_dma semaphore(%arg11 : memref<!tpu.dma_semaphore, #tpu.memory_space<semaphore_mem>>) src(%dma_wait3A_158 : memref<5120x1024xf32, #tpu.memory_space<hbm>>) dst(%arg10 : memref<80x1024xf32, #tpu.memory_space<vmem>>)
    %dma_start3A_159 = arith.constant 0 : i32
    %dma_start3A_160 = arith.constant 0 : i32
    %dma_start3A_161 = tpu.memref_slice %arg2[%dma_start3A_159, %dma_start3A_160] : memref<5120x1024xf32, #tpu.memory_space<hbm>> -> memref<5120x1024xf32, #tpu.memory_space<hbm>>
    tpu.enqueue_indirect_dma source(%dma_start3A_161 : memref<5120x1024xf32, #tpu.memory_space<hbm>>) target(%arg10 : memref<80x1024xf32, #tpu.memory_space<vmem>>) offsets(%arg9 : memref<80xi32, #tpu.memory_space<vmem>>) semaphore(%arg11 : memref<!tpu.dma_semaphore, #tpu.memory_space<semaphore_mem>>) {add = true}
    %dma_wait3A_162 = arith.constant 0 : i32
    %dma_wait3A_163 = arith.constant 0 : i32
    %dma_wait3A_164 = tpu.memref_slice %arg2[%dma_wait3A_162, %dma_wait3A_163] : memref<5120x1024xf32, #tpu.memory_space<hbm>> -> memref<5120x1024xf32, #tpu.memory_space<hbm>>
    tpu.wait_indirect_dma semaphore(%arg11 : memref<!tpu.dma_semaphore, #tpu.memory_space<semaphore_mem>>) src(%dma_wait3A_164 : memref<5120x1024xf32, #tpu.memory_space<hbm>>) dst(%arg10 : memref<80x1024xf32, #tpu.memory_space<vmem>>)
    %add3A_165 = arith.constant 80 : i32
    %add3A_166 = arith.addi %mul3A_2, %add3A_165 : i32
    "tpu.region"() ({
      %run_scoped3A = tpu.sem_alloc : memref<!tpu.dma_semaphore, #tpu.memory_space<semaphore_mem>>
      %dma_start3A_167 = arith.constant 0 : i32
      %dma_start3A_168 = tpu.memref_slice %arg5[%add3A_166, %dma_start3A_167] : memref<5120x1024xf32, #tpu.memory_space<hbm>> -> memref<80x1024xf32, #tpu.memory_space<hbm>>
      %dma_start3A_169 = arith.constant 0 : i32
      %dma_start3A_170 = tpu.memref_slice %arg5[%add3A_166, %dma_start3A_169] : memref<5120x1024xf32, #tpu.memory_space<hbm>> -> memref<80x1024xf32, #tpu.memory_space<hbm>>
      tpu.enqueue_dma source(%arg10 : memref<80x1024xf32, #tpu.memory_space<vmem>>) target(%dma_start3A_170 : memref<80x1024xf32, #tpu.memory_space<hbm>>) target_semaphore(%run_scoped3A : memref<!tpu.dma_semaphore, #tpu.memory_space<semaphore_mem>>)
      %dma_wait3A_171 = arith.constant 0 : i32
      %dma_wait3A_172 = tpu.memref_slice %arg5[%add3A_166, %dma_wait3A_171] : memref<5120x1024xf32, #tpu.memory_space<hbm>> -> memref<80x1024xf32, #tpu.memory_space<hbm>>
      %dma_wait3A_173 = arith.constant 0 : i32
      %dma_wait3A_174 = tpu.memref_slice %arg5[%add3A_166, %dma_wait3A_173] : memref<5120x1024xf32, #tpu.memory_space<hbm>> -> memref<80x1024xf32, #tpu.memory_space<hbm>>
      tpu.wait_dma2 semaphore(%run_scoped3A : memref<!tpu.dma_semaphore, #tpu.memory_space<semaphore_mem>>) src(%arg10 : memref<80x1024xf32, #tpu.memory_space<vmem>>) dst(%dma_wait3A_174 : memref<80x1024xf32, #tpu.memory_space<hbm>>)
      tpu.yield
    }) : () -> ()
    return
  }
}

#map = affine_map<(d0, d1) -> (0, 0)>
#map1 = affine_map<(d0, d1) -> (0)>
module attributes {stable_mosaic.version = 14 : i64} {
  func.func @_combine_body(%arg0: i32, %arg1: i32, %arg2: memref<5120x1024xf32, #tpu.memory_space<hbm>>, %arg3: memref<2048xi32, #tpu.memory_space<hbm>>, %arg4: memref<2048xi32, #tpu.memory_space<hbm>>, %arg5: memref<2048x1024xf32, #tpu.memory_space<hbm>>, %arg6: memref<64xi32, #tpu.memory_space<vmem>>, %arg7: memref<64xi32, #tpu.memory_space<vmem>>, %arg8: memref<64x1024xf32, #tpu.memory_space<vmem>>, %arg9: memref<!tpu.dma_semaphore, #tpu.memory_space<semaphore_mem>>) attributes {dimension_semantics = [#tpu.dimension_semantics<core_parallel>, #tpu.dimension_semantics<subcore_parallel>], iteration_bounds = array<i64: 2, 16>, scalar_prefetch = 0 : i64, scratch_operands = 4 : i64, tpu.core_type = #tpu.core_type<sc_vector_subcore>, window_params = [{transform_indices = #map}, {transform_indices = #map1}, {transform_indices = #map1}, {transform_indices = #map}]} {
    %mul3A = arith.constant 2 : i32
    %mul3A_0 = arith.muli %arg1, %mul3A : i32
    %add3A = arith.addi %mul3A_0, %arg0 : i32
    %mul3A_1 = arith.constant 64 : i32
    %mul3A_2 = arith.muli %add3A, %mul3A_1 : i32
    "tpu.region"() ({
      %run_scoped3A = tpu.sem_alloc : memref<!tpu.dma_semaphore, #tpu.memory_space<semaphore_mem>>
      %dma_start3A_13 = tpu.memref_slice %arg3[%mul3A_2] : memref<2048xi32, #tpu.memory_space<hbm>> -> memref<64xi32, #tpu.memory_space<hbm>>
      %dma_start3A_14 = tpu.memref_slice %arg3[%mul3A_2] : memref<2048xi32, #tpu.memory_space<hbm>> -> memref<64xi32, #tpu.memory_space<hbm>>
      tpu.enqueue_dma source(%dma_start3A_14 : memref<64xi32, #tpu.memory_space<hbm>>) target(%arg6 : memref<64xi32, #tpu.memory_space<vmem>>) target_semaphore(%run_scoped3A : memref<!tpu.dma_semaphore, #tpu.memory_space<semaphore_mem>>)
      %dma_wait3A_15 = tpu.memref_slice %arg3[%mul3A_2] : memref<2048xi32, #tpu.memory_space<hbm>> -> memref<64xi32, #tpu.memory_space<hbm>>
      %dma_wait3A_16 = tpu.memref_slice %arg3[%mul3A_2] : memref<2048xi32, #tpu.memory_space<hbm>> -> memref<64xi32, #tpu.memory_space<hbm>>
      tpu.wait_dma2 semaphore(%run_scoped3A : memref<!tpu.dma_semaphore, #tpu.memory_space<semaphore_mem>>) src(%dma_wait3A_16 : memref<64xi32, #tpu.memory_space<hbm>>) dst(%arg6 : memref<64xi32, #tpu.memory_space<vmem>>)
      tpu.yield
    }) : () -> ()
    "tpu.region"() ({
      %run_scoped3A = tpu.sem_alloc : memref<!tpu.dma_semaphore, #tpu.memory_space<semaphore_mem>>
      %dma_start3A_13 = tpu.memref_slice %arg4[%mul3A_2] : memref<2048xi32, #tpu.memory_space<hbm>> -> memref<64xi32, #tpu.memory_space<hbm>>
      %dma_start3A_14 = tpu.memref_slice %arg4[%mul3A_2] : memref<2048xi32, #tpu.memory_space<hbm>> -> memref<64xi32, #tpu.memory_space<hbm>>
      tpu.enqueue_dma source(%dma_start3A_14 : memref<64xi32, #tpu.memory_space<hbm>>) target(%arg7 : memref<64xi32, #tpu.memory_space<vmem>>) target_semaphore(%run_scoped3A : memref<!tpu.dma_semaphore, #tpu.memory_space<semaphore_mem>>)
      %dma_wait3A_15 = tpu.memref_slice %arg4[%mul3A_2] : memref<2048xi32, #tpu.memory_space<hbm>> -> memref<64xi32, #tpu.memory_space<hbm>>
      %dma_wait3A_16 = tpu.memref_slice %arg4[%mul3A_2] : memref<2048xi32, #tpu.memory_space<hbm>> -> memref<64xi32, #tpu.memory_space<hbm>>
      tpu.wait_dma2 semaphore(%run_scoped3A : memref<!tpu.dma_semaphore, #tpu.memory_space<semaphore_mem>>) src(%dma_wait3A_16 : memref<64xi32, #tpu.memory_space<hbm>>) dst(%arg7 : memref<64xi32, #tpu.memory_space<vmem>>)
      tpu.yield
    }) : () -> ()
    %dma_start3A = arith.constant 0 : i32
    %dma_start3A_3 = arith.constant 0 : i32
    %dma_start3A_4 = tpu.memref_slice %arg2[%dma_start3A, %dma_start3A_3] : memref<5120x1024xf32, #tpu.memory_space<hbm>> -> memref<5120x1024xf32, #tpu.memory_space<hbm>>
    tpu.enqueue_indirect_dma source(%dma_start3A_4 : memref<5120x1024xf32, #tpu.memory_space<hbm>>) target(%arg8 : memref<64x1024xf32, #tpu.memory_space<vmem>>) offsets(%arg6 : memref<64xi32, #tpu.memory_space<vmem>>) semaphore(%arg9 : memref<!tpu.dma_semaphore, #tpu.memory_space<semaphore_mem>>)
    %dma_wait3A = arith.constant 0 : i32
    %dma_wait3A_5 = arith.constant 0 : i32
    %dma_wait3A_6 = tpu.memref_slice %arg2[%dma_wait3A, %dma_wait3A_5] : memref<5120x1024xf32, #tpu.memory_space<hbm>> -> memref<5120x1024xf32, #tpu.memory_space<hbm>>
    tpu.wait_indirect_dma semaphore(%arg9 : memref<!tpu.dma_semaphore, #tpu.memory_space<semaphore_mem>>) src(%dma_wait3A_6 : memref<5120x1024xf32, #tpu.memory_space<hbm>>) dst(%arg8 : memref<64x1024xf32, #tpu.memory_space<vmem>>)
    %dma_start3A_7 = arith.constant 0 : i32
    %dma_start3A_8 = arith.constant 0 : i32
    %dma_start3A_9 = tpu.memref_slice %arg2[%dma_start3A_7, %dma_start3A_8] : memref<5120x1024xf32, #tpu.memory_space<hbm>> -> memref<5120x1024xf32, #tpu.memory_space<hbm>>
    tpu.enqueue_indirect_dma source(%dma_start3A_9 : memref<5120x1024xf32, #tpu.memory_space<hbm>>) target(%arg8 : memref<64x1024xf32, #tpu.memory_space<vmem>>) offsets(%arg7 : memref<64xi32, #tpu.memory_space<vmem>>) semaphore(%arg9 : memref<!tpu.dma_semaphore, #tpu.memory_space<semaphore_mem>>) {add = true}
    %dma_wait3A_10 = arith.constant 0 : i32
    %dma_wait3A_11 = arith.constant 0 : i32
    %dma_wait3A_12 = tpu.memref_slice %arg2[%dma_wait3A_10, %dma_wait3A_11] : memref<5120x1024xf32, #tpu.memory_space<hbm>> -> memref<5120x1024xf32, #tpu.memory_space<hbm>>
    tpu.wait_indirect_dma semaphore(%arg9 : memref<!tpu.dma_semaphore, #tpu.memory_space<semaphore_mem>>) src(%dma_wait3A_12 : memref<5120x1024xf32, #tpu.memory_space<hbm>>) dst(%arg8 : memref<64x1024xf32, #tpu.memory_space<vmem>>)
    "tpu.region"() ({
      %run_scoped3A = tpu.sem_alloc : memref<!tpu.dma_semaphore, #tpu.memory_space<semaphore_mem>>
      %dma_start3A_13 = arith.constant 0 : i32
      %dma_start3A_14 = tpu.memref_slice %arg5[%mul3A_2, %dma_start3A_13] : memref<2048x1024xf32, #tpu.memory_space<hbm>> -> memref<64x1024xf32, #tpu.memory_space<hbm>>
      %dma_start3A_15 = arith.constant 0 : i32
      %dma_start3A_16 = tpu.memref_slice %arg5[%mul3A_2, %dma_start3A_15] : memref<2048x1024xf32, #tpu.memory_space<hbm>> -> memref<64x1024xf32, #tpu.memory_space<hbm>>
      tpu.enqueue_dma source(%arg8 : memref<64x1024xf32, #tpu.memory_space<vmem>>) target(%dma_start3A_16 : memref<64x1024xf32, #tpu.memory_space<hbm>>) target_semaphore(%run_scoped3A : memref<!tpu.dma_semaphore, #tpu.memory_space<semaphore_mem>>)
      %dma_wait3A_17 = arith.constant 0 : i32
      %dma_wait3A_18 = tpu.memref_slice %arg5[%mul3A_2, %dma_wait3A_17] : memref<2048x1024xf32, #tpu.memory_space<hbm>> -> memref<64x1024xf32, #tpu.memory_space<hbm>>
      %dma_wait3A_19 = arith.constant 0 : i32
      %dma_wait3A_20 = tpu.memref_slice %arg5[%mul3A_2, %dma_wait3A_19] : memref<2048x1024xf32, #tpu.memory_space<hbm>> -> memref<64x1024xf32, #tpu.memory_space<hbm>>
      tpu.wait_dma2 semaphore(%run_scoped3A : memref<!tpu.dma_semaphore, #tpu.memory_space<semaphore_mem>>) src(%arg8 : memref<64x1024xf32, #tpu.memory_space<vmem>>) dst(%dma_wait3A_20 : memref<64x1024xf32, #tpu.memory_space<hbm>>)
      tpu.yield
    }) : () -> ()
    return
  }
}

module attributes {stable_mosaic.version = 14 : i64} {
  func.func @_router_body(%arg0: memref<2048x1024xf32, #tpu.memory_space<vmem>>, %arg1: memref<1024x8xf32, #tpu.memory_space<vmem>>, %arg2: memref<2048x2xi32, #tpu.memory_space<vmem>>, %arg3: memref<2048x2xf32, #tpu.memory_space<vmem>>, %arg4: memref<1x8xf32, #tpu.memory_space<vmem>>) attributes {dimension_semantics = [], scalar_prefetch = 0 : i64, scratch_operands = 0 : i64, tpu.core_type = #tpu.core_type<tc>} {
    %get3A = arith.constant 0 : index
    %get3A_0 = arith.constant 0 : index
    %get3A_1 = vector.load %arg0[%get3A, %get3A_0] : memref<2048x1024xf32, #tpu.memory_space<vmem>>, vector<2048x1024xf32>
    %get3A_2 = arith.constant 0 : index
    %get3A_3 = arith.constant 0 : index
    %get3A_4 = vector.load %arg1[%get3A_2, %get3A_3] : memref<1024x8xf32, #tpu.memory_space<vmem>>, vector<1024x8xf32>
    %dot_general3A = arith.constant dense<0.000000e+00> : vector<2048x8xf32>
    %dot_general3A_5 = tpu.matmul %get3A_1, %get3A_4, %dot_general3A {dimension_numbers = #tpu.dot_dimension_numbers<[1], [0], [0], [1], [0, 0, 1, 1], [], []>, transpose_lhs_hint = false} : vector<2048x1024xf32>, vector<1024x8xf32>, vector<2048x8xf32> -> vector<2048x8xf32>
    %reduce_max3A = arith.constant dense<0xFF800000> : vector<2048xf32>
    %reduce_max3A_6 = vector.multi_reduction <maximumf>, %dot_general3A_5, %reduce_max3A [1] : vector<2048x8xf32> to vector<2048xf32>
    %broadcast_in_dim3A = vector.shape_cast %reduce_max3A_6 : vector<2048xf32> to vector<2048x1xf32>
    %sub3A = vector.broadcast %broadcast_in_dim3A : vector<2048x1xf32> to vector<2048x8xf32>
    %sub3A_7 = arith.subf %dot_general3A_5, %sub3A : vector<2048x8xf32>
    %exp3A = math.exp %sub3A_7 : vector<2048x8xf32>
    %reduce_sum3A = arith.constant dense<0.000000e+00> : vector<2048xf32>
    %reduce_sum3A_8 = vector.multi_reduction <add>, %exp3A, %reduce_sum3A [1] : vector<2048x8xf32> to vector<2048xf32>
    %broadcast_in_dim3A_9 = vector.shape_cast %reduce_sum3A_8 : vector<2048xf32> to vector<2048x1xf32>
    %div3A = vector.broadcast %broadcast_in_dim3A_9 : vector<2048x1xf32> to vector<2048x8xf32>
    %div3A_10 = arith.divf %exp3A, %div3A : vector<2048x8xf32>
    %iota3A = tpu.iota {dimensions = array<i32: 1>} : vector<2048x8xi32>
    %reduce_max3A_11 = arith.constant dense<0xFF800000> : vector<2048xf32>
    %reduce_max3A_12 = vector.multi_reduction <maximumf>, %div3A_10, %reduce_max3A_11 [1] : vector<2048x8xf32> to vector<2048xf32>
    %broadcast_in_dim3A_13 = vector.shape_cast %reduce_max3A_12 : vector<2048xf32> to vector<2048x1xf32>
    %eq3A = vector.broadcast %broadcast_in_dim3A_13 : vector<2048x1xf32> to vector<2048x8xf32>
    %eq3A_14 = arith.cmpf oeq, %div3A_10, %eq3A : vector<2048x8xf32>
    %jit3A = arith.constant 8 : i32
    %broadcast_in_dim3A_15 = vector.broadcast %jit3A : i32 to vector<2048x8xi32>
    %select_n3A = arith.select %eq3A_14, %iota3A, %broadcast_in_dim3A_15 : vector<2048x8xi1>, vector<2048x8xi32>
    %reduce_min3A = arith.constant dense<2147483647> : vector<2048xi32>
    %reduce_min3A_16 = vector.multi_reduction <minsi>, %select_n3A, %reduce_min3A [1] : vector<2048x8xi32> to vector<2048xi32>
    %broadcast_in_dim3A_17 = vector.shape_cast %reduce_min3A_16 : vector<2048xi32> to vector<2048x1xi32>
    %eq3A_18 = vector.broadcast %broadcast_in_dim3A_17 : vector<2048x1xi32> to vector<2048x8xi32>
    %eq3A_19 = arith.cmpi eq, %iota3A, %eq3A_18 : vector<2048x8xi32>
    %jit3A_20 = arith.constant -1.000000e+00 : f32
    %broadcast_in_dim3A_21 = vector.broadcast %jit3A_20 : f32 to vector<2048x8xf32>
    %select_n3A_22 = arith.select %eq3A_19, %broadcast_in_dim3A_21, %div3A_10 : vector<2048x8xi1>, vector<2048x8xf32>
    %reduce_max3A_23 = arith.constant dense<0xFF800000> : vector<2048xf32>
    %reduce_max3A_24 = vector.multi_reduction <maximumf>, %select_n3A_22, %reduce_max3A_23 [1] : vector<2048x8xf32> to vector<2048xf32>
    %broadcast_in_dim3A_25 = vector.shape_cast %reduce_max3A_24 : vector<2048xf32> to vector<2048x1xf32>
    %eq3A_26 = vector.broadcast %broadcast_in_dim3A_25 : vector<2048x1xf32> to vector<2048x8xf32>
    %eq3A_27 = arith.cmpf oeq, %select_n3A_22, %eq3A_26 : vector<2048x8xf32>
    %jit3A_28 = arith.constant 8 : i32
    %broadcast_in_dim3A_29 = vector.broadcast %jit3A_28 : i32 to vector<2048x8xi32>
    %select_n3A_30 = arith.select %eq3A_27, %iota3A, %broadcast_in_dim3A_29 : vector<2048x8xi1>, vector<2048x8xi32>
    %reduce_min3A_31 = arith.constant dense<2147483647> : vector<2048xi32>
    %reduce_min3A_32 = vector.multi_reduction <minsi>, %select_n3A_30, %reduce_min3A_31 [1] : vector<2048x8xi32> to vector<2048xi32>
    %broadcast_in_dim3A_33 = vector.shape_cast %reduce_min3A_32 : vector<2048xi32> to vector<2048x1xi32>
    %add3A = arith.addf %broadcast_in_dim3A_13, %broadcast_in_dim3A_25 : vector<2048x1xf32>
    %add3A_34 = arith.constant 9.99999971E-10 : f32
    %add3A_35 = vector.broadcast %add3A_34 : f32 to vector<2048x1xf32>
    %add3A_36 = arith.addf %add3A, %add3A_35 : vector<2048x1xf32>
    %swap3A = arith.constant 0 : index
    %swap3A_37 = arith.constant 0 : index
    %swap3A_38 = vector.load %arg2[%swap3A, %swap3A_37] : memref<2048x2xi32, #tpu.memory_space<vmem>>, vector<2048x1xi32>
    tpu.vector_store %arg2[%swap3A, %swap3A_37], %broadcast_in_dim3A_17 {strides = array<i32>} : memref<2048x2xi32, #tpu.memory_space<vmem>>, vector<2048x1xi32>,
    %swap3A_39 = arith.constant 0 : index
    %swap3A_40 = arith.constant 1 : index
    %swap3A_41 = vector.load %arg2[%swap3A_39, %swap3A_40] : memref<2048x2xi32, #tpu.memory_space<vmem>>, vector<2048x1xi32>
    tpu.vector_store %arg2[%swap3A_39, %swap3A_40], %broadcast_in_dim3A_33 {strides = array<i32>} : memref<2048x2xi32, #tpu.memory_space<vmem>>, vector<2048x1xi32>,
    %div3A_42 = arith.divf %broadcast_in_dim3A_13, %add3A_36 : vector<2048x1xf32>
    %swap3A_43 = arith.constant 0 : index
    %swap3A_44 = arith.constant 0 : index
    %swap3A_45 = vector.load %arg3[%swap3A_43, %swap3A_44] : memref<2048x2xf32, #tpu.memory_space<vmem>>, vector<2048x1xf32>
    tpu.vector_store %arg3[%swap3A_43, %swap3A_44], %div3A_42 {strides = array<i32>} : memref<2048x2xf32, #tpu.memory_space<vmem>>, vector<2048x1xf32>,
    %div3A_46 = arith.divf %broadcast_in_dim3A_25, %add3A_36 : vector<2048x1xf32>
    %swap3A_47 = arith.constant 0 : index
    %swap3A_48 = arith.constant 1 : index
    %swap3A_49 = vector.load %arg3[%swap3A_47, %swap3A_48] : memref<2048x2xf32, #tpu.memory_space<vmem>>, vector<2048x1xf32>
    tpu.vector_store %arg3[%swap3A_47, %swap3A_48], %div3A_46 {strides = array<i32>} : memref<2048x2xf32, #tpu.memory_space<vmem>>, vector<2048x1xf32>,
    %reduce_sum3A_50 = arith.constant dense<0.000000e+00> : vector<8xf32>
    %reduce_sum3A_51 = vector.multi_reduction <add>, %div3A_10, %reduce_sum3A_50 [0] : vector<2048x8xf32> to vector<8xf32>
    %broadcast_in_dim3A_52 = vector.shape_cast %reduce_sum3A_51 : vector<8xf32> to vector<1x8xf32>
    %mul3A = arith.constant 4.8828125E-4 : f32
    %mul3A_53 = vector.broadcast %mul3A : f32 to vector<1x8xf32>
    %mul3A_54 = arith.mulf %broadcast_in_dim3A_52, %mul3A_53 : vector<1x8xf32>
    %swap3A_55 = arith.constant 0 : index
    %swap3A_56 = arith.constant 0 : index
    %swap3A_57 = vector.load %arg4[%swap3A_55, %swap3A_56] : memref<1x8xf32, #tpu.memory_space<vmem>>, vector<1x8xf32>
    tpu.vector_store %arg4[%swap3A_55, %swap3A_56], %mul3A_54 {strides = array<i32>} : memref<1x8xf32, #tpu.memory_space<vmem>>, vector<1x8xf32>,
    return
  }
}

module attributes {stable_mosaic.version = 14 : i64} {
  func.func @_dispa_body(%arg0: memref<2048x2xi32, #tpu.memory_space<vmem>>, %arg1: memref<2048x2xf32, #tpu.memory_space<vmem>>, %arg2: memref<1x8xf32, #tpu.memory_space<vmem>>, %arg3: memref<2048x2xf32, #tpu.memory_space<vmem>>, %arg4: memref<2048x2xi32, #tpu.memory_space<vmem>>, %arg5: memref<1x1xf32, #tpu.memory_space<vmem>>) attributes {dimension_semantics = [], scalar_prefetch = 0 : i64, scratch_operands = 0 : i64, tpu.core_type = #tpu.core_type<tc>} {
    %get3A = arith.constant 0 : index
    %get3A_0 = arith.constant 0 : index
    %get3A_1 = vector.load %arg0[%get3A, %get3A_0] : memref<2048x2xi32, #tpu.memory_space<vmem>>, vector<2048x1xi32>
    %get3A_2 = arith.constant 0 : index
    %get3A_3 = arith.constant 1 : index
    %get3A_4 = vector.load %arg0[%get3A_2, %get3A_3] : memref<2048x2xi32, #tpu.memory_space<vmem>>, vector<2048x1xi32>
    %iota3A = tpu.iota {dimensions = array<i32: 1>} : vector<2048x8xi32>
    %eq3A = vector.broadcast %get3A_1 : vector<2048x1xi32> to vector<2048x8xi32>
    %eq3A_5 = arith.cmpi eq, %eq3A, %iota3A : vector<2048x8xi32>
    %convert_element_type3A = arith.extui %eq3A_5 : vector<2048x8xi1> to vector<2048x8xi32>
    %convert_element_type3A_6 = arith.sitofp %convert_element_type3A : vector<2048x8xi32> to vector<2048x8xf32>
    %eq3A_7 = vector.broadcast %get3A_4 : vector<2048x1xi32> to vector<2048x8xi32>
    %eq3A_8 = arith.cmpi eq, %eq3A_7, %iota3A : vector<2048x8xi32>
    %convert_element_type3A_9 = arith.extui %eq3A_8 : vector<2048x8xi1> to vector<2048x8xi32>
    %convert_element_type3A_10 = arith.sitofp %convert_element_type3A_9 : vector<2048x8xi32> to vector<2048x8xf32>
    %add3A = arith.addf %convert_element_type3A_6, %convert_element_type3A_10 : vector<2048x8xf32>
    %iota3A_11 = tpu.iota {dimensions = array<i32: 0>} : vector<512x2048xi32>
    %add3A_12 = arith.constant 0 : i32
    %add3A_13 = vector.broadcast %add3A_12 : i32 to vector<512x2048xi32>
    %add3A_14 = arith.addi %add3A_13, %iota3A_11 : vector<512x2048xi32>
    %iota3A_15 = tpu.iota {dimensions = array<i32: 1>} : vector<512x2048xi32>
    %gt3A = arith.cmpi sgt, %add3A_14, %iota3A_15 : vector<512x2048xi32>
    %convert_element_type3A_16 = arith.extui %gt3A : vector<512x2048xi1> to vector<512x2048xi32>
    %convert_element_type3A_17 = arith.sitofp %convert_element_type3A_16 : vector<512x2048xi32> to vector<512x2048xf32>
    %dot_general3A = arith.constant dense<0.000000e+00> : vector<512x8xf32>
    %dot_general3A_18 = tpu.matmul %convert_element_type3A_17, %add3A, %dot_general3A {dimension_numbers = #tpu.dot_dimension_numbers<[1], [0], [0], [1], [0, 0, 1, 1], [], []>, transpose_lhs_hint = false} : vector<512x2048xf32>, vector<2048x8xf32>, vector<512x8xf32> -> vector<512x8xf32>
    %iota3A_19 = tpu.iota {dimensions = array<i32: 0>} : vector<512x2048xi32>
    %add3A_20 = arith.constant 512 : i32
    %add3A_21 = vector.broadcast %add3A_20 : i32 to vector<512x2048xi32>
    %add3A_22 = arith.addi %add3A_21, %iota3A_19 : vector<512x2048xi32>
    %iota3A_23 = tpu.iota {dimensions = array<i32: 1>} : vector<512x2048xi32>
    %gt3A_24 = arith.cmpi sgt, %add3A_22, %iota3A_23 : vector<512x2048xi32>
    %convert_element_type3A_25 = arith.extui %gt3A_24 : vector<512x2048xi1> to vector<512x2048xi32>
    %convert_element_type3A_26 = arith.sitofp %convert_element_type3A_25 : vector<512x2048xi32> to vector<512x2048xf32>
    %dot_general3A_27 = arith.constant dense<0.000000e+00> : vector<512x8xf32>
    %dot_general3A_28 = tpu.matmul %convert_element_type3A_26, %add3A, %dot_general3A_27 {dimension_numbers = #tpu.dot_dimension_numbers<[1], [0], [0], [1], [0, 0, 1, 1], [], []>, transpose_lhs_hint = false} : vector<512x2048xf32>, vector<2048x8xf32>, vector<512x8xf32> -> vector<512x8xf32>
    %iota3A_29 = tpu.iota {dimensions = array<i32: 0>} : vector<512x2048xi32>
    %add3A_30 = arith.constant 1024 : i32
    %add3A_31 = vector.broadcast %add3A_30 : i32 to vector<512x2048xi32>
    %add3A_32 = arith.addi %add3A_31, %iota3A_29 : vector<512x2048xi32>
    %iota3A_33 = tpu.iota {dimensions = array<i32: 1>} : vector<512x2048xi32>
    %gt3A_34 = arith.cmpi sgt, %add3A_32, %iota3A_33 : vector<512x2048xi32>
    %convert_element_type3A_35 = arith.extui %gt3A_34 : vector<512x2048xi1> to vector<512x2048xi32>
    %convert_element_type3A_36 = arith.sitofp %convert_element_type3A_35 : vector<512x2048xi32> to vector<512x2048xf32>
    %dot_general3A_37 = arith.constant dense<0.000000e+00> : vector<512x8xf32>
    %dot_general3A_38 = tpu.matmul %convert_element_type3A_36, %add3A, %dot_general3A_37 {dimension_numbers = #tpu.dot_dimension_numbers<[1], [0], [0], [1], [0, 0, 1, 1], [], []>, transpose_lhs_hint = false} : vector<512x2048xf32>, vector<2048x8xf32>, vector<512x8xf32> -> vector<512x8xf32>
    %iota3A_39 = tpu.iota {dimensions = array<i32: 0>} : vector<512x2048xi32>
    %add3A_40 = arith.constant 1536 : i32
    %add3A_41 = vector.broadcast %add3A_40 : i32 to vector<512x2048xi32>
    %add3A_42 = arith.addi %add3A_41, %iota3A_39 : vector<512x2048xi32>
    %iota3A_43 = tpu.iota {dimensions = array<i32: 1>} : vector<512x2048xi32>
    %gt3A_44 = arith.cmpi sgt, %add3A_42, %iota3A_43 : vector<512x2048xi32>
    %convert_element_type3A_45 = arith.extui %gt3A_44 : vector<512x2048xi1> to vector<512x2048xi32>
    %convert_element_type3A_46 = arith.sitofp %convert_element_type3A_45 : vector<512x2048xi32> to vector<512x2048xf32>
    %dot_general3A_47 = arith.constant dense<0.000000e+00> : vector<512x8xf32>
    %dot_general3A_48 = tpu.matmul %convert_element_type3A_46, %add3A, %dot_general3A_47 {dimension_numbers = #tpu.dot_dimension_numbers<[1], [0], [0], [1], [0, 0, 1, 1], [], []>, transpose_lhs_hint = false} : vector<512x2048xf32>, vector<2048x8xf32>, vector<512x8xf32> -> vector<512x8xf32>
    %concatenate3A = tpu.concatenate %dot_general3A_18, %dot_general3A_28, %dot_general3A_38, %dot_general3A_48 in 0 : vector<512x8xf32>, vector<512x8xf32>, vector<512x8xf32>, vector<512x8xf32> -> vector<2048x8xf32>
    %mul3A = arith.mulf %convert_element_type3A_6, %concatenate3A : vector<2048x8xf32>
    %reduce_sum3A = arith.constant dense<0.000000e+00> : vector<2048xf32>
    %reduce_sum3A_49 = vector.multi_reduction <add>, %mul3A, %reduce_sum3A [1] : vector<2048x8xf32> to vector<2048xf32>
    %broadcast_in_dim3A = vector.shape_cast %reduce_sum3A_49 : vector<2048xf32> to vector<2048x1xf32>
    %mul3A_50 = arith.mulf %convert_element_type3A_10, %concatenate3A : vector<2048x8xf32>
    %reduce_sum3A_51 = arith.constant dense<0.000000e+00> : vector<2048xf32>
    %reduce_sum3A_52 = vector.multi_reduction <add>, %mul3A_50, %reduce_sum3A_51 [1] : vector<2048x8xf32> to vector<2048xf32>
    %broadcast_in_dim3A_53 = vector.shape_cast %reduce_sum3A_52 : vector<2048xf32> to vector<2048x1xf32>
    %reduce_sum3A_54 = arith.constant dense<0.000000e+00> : vector<8xf32>
    %reduce_sum3A_55 = vector.multi_reduction <add>, %add3A, %reduce_sum3A_54 [0] : vector<2048x8xf32> to vector<8xf32>
    %broadcast_in_dim3A_56 = vector.shape_cast %reduce_sum3A_55 : vector<8xf32> to vector<1x8xf32>
    %min3A = arith.constant 6.400000e+02 : f32
    %min3A_57 = vector.broadcast %min3A : f32 to vector<1x8xf32>
    %min3A_58 = arith.minimumf %broadcast_in_dim3A_56, %min3A_57 : vector<1x8xf32>
    %reduce_min3A = arith.constant dense<0x7F800000> : vector<1xf32>
    %reduce_min3A_59 = vector.multi_reduction <minimumf>, %min3A_58, %reduce_min3A [1] : vector<1x8xf32> to vector<1xf32>
    %broadcast_in_dim3A_60 = vector.shape_cast %reduce_min3A_59 : vector<1xf32> to vector<1x1xf32>
    %iota3A_61 = tpu.iota {dimensions = array<i32: 1>} : vector<1x8xi32>
    %convert_element_type3A_62 = arith.sitofp %iota3A_61 : vector<1x8xi32> to vector<1x8xf32>
    %eq3A_63 = vector.broadcast %broadcast_in_dim3A_60 : vector<1x1xf32> to vector<1x8xf32>
    %eq3A_64 = arith.cmpf oeq, %min3A_58, %eq3A_63 : vector<1x8xf32>
    %jit3A = arith.constant 8.000000e+00 : f32
    %broadcast_in_dim3A_65 = vector.broadcast %jit3A : f32 to vector<1x8xf32>
    %select_n3A = arith.select %eq3A_64, %convert_element_type3A_62, %broadcast_in_dim3A_65 : vector<1x8xi1>, vector<1x8xf32>
    %reduce_min3A_66 = arith.constant dense<0x7F800000> : vector<1xf32>
    %reduce_min3A_67 = vector.multi_reduction <minimumf>, %select_n3A, %reduce_min3A_66 [1] : vector<1x8xf32> to vector<1xf32>
    %broadcast_in_dim3A_68 = vector.shape_cast %reduce_min3A_67 : vector<1xf32> to vector<1x1xf32>
    %mul3A_69 = arith.constant 6.400000e+02 : f32
    %mul3A_70 = vector.broadcast %mul3A_69 : f32 to vector<1x1xf32>
    %mul3A_71 = arith.mulf %broadcast_in_dim3A_68, %mul3A_70 : vector<1x1xf32>
    %add3A_72 = arith.constant 6.390000e+02 : f32
    %add3A_73 = vector.broadcast %add3A_72 : f32 to vector<1x1xf32>
    %add3A_74 = arith.addf %mul3A_71, %add3A_73 : vector<1x1xf32>
    %convert_element_type3A_75 = arith.sitofp %get3A_1 : vector<2048x1xi32> to vector<2048x1xf32>
    %mul3A_76 = arith.constant 6.400000e+02 : f32
    %mul3A_77 = vector.broadcast %mul3A_76 : f32 to vector<2048x1xf32>
    %mul3A_78 = arith.mulf %convert_element_type3A_75, %mul3A_77 : vector<2048x1xf32>
    %add3A_79 = arith.addf %mul3A_78, %broadcast_in_dim3A : vector<2048x1xf32>
    %convert_element_type3A_80 = arith.sitofp %get3A_4 : vector<2048x1xi32> to vector<2048x1xf32>
    %mul3A_81 = arith.constant 6.400000e+02 : f32
    %mul3A_82 = vector.broadcast %mul3A_81 : f32 to vector<2048x1xf32>
    %mul3A_83 = arith.mulf %convert_element_type3A_80, %mul3A_82 : vector<2048x1xf32>
    %add3A_84 = arith.addf %mul3A_83, %broadcast_in_dim3A_53 : vector<2048x1xf32>
    %lt3A = arith.constant 6.400000e+02 : f32
    %lt3A_85 = vector.broadcast %lt3A : f32 to vector<2048x1xf32>
    %lt3A_86 = arith.cmpf olt, %broadcast_in_dim3A, %lt3A_85 : vector<2048x1xf32>
    %lt3A_87 = arith.constant 6.400000e+02 : f32
    %lt3A_88 = vector.broadcast %lt3A_87 : f32 to vector<2048x1xf32>
    %lt3A_89 = arith.cmpf olt, %broadcast_in_dim3A_53, %lt3A_88 : vector<2048x1xf32>
    %jit3A_90 = arith.constant -1.000000e+00 : f32
    %broadcast_in_dim3A_91 = vector.broadcast %jit3A_90 : f32 to vector<2048x1xf32>
    %select_n3A_92 = arith.select %lt3A_86, %add3A_79, %broadcast_in_dim3A_91 : vector<2048x1xi1>, vector<2048x1xf32>
    %swap3A = arith.constant 0 : index
    %swap3A_93 = arith.constant 0 : index
    %swap3A_94 = vector.load %arg3[%swap3A, %swap3A_93] : memref<2048x2xf32, #tpu.memory_space<vmem>>, vector<2048x1xf32>
    tpu.vector_store %arg3[%swap3A, %swap3A_93], %select_n3A_92 {strides = array<i32>} : memref<2048x2xf32, #tpu.memory_space<vmem>>, vector<2048x1xf32>,
    %jit3A_95 = arith.constant -1.000000e+00 : f32
    %broadcast_in_dim3A_96 = vector.broadcast %jit3A_95 : f32 to vector<2048x1xf32>
    %select_n3A_97 = arith.select %lt3A_89, %add3A_84, %broadcast_in_dim3A_96 : vector<2048x1xi1>, vector<2048x1xf32>
    %swap3A_98 = arith.constant 0 : index
    %swap3A_99 = arith.constant 1 : index
    %swap3A_100 = vector.load %arg3[%swap3A_98, %swap3A_99] : memref<2048x2xf32, #tpu.memory_space<vmem>>, vector<2048x1xf32>
    tpu.vector_store %arg3[%swap3A_98, %swap3A_99], %select_n3A_97 {strides = array<i32>} : memref<2048x2xf32, #tpu.memory_space<vmem>>, vector<2048x1xf32>,
    %broadcast_in_dim3A_101 = vector.shape_cast %add3A_74 : vector<1x1xf32> to vector<1x1xf32>
    %broadcast_in_dim3A_102 = vector.broadcast %broadcast_in_dim3A_101 : vector<1x1xf32> to vector<2048x1xf32>
    %select_n3A_103 = arith.select %lt3A_86, %add3A_79, %broadcast_in_dim3A_102 : vector<2048x1xi1>, vector<2048x1xf32>
    %convert_element_type3A_104 = arith.fptosi %select_n3A_103 : vector<2048x1xf32> to vector<2048x1xi32>
    %swap3A_105 = arith.constant 0 : index
    %swap3A_106 = arith.constant 0 : index
    %swap3A_107 = vector.load %arg4[%swap3A_105, %swap3A_106] : memref<2048x2xi32, #tpu.memory_space<vmem>>, vector<2048x1xi32>
    tpu.vector_store %arg4[%swap3A_105, %swap3A_106], %convert_element_type3A_104 {strides = array<i32>} : memref<2048x2xi32, #tpu.memory_space<vmem>>, vector<2048x1xi32>,
    %broadcast_in_dim3A_108 = vector.shape_cast %add3A_74 : vector<1x1xf32> to vector<1x1xf32>
    %broadcast_in_dim3A_109 = vector.broadcast %broadcast_in_dim3A_108 : vector<1x1xf32> to vector<2048x1xf32>
    %select_n3A_110 = arith.select %lt3A_89, %add3A_84, %broadcast_in_dim3A_109 : vector<2048x1xi1>, vector<2048x1xf32>
    %convert_element_type3A_111 = arith.fptosi %select_n3A_110 : vector<2048x1xf32> to vector<2048x1xi32>
    %swap3A_112 = arith.constant 0 : index
    %swap3A_113 = arith.constant 1 : index
    %swap3A_114 = vector.load %arg4[%swap3A_112, %swap3A_113] : memref<2048x2xi32, #tpu.memory_space<vmem>>, vector<2048x1xi32>
    tpu.vector_store %arg4[%swap3A_112, %swap3A_113], %convert_element_type3A_111 {strides = array<i32>} : memref<2048x2xi32, #tpu.memory_space<vmem>>, vector<2048x1xi32>,
    %get3A_115 = arith.constant 0 : index
    %get3A_116 = arith.constant 0 : index
    %get3A_117 = vector.load %arg2[%get3A_115, %get3A_116] : memref<1x8xf32, #tpu.memory_space<vmem>>, vector<1x8xf32>
    %mul3A_118 = arith.mulf %get3A_117, %broadcast_in_dim3A_56 : vector<1x8xf32>
    %reduce_sum3A_119 = arith.constant dense<0.000000e+00> : vector<1xf32>
    %reduce_sum3A_120 = vector.multi_reduction <add>, %mul3A_118, %reduce_sum3A_119 [1] : vector<1x8xf32> to vector<1xf32>
    %broadcast_in_dim3A_121 = vector.shape_cast %reduce_sum3A_120 : vector<1xf32> to vector<1x1xf32>
    %mul3A_122 = arith.constant 0.001953125 : f32
    %mul3A_123 = vector.broadcast %mul3A_122 : f32 to vector<1x1xf32>
    %mul3A_124 = arith.mulf %broadcast_in_dim3A_121, %mul3A_123 : vector<1x1xf32>
    %swap3A_125 = arith.constant 0 : index
    %swap3A_126 = arith.constant 0 : index
    %swap3A_127 = vector.load %arg5[%swap3A_125, %swap3A_126] : memref<1x1xf32, #tpu.memory_space<vmem>>, vector<1x1xf32>
    tpu.vector_store %arg5[%swap3A_125, %swap3A_126], %mul3A_124 {strides = array<i32>} : memref<1x1xf32, #tpu.memory_space<vmem>>, vector<1x1xf32>,
    return
  }
}

module attributes {stable_mosaic.version = 14 : i64} {
  func.func @_dispb_body(%arg0: i32, %arg1: memref<2x2048xf32, #tpu.memory_space<vmem>>, %arg2: memref<2048x2xf32, #tpu.memory_space<vmem>>, %arg3: memref<2048x2xf32, #tpu.memory_space<vmem>>, %arg4: memref<512x4xf32, #tpu.memory_space<vmem>>) attributes {dimension_semantics = [#tpu.dimension_semantics<arbitrary>], iteration_bounds = array<i64: 10>, scalar_prefetch = 0 : i64, scratch_operands = 0 : i64, tpu.core_type = #tpu.core_type<tc>, window_params = [{pipeline_mode = #tpu.pipeline_mode<synchronous>, transform_indices = @transform_0, window_bounds = array<i64: 2, 2048>}, {pipeline_mode = #tpu.pipeline_mode<synchronous>, transform_indices = @transform_1, window_bounds = array<i64: 2048, 2>}, {pipeline_mode = #tpu.pipeline_mode<synchronous>, transform_indices = @transform_2, window_bounds = array<i64: 2048, 2>}, {transform_indices = @transform_3, window_bounds = array<i64: 512, 4>}]} {
    %mul3A = arith.constant 512 : i32
    %mul3A_0 = arith.muli %arg0, %mul3A : i32
    %iota3A = tpu.iota {dimensions = array<i32: 0>} : vector<512x2048xi32>
    %add3A = vector.broadcast %mul3A_0 : i32 to vector<512x2048xi32>
    %add3A_1 = arith.addi %add3A, %iota3A : vector<512x2048xi32>
    %convert_element_type3A = arith.sitofp %add3A_1 : vector<512x2048xi32> to vector<512x2048xf32>
    %get3A = arith.constant 0 : index
    %get3A_2 = arith.constant 0 : index
    %get3A_3 = vector.load %arg1[%get3A, %get3A_2] : memref<2x2048xf32, #tpu.memory_space<vmem>>, vector<1x2048xf32>
    %eq3A = vector.broadcast %get3A_3 : vector<1x2048xf32> to vector<512x2048xf32>
    %eq3A_4 = arith.cmpf oeq, %eq3A, %convert_element_type3A : vector<512x2048xf32>
    %convert_element_type3A_5 = arith.extui %eq3A_4 : vector<512x2048xi1> to vector<512x2048xi32>
    %convert_element_type3A_6 = arith.sitofp %convert_element_type3A_5 : vector<512x2048xi32> to vector<512x2048xf32>
    %get3A_7 = arith.constant 1 : index
    %get3A_8 = arith.constant 0 : index
    %get3A_9 = vector.load %arg1[%get3A_7, %get3A_8] : memref<2x2048xf32, #tpu.memory_space<vmem>>, vector<1x2048xf32>
    %eq3A_10 = vector.broadcast %get3A_9 : vector<1x2048xf32> to vector<512x2048xf32>
    %eq3A_11 = arith.cmpf oeq, %eq3A_10, %convert_element_type3A : vector<512x2048xf32>
    %convert_element_type3A_12 = arith.extui %eq3A_11 : vector<512x2048xi1> to vector<512x2048xi32>
    %convert_element_type3A_13 = arith.sitofp %convert_element_type3A_12 : vector<512x2048xi32> to vector<512x2048xf32>
    %iota3A_14 = tpu.iota {dimensions = array<i32: 0>} : vector<2048x1xi32>
    %convert_element_type3A_15 = arith.sitofp %iota3A_14 : vector<2048x1xi32> to vector<2048x1xf32>
    %get3A_16 = arith.constant 0 : index
    %get3A_17 = arith.constant 0 : index
    %get3A_18 = vector.load %arg2[%get3A_16, %get3A_17] : memref<2048x2xf32, #tpu.memory_space<vmem>>, vector<2048x1xf32>
    %get3A_19 = arith.constant 0 : index
    %get3A_20 = arith.constant 0 : index
    %get3A_21 = vector.load %arg3[%get3A_19, %get3A_20] : memref<2048x2xf32, #tpu.memory_space<vmem>>, vector<2048x2xf32>
    %concatenate3A = tpu.concatenate %convert_element_type3A_15, %get3A_18, %get3A_21 in 1 : vector<2048x1xf32>, vector<2048x1xf32>, vector<2048x2xf32> -> vector<2048x4xf32>
    %get3A_22 = arith.constant 0 : index
    %get3A_23 = arith.constant 1 : index
    %get3A_24 = vector.load %arg2[%get3A_22, %get3A_23] : memref<2048x2xf32, #tpu.memory_space<vmem>>, vector<2048x1xf32>
    %get3A_25 = arith.constant 0 : index
    %get3A_26 = arith.constant 0 : index
    %get3A_27 = vector.load %arg3[%get3A_25, %get3A_26] : memref<2048x2xf32, #tpu.memory_space<vmem>>, vector<2048x2xf32>
    %concatenate3A_28 = tpu.concatenate %convert_element_type3A_15, %get3A_24, %get3A_27 in 1 : vector<2048x1xf32>, vector<2048x1xf32>, vector<2048x2xf32> -> vector<2048x4xf32>
    %dot_general3A = arith.constant dense<0.000000e+00> : vector<512x4xf32>
    %dot_general3A_29 = tpu.matmul %convert_element_type3A_6, %concatenate3A, %dot_general3A {dimension_numbers = #tpu.dot_dimension_numbers<[1], [0], [0], [1], [0, 0, 1, 1], [], []>, transpose_lhs_hint = false} : vector<512x2048xf32>, vector<2048x4xf32>, vector<512x4xf32> -> vector<512x4xf32>
    %dot_general3A_30 = arith.constant dense<0.000000e+00> : vector<512x4xf32>
    %dot_general3A_31 = tpu.matmul %convert_element_type3A_13, %concatenate3A_28, %dot_general3A_30 {dimension_numbers = #tpu.dot_dimension_numbers<[1], [0], [0], [1], [0, 0, 1, 1], [], []>, transpose_lhs_hint = false} : vector<512x2048xf32>, vector<2048x4xf32>, vector<512x4xf32> -> vector<512x4xf32>
    %add3A_32 = arith.addf %dot_general3A_29, %dot_general3A_31 : vector<512x4xf32>
    %swap3A = arith.constant 0 : index
    %swap3A_33 = arith.constant 0 : index
    %swap3A_34 = vector.load %arg4[%swap3A, %swap3A_33] : memref<512x4xf32, #tpu.memory_space<vmem>>, vector<512x4xf32>
    tpu.vector_store %arg4[%swap3A, %swap3A_33], %add3A_32 {strides = array<i32>} : memref<512x4xf32, #tpu.memory_space<vmem>>, vector<512x4xf32>,
    return
  }
  func.func @transform_0(%arg0: i32) -> (i32, i32) {
    %c0_i32 = arith.constant 0 : i32
    %c0_i32_0 = arith.constant 0 : i32
    %c0_i32_1 = arith.constant 0 : i32
    return %c0_i32, %c0_i32_0 : i32, i32
  }
  func.func @transform_1(%arg0: i32) -> (i32, i32) {
    %c0_i32 = arith.constant 0 : i32
    %c0_i32_0 = arith.constant 0 : i32
    %c0_i32_1 = arith.constant 0 : i32
    return %c0_i32, %c0_i32_0 : i32, i32
  }
  func.func @transform_2(%arg0: i32) -> (i32, i32) {
    %c0_i32 = arith.constant 0 : i32
    %c0_i32_0 = arith.constant 0 : i32
    %c0_i32_1 = arith.constant 0 : i32
    return %c0_i32, %c0_i32_0 : i32, i32
  }
  func.func @transform_3(%arg0: i32) -> (i32, i32) {
    %c0_i32 = arith.constant 0 : i32
    %c0_i32_0 = arith.constant 0 : i32
    return %arg0, %c0_i32 : i32, i32
  }
}

module attributes {stable_mosaic.version = 14 : i64} {
  func.func @_ffn_body(%arg0: i32, %arg1: i32, %arg2: memref<640x1024xf32, #tpu.memory_space<vmem>>, %arg3: memref<1x1024x512xf32, #tpu.memory_space<vmem>>, %arg4: memref<1x1x512xf32, #tpu.memory_space<vmem>>, %arg5: memref<1x512x1024xf32, #tpu.memory_space<vmem>>, %arg6: memref<1x1x1024xf32, #tpu.memory_space<vmem>>, %arg7: memref<1x640x1xf32, #tpu.memory_space<vmem>>, %arg8: memref<640x1024xf32, #tpu.memory_space<vmem>>) attributes {dimension_semantics = [#tpu.dimension_semantics<arbitrary>, #tpu.dimension_semantics<arbitrary>], iteration_bounds = array<i64: 8, 4>, scalar_prefetch = 0 : i64, scratch_operands = 0 : i64, tpu.core_type = #tpu.core_type<tc>, window_params = [{transform_indices = @transform_0, window_bounds = array<i64: 640, 1024>}, {transform_indices = @transform_1, window_bounds = array<i64: 1, 1024, 512>}, {transform_indices = @transform_2, window_bounds = array<i64: 1, 1, 512>}, {transform_indices = @transform_3, window_bounds = array<i64: 1, 512, 1024>}, {transform_indices = @transform_4, window_bounds = array<i64: 1, 1, 1024>}, {transform_indices = @transform_5, window_bounds = array<i64: 1, 640, 1>}, {transform_indices = @transform_6, window_bounds = array<i64: 640, 1024>}]} {
    %get3A = arith.constant 0 : index
    %get3A_0 = arith.constant 0 : index
    %get3A_1 = vector.load %arg2[%get3A, %get3A_0] : memref<640x1024xf32, #tpu.memory_space<vmem>>, vector<640x1024xf32>
    %get3A_2 = arith.constant 0 : index
    %get3A_3 = arith.constant 0 : index
    %get3A_4 = arith.constant 0 : index
    %get3A_5 = vector.load %arg3[%get3A_2, %get3A_3, %get3A_4] : memref<1x1024x512xf32, #tpu.memory_space<vmem>>, vector<1x1024x512xf32>
    %get3A_6 = vector.shape_cast %get3A_5 : vector<1x1024x512xf32> to vector<1024x512xf32>
    %dot_general3A = arith.constant dense<0.000000e+00> : vector<640x512xf32>
    %dot_general3A_7 = tpu.matmul %get3A_1, %get3A_6, %dot_general3A {dimension_numbers = #tpu.dot_dimension_numbers<[1], [0], [0], [1], [0, 0, 1, 1], [], []>, transpose_lhs_hint = false} : vector<640x1024xf32>, vector<1024x512xf32>, vector<640x512xf32> -> vector<640x512xf32>
    %get3A_8 = arith.constant 0 : index
    %get3A_9 = arith.constant 0 : index
    %get3A_10 = arith.constant 0 : index
    %get3A_11 = vector.load %arg4[%get3A_8, %get3A_9, %get3A_10] : memref<1x1x512xf32, #tpu.memory_space<vmem>>, vector<1x1x512xf32>
    %get3A_12 = vector.shape_cast %get3A_11 : vector<1x1x512xf32> to vector<1x512xf32>
    %add3A = vector.broadcast %get3A_12 : vector<1x512xf32> to vector<640x512xf32>
    %add3A_13 = arith.addf %dot_general3A_7, %add3A : vector<640x512xf32>
    %max3A = arith.constant 0.000000e+00 : f32
    %max3A_14 = vector.broadcast %max3A : f32 to vector<640x512xf32>
    %max3A_15 = arith.maximumf %add3A_13, %max3A_14 : vector<640x512xf32>
    %get3A_16 = arith.constant 0 : index
    %get3A_17 = arith.constant 0 : index
    %get3A_18 = arith.constant 0 : index
    %get3A_19 = vector.load %arg5[%get3A_16, %get3A_17, %get3A_18] : memref<1x512x1024xf32, #tpu.memory_space<vmem>>, vector<1x512x1024xf32>
    %get3A_20 = vector.shape_cast %get3A_19 : vector<1x512x1024xf32> to vector<512x1024xf32>
    %dot_general3A_21 = arith.constant dense<0.000000e+00> : vector<640x1024xf32>
    %dot_general3A_22 = tpu.matmul %max3A_15, %get3A_20, %dot_general3A_21 {dimension_numbers = #tpu.dot_dimension_numbers<[1], [0], [0], [1], [0, 0, 1, 1], [], []>, transpose_lhs_hint = false} : vector<640x512xf32>, vector<512x1024xf32>, vector<640x1024xf32> -> vector<640x1024xf32>
    %eq3A = arith.constant 0 : i32
    %eq3A_23 = arith.cmpi eq, %arg1, %eq3A : i32
    %convert_element_type3A = arith.extui %eq3A_23 : i1 to i32
    %cond3A = arith.constant 0 : i32
    %cond3A_24 = arith.cmpi ne, %convert_element_type3A, %cond3A : i32
    scf.if %cond3A_24 {
      %swap3A = arith.constant 0 : index
      %swap3A_34 = arith.constant 0 : index
      %swap3A_35 = vector.load %arg8[%swap3A, %swap3A_34] : memref<640x1024xf32, #tpu.memory_space<vmem>>, vector<640x1024xf32>
      tpu.vector_store %arg8[%swap3A, %swap3A_34], %dot_general3A_22 {strides = array<i32>} : memref<640x1024xf32, #tpu.memory_space<vmem>>, vector<640x1024xf32>,
    } else {
    }
    %ne3A = arith.constant 0 : i32
    %ne3A_25 = arith.cmpi ne, %arg1, %ne3A : i32
    %convert_element_type3A_26 = arith.extui %ne3A_25 : i1 to i32
    %cond3A_27 = arith.constant 0 : i32
    %cond3A_28 = arith.cmpi ne, %convert_element_type3A_26, %cond3A_27 : i32
    scf.if %cond3A_28 {
      %get3A_34 = arith.constant 0 : index
      %get3A_35 = arith.constant 0 : index
      %get3A_36 = vector.load %arg8[%get3A_34, %get3A_35] : memref<640x1024xf32, #tpu.memory_space<vmem>>, vector<640x1024xf32>
      %add3A_37 = arith.addf %get3A_36, %dot_general3A_22 : vector<640x1024xf32>
      %swap3A = arith.constant 0 : index
      %swap3A_38 = arith.constant 0 : index
      %swap3A_39 = vector.load %arg8[%swap3A, %swap3A_38] : memref<640x1024xf32, #tpu.memory_space<vmem>>, vector<640x1024xf32>
      tpu.vector_store %arg8[%swap3A, %swap3A_38], %add3A_37 {strides = array<i32>} : memref<640x1024xf32, #tpu.memory_space<vmem>>, vector<640x1024xf32>,
    } else {
    }
    %eq3A_29 = arith.constant 3 : i32
    %eq3A_30 = arith.cmpi eq, %arg1, %eq3A_29 : i32
    %convert_element_type3A_31 = arith.extui %eq3A_30 : i1 to i32
    %cond3A_32 = arith.constant 0 : i32
    %cond3A_33 = arith.cmpi ne, %convert_element_type3A_31, %cond3A_32 : i32
    scf.if %cond3A_33 {
      %get3A_34 = arith.constant 0 : index
      %get3A_35 = arith.constant 0 : index
      %get3A_36 = vector.load %arg8[%get3A_34, %get3A_35] : memref<640x1024xf32, #tpu.memory_space<vmem>>, vector<640x1024xf32>
      %get3A_37 = arith.constant 0 : index
      %get3A_38 = arith.constant 0 : index
      %get3A_39 = arith.constant 0 : index
      %get3A_40 = vector.load %arg6[%get3A_37, %get3A_38, %get3A_39] : memref<1x1x1024xf32, #tpu.memory_space<vmem>>, vector<1x1x1024xf32>
      %get3A_41 = vector.shape_cast %get3A_40 : vector<1x1x1024xf32> to vector<1x1024xf32>
      %add3A_42 = vector.broadcast %get3A_41 : vector<1x1024xf32> to vector<640x1024xf32>
      %add3A_43 = arith.addf %get3A_36, %add3A_42 : vector<640x1024xf32>
      %get3A_44 = arith.constant 0 : index
      %get3A_45 = arith.constant 0 : index
      %get3A_46 = arith.constant 0 : index
      %get3A_47 = vector.load %arg7[%get3A_44, %get3A_45, %get3A_46] : memref<1x640x1xf32, #tpu.memory_space<vmem>>, vector<1x640x1xf32>
      %get3A_48 = vector.shape_cast %get3A_47 : vector<1x640x1xf32> to vector<640x1xf32>
      %mul3A = vector.broadcast %get3A_48 : vector<640x1xf32> to vector<640x1024xf32>
      %mul3A_49 = arith.mulf %add3A_43, %mul3A : vector<640x1024xf32>
      %swap3A = arith.constant 0 : index
      %swap3A_50 = arith.constant 0 : index
      %swap3A_51 = vector.load %arg8[%swap3A, %swap3A_50] : memref<640x1024xf32, #tpu.memory_space<vmem>>, vector<640x1024xf32>
      tpu.vector_store %arg8[%swap3A, %swap3A_50], %mul3A_49 {strides = array<i32>} : memref<640x1024xf32, #tpu.memory_space<vmem>>, vector<640x1024xf32>,
    } else {
    }
    return
  }
  func.func @transform_0(%arg0: i32, %arg1: i32) -> (i32, i32) {
    %c0_i32 = arith.constant 0 : i32
    %c0_i32_0 = arith.constant 0 : i32
    return %arg0, %c0_i32 : i32, i32
  }
  func.func @transform_1(%arg0: i32, %arg1: i32) -> (i32, i32, i32) {
    %c0_i32 = arith.constant 0 : i32
    %c0_i32_0 = arith.constant 0 : i32
    return %arg0, %c0_i32, %arg1 : i32, i32, i32
  }
  func.func @transform_2(%arg0: i32, %arg1: i32) -> (i32, i32, i32) {
    %c0_i32 = arith.constant 0 : i32
    %c0_i32_0 = arith.constant 0 : i32
    return %arg0, %c0_i32, %arg1 : i32, i32, i32
  }
  func.func @transform_3(%arg0: i32, %arg1: i32) -> (i32, i32, i32) {
    %c0_i32 = arith.constant 0 : i32
    %c0_i32_0 = arith.constant 0 : i32
    return %arg0, %arg1, %c0_i32 : i32, i32, i32
  }
  func.func @transform_4(%arg0: i32, %arg1: i32) -> (i32, i32, i32) {
    %c0_i32 = arith.constant 0 : i32
    %c0_i32_0 = arith.constant 0 : i32
    %c0_i32_1 = arith.constant 0 : i32
    return %arg0, %c0_i32, %c0_i32_0 : i32, i32, i32
  }
  func.func @transform_5(%arg0: i32, %arg1: i32) -> (i32, i32, i32) {
    %c0_i32 = arith.constant 0 : i32
    %c0_i32_0 = arith.constant 0 : i32
    %c0_i32_1 = arith.constant 0 : i32
    return %arg0, %c0_i32, %c0_i32_0 : i32, i32, i32
  }
  func.func @transform_6(%arg0: i32, %arg1: i32) -> (i32, i32) {
    %c0_i32 = arith.constant 0 : i32
    %c0_i32_0 = arith.constant 0 : i32
    return %arg0, %c0_i32 : i32, i32
  }
}

</mosaic_0001>

<sc_bundles>
// kernel: kernel.10.cloned.1.call-start
scs
__scs_entry_jumppad:
0x0: {  	(pc) =	sbr.rel $0x88, $3  }
0x1: {  	(tag) =	ssettag $0x0;
	lr =	simm.s32 $0x1  }
0x2: {  	[smem:$0x3F97] =	sst lr;
	_ =	strace $0xD0000000  }
0x3: {  	_ = 	snop  }
0x4: {  	_ = 	snop  }
0x5: {  	_ = 	snop  }
0x6: {  	_ = 	snop  }
0x7: {  	_ = 	snop  }
__scs_overlays_trampoline_lowered:
0x8: {  	[smem:$0x3FA6] =	sst s0  }
0x9: {  	[smem:$0x3FA7] =	sst s1  }
0xa: {  	[smem:$0x3FA8] =	sst s2  }
0xb: {  	[smem:$0x3FA9] =	sst s3  }
0xc: {  	[smem:$0x3FAA] =	sst s4  }
0xd: {  	[smem:$0x3FAB] =	sst s5  }
0xe: {  	[smem:$0x3FAC] =	sst s6  }
0xf: {  	[smem:$0x3FAD] =	sst s7  }
0x10: {  	[smem:$0x3FAE] =	sst s8  }
0x11: {  	[smem:$0x3FAF] =	sst s9;
	s0 =	simm.s32 @!p0 $0x0  }
0x12: {  	s1 =	sld [smem:$0x3F95];
	s0 =	simm.s32 @p0 $0x1  }
0x13: {  	[smem:$0x3FB0] =	sst s0;
	s0 =	simm.s32 @!p1 $0x0  }
0x14: {  	s2 =	sld [smem:$0x3F94];
	s0 =	simm.s32 @p1 $0x1  }
0x15: {  	[smem:$0x3FB1] =	sst s0;
	s0 =	simm.s32 @!p2 $0x0  }
0x16: {  	s3 =	sld [smem:$0x3FDB];
	s0 =	simm.s32 @p2 $0x1  }
0x17: {  	s4 =	simm.s32 $0x1BF5;
	[smem:$0x3FB3] =	sst s0  }
0x18: {  	s0 =	sld [smem:$0x3F96];
	_ =	swait.ge [sflag:s4], $0x0  }
0x19: {  	s7 =	sld [smem:$0x3F97]  }
0x1a: {  	s8 =	sadd.s32 $0xFFFFE003, lr  }
0x1b: {  	s9 =	sadd.s32 $0xFFFFFEF7, lr;
	s5 =	simm.s32 $0xFFFFFFFF;
	p2 =	slt.u32 s8, $0xFFFFF086  }
0x1c: {  	p1 =	slt.u32 s9, $0xF7A;
	s5 =	simm.s32 @!p2 $0x0  }
0x1d: {  	s5 =	simm.s32 @p1 $0x1;
	p0 =	seq.s32 s7, s2  }
0x1e: {  	s7 =	smul.u32 @!p0 $0xF7A, s2;
	p2 =	seq.s32 @!p0 s5, $0x0  }
0x1f: {  	s9 =	smul.u32 $0xF7A, s1;
	s8 =	simm.s32 @!p0 $0x1BF5;
	p2 =	por !p2, p0  }
0x20: {  	[sflag:s8] =	ssyncset.s32 @!p0 $0xFFFFF086;
	s6 =	sadd.s32 @!p0 s3, s7;
	s7 =	simm.s32 @!p0 $0x108  }
0x21: {  	s3 =	sadd.s32 s3, s9;
	s6 =	sadd.s32 @!p0 $0x88, s6;
	s7 =	simm.s32 @p2 $0x1082  }
0x22: {  	[simem:s7], [sflag:s8] =	dma.local @!p0 [hbm:s6], $0xF7A  }
0x23: {  	s9 =	sor.u32 $0xD0000000, s2;
	s6 =	simm.s32 $0x108;
	_ =	swait.ge @!p0 [sflag:s8], $0x0  }
0x24: {  	s3 =	sadd.s32 $0x88, s3;
	s6 =	simm.s32 @!p1 $0x1082;
	[sflag:s4] =	ssyncset.s32 $0xFFFFF086  }
0x25: {  	[simem:s6], [sflag:s4] =	dma.local [hbm:s3], $0xF7A  }
0x26: {  	[smem:$0x3F97] =	sst s1;
	(tag) =	ssettag s2;
	_ =	strace s9  }
0x27: {  	s1 =	sld [smem:$0x3FA7]  }
0x28: {  	s2 =	sld [smem:$0x3FA8]  }
0x29: {  	s4 =	sld [smem:$0x3FAA]  }
0x2a: {  	p0 =	seq.s32 s5, $0x0;
	s5 =	sld [smem:$0x3FAB]  }
0x2b: {  	s6 =	sld [smem:$0x3FAC]  }
0x2c: {  	s7 =	sld [smem:$0x3FAD]  }
0x2d: {  	s3 =	simm.s32 $0x108;
	s8 =	sld [smem:$0x3FAE]  }
0x2e: {  	s3 =	simm.s32 @!p0 $0x1082;
	s9 =	sld [smem:$0x3FAF]  }
0x2f: {  	lr =	sadd.s32 s0, s3;
	s0 =	sld [smem:$0x3FA6]  }
0x30: {  	s3 =	sld [smem:$0x3FA9]  }
0x31: {  	[smem:$0x3FB2] =	sst s10  }
0x32: {  	s10 =	sld [smem:$0x3FB0];
	_ =	sdelay $0x3  }
0x33: {  	p0 =	seq.s32 s10, $0x1;
	s10 =	sld [smem:$0x3FB2];
	_ =	sdelay $0x3  }
0x34: {  	[smem:$0x3FB2] =	sst s10  }
0x35: {  	s10 =	sld [smem:$0x3FB1];
	_ =	sdelay $0x3  }
0x36: {  	p1 =	seq.s32 s10, $0x1;
	s10 =	sld [smem:$0x3FB2];
	_ =	sdelay $0x3  }
0x37: {  	[smem:$0x3FB2] =	sst s10  }
0x38: {  	s10 =	sld [smem:$0x3FB3]  }
0x39: {  	_ = 	snop;
	(pc) =	sbr.ind lr, $3  }
0x3a: {  	_ = 	snop  }
0x3b: {  	_ = 	snop  }
0x3c: {  	p2 =	seq.s32 s10, $0x1;
	s10 =	sld [smem:$0x3FB2]  }
0x3d: {  	_ =	shalt  }
0x3e: {  	_ =	shalt  }
0x3f: {  	_ =	shalt  }
0x40: {  	_ =	shalt  }
0x41: {  	_ =	shalt  }
0x42: {  	_ =	shalt  }
0x43: {  	_ =	shalt  }
0x44: {  	_ =	shalt  }
0x45: {  	_ =	shalt  }
0x46: {  	_ =	shalt  }
0x47: {  	_ =	shalt  }
0x48: {  	_ =	shalt  }
0x49: {  	_ =	shalt  }
0x4a: {  	_ =	shalt  }
0x4b: {  	_ =	shalt  }
0x4c: {  	_ =	shalt  }
0x4d: {  	_ =	shalt  }
0x4e: {  	_ =	shalt  }
0x4f: {  	_ =	shalt  }
0x50: {  	_ =	shalt  }
0x51: {  	_ =	shalt  }
0x52: {  	_ =	shalt  }
0x53: {  	_ =	shalt  }
0x54: {  	_ =	shalt  }
0x55: {  	_ =	shalt  }
0x56: {  	_ =	shalt  }
0x57: {  	_ =	shalt  }
0x58: {  	_ =	shalt  }
0x59: {  	_ =	shalt  }
0x5a: {  	_ =	shalt  }
0x5b: {  	_ =	shalt  }
0x5c: {  	_ =	shalt  }
0x5d: {  	_ =	shalt  }
0x5e: {  	_ =	shalt  }
0x5f: {  	_ =	shalt  }
0x60: {  	_ =	shalt  }
0x61: {  	_ =	shalt  }
0x62: {  	_ =	shalt  }
0x63: {  	_ =	shalt  }
0x64: {  	_ =	shalt  }
0x65: {  	_ =	shalt  }
0x66: {  	_ =	shalt  }
0x67: {  	_ =	shalt  }
0x68: {  	_ =	shalt  }
0x69: {  	_ =	shalt  }
0x6a: {  	_ =	shalt  }
0x6b: {  	_ =	shalt  }
0x6c: {  	_ =	shalt  }
0x6d: {  	_ =	shalt  }
0x6e: {  	_ =	shalt  }
0x6f: {  	_ =	shalt  }
0x70: {  	_ =	shalt  }
0x71: {  	_ =	shalt  }
0x72: {  	_ =	shalt  }
0x73: {  	_ =	shalt  }
0x74: {  	_ =	shalt  }
0x75: {  	_ =	shalt  }
0x76: {  	_ =	shalt  }
0x77: {  	_ =	shalt  }
0x78: {  	_ =	shalt  }
0x79: {  	_ =	shalt  }
0x7a: {  	_ =	shalt  }
0x7b: {  	_ =	shalt  }
0x7c: {  	_ =	shalt  }
0x7d: {  	_ =	shalt  }
0x7e: {  	_ =	shalt  }
0x7f: {  	_ =	shalt  }
0x80: {  	_ =	shalt  }
0x81: {  	_ =	shalt  }
0x82: {  	_ =	shalt  }
0x83: {  	_ =	shalt  }
0x84: {  	_ =	shalt  }
0x85: {  	_ =	shalt  }
0x86: {  	_ =	shalt  }
0x87: {  	_ =	shalt  }
.Lfunc_end0:
.L_simem_size_0:
called_computation_lowered:
.L_overlay_start_0:
0x88: {  	s2 =	sld [smem:$0x3FD9]  }
0x89: {  	s3 =	sld [smem:$0x3FFE];
	_ =	sdelay $0x1  }
0x8a: {  	s1 =	srdreg.scid  }
0x8b: {  	s0 =	sand.u32 $0x1, s1  }
0x8c: {  	s17 =	sshll.u32 s0, $0xA;
	s2 =	sadd.s32 s3, s2  }
0x8d: {  	s2 =	sadd.s32 s2, s17  }
0x8e: {  	[smem:$0x3FBE] =	sst s2  }
0x8f: {  	_ = 	snop  }
0x90: {  	s2 =	sld [smem:$0x3FC9];
	(tm) =	ssettm $0x1  }
0x91: {  	s18 =	sld [smem:$0x3FFB];
	_ =	sdelay $0x3  }
0x92: {  	_ =	strace s18  }
0x93: {  	s3 =	sld [smem:$0x3FFC];
	_ =	sdelay $0x3  }
0x94: {  	_ =	strace s3  }
0x95: {  	s3 =	sld [smem:$0x3FFD];
	_ =	sdelay $0x3  }
0x96: {  	_ =	strace s3  }
0x97: {  	_ =	strace $0x8FFFFFFF  }
0x98: {  	s19 =	sld [smem:$0x3FDB];
	_ =	sdelay $0x1  }
0x99: {  	s4 =	simm.s32 $_scs_section_size  }
0x9a: {  	s5 =	simm.s32 $_size__tile_overlayer_lowered;
	s6 =	simm.s32 $_tile_overlayer_lowered  }
0x9b: {  	s22 =	simm.s32 $0x1BFF;
	s21 =	sshll.u32 s6, $0x1;
	s3 =	sadd.s32 s4, s19  }
0x9c: {  	s7 =	simm.s32 $0x0;
	s20 =	sshll.u32 s5, $0x1;
	s5 =	sadd.s32 s21, s3  }
0x9d: {  	[timem:s7], [sflag:s22] =	dma.local [hbm:s5], s20  }
0x9e: {  	_ =	swait.ge [sflag:s22], s20  }
0x9f: {  	s4 =	ssub.s32 $0x0, s20;
	[sflag:s22] =	ssyncset.done $0x0  }
0xa0: {  	[sflag:s22] =	ssyncadd.s32 s4;
	_ =	sdelay $0x1  }
0xa1: {  	s23 =	simm.s32 $0x1B8B  }
0xa2: {  	_ =	swait.ge [sflag:s23], $0x1  }
0xa3: {  	[sflag:s23] =	ssyncset.done $0x0  }
0xa4: {  	s25 =	simm.s32 $0x1B8E;
	s24 =	sld [smem:$0x3FFE];
	[sflag:s23] =	ssyncadd.s32 $0xFFFFFFFF  }
0xa5: {  	s26 =	simm.s32 $execute0_lowered;
	[smem:$0x3FD2] =	sst s25  }
0xa6: {  	s5 =	sshll.u32 s26, $0x1;
	_ =	strace $0x80000046;
	[dreg:$0x1] =	wrdreg $0xFFFFFFFF  }
0xa7: {  	s28 =	simm.s32 $_size_execute0_lowered;
	s3 =	sadd.s32 s3, s5;
	[dreg:$0x0] =	wrdreg $0x0  }
0xa8: {  	s5 =	sshll.u32 s28, $0x1;
	[dreg:$0x2] =	wrdreg s3  }
0xa9: {  	[dreg:$0x3] =	wrdreg s5  }
0xaa: {  	[dreg:$0x4] =	wrdreg $0xC0  }
0xab: {  	_ =	task [dreg:s7], $0x5FFFF  }
0xac: {  	[dreg:$0x1] =	wrdreg $0xFFFFFFFF  }
0xad: {  	[dreg:$0x0] =	wrdreg $0x60  }
0xae: {  	[dreg:$0x2] =	wrdreg s2  }
0xaf: {  	[dreg:$0x3] =	wrdreg s24  }
0xb0: {  	[dreg:$0x4] =	wrdreg $0x9  }
0xb1: {  	_ =	task.clear_ibuf [dreg:s7], $0x5FFFF;
	_ =	strace $0x90000046  }
0xb2: {  	s29 =	simm.s32 $0x9;
	_ =	strace $0x80000048  }
0xb3: {  	_ =	swait.ge [sflag:s29], $0x1  }
0xb4: {  	[sflag:s29] =	ssyncadd.s32 $0xFFFFFFFF  }
0xb5: {  	_ =	strace $0x90000048  }
0xb6: {  	_ =	sfence  }
0xb7: {  	s30 =	sld [smem:$0x0];
	_ =	sdelay $0x2  }
0xb8: {  	s31 =	sshll.u32 s1, $0xD;
	s1 =	sshrl.u32 s1, $0x2  }
0xb9: {  	s3 =	sand.u32 $0x4000, s31;
	s1 =	sadd.s32 s1, s30  }
0xba: {  	s0 =	sor.u32 s3, s0;
	s1 =	sshll.u32 s1, $0x11  }
0xbb: {  	s0 =	sor.u32 s1, s0  }
0xbc: {  	s0 =	sadd.s32 $0x8F2B, s0  }
0xbd: {  	[sflag:s0] =	ssyncadd.remote.s32 $0x1  }
0xbe: {  	_ =	sfence.sel $0xFFFF  }
0xbf: {  	[dreg:$0x0] =	wrdreg $0xFFFFFFFF;
	(pc) =	sbr.abs _section_cstart, $3  }
0xc0: {  	[dreg:$0x1] =	wrdreg $0xFFFFFFFF  }
0xc1: {  	_ =	task.clear_ibuf [dreg:s7], $0x2FFFF;
	_ =	strace $0x9FFFFFFF  }
0xc2: {  	(tm) =	ssettm $0x7FFFFFFF  }
0xc3: {  	_ =	shalt  }
tec
execute0_lowered:
.L_overlay_start_1:
0x0: {  	(tag) =	ssettag $0x1  }
0x1: {  	s0 =	srdreg.scid;
	s2 =	rddreg [dreg:$0x0]  }
0x2: {  	s1 =	stileid.u32;
	s4 =	rddreg [dreg:$0x1]  }
0x3: {  	s3 =	simm.s32 $0x0;
	s8 =	simm.s32 $0x2;
	s29 =	simm.s32 $0x980  }
0x4: {  	s30 =	simm.s32 $0x1180;
	s31 =	simm.s32 $0x1980;
	s10 =	simm.s32 $0x3180  }
0x5: {  	s11 =	simm.s32 $0x3980;
	s12 =	simm.s32 $0x4180;
	s13 =	simm.s32 $0x4980  }
0x6: {  	s14 =	simm.s32 $0x5180;
	s15 =	simm.s32 $0x5980;
	s16 =	simm.s32 $0x6180  }
0x7: {  	s17 =	simm.s32 $0x6980;
	s18 =	simm.s32 $0x7180;
	s19 =	simm.s32 $0x7980  }
0x8: {  	s20 =	simm.s32 $0x8180;
	s0 =	sand.u32 $0x1, s0;
	s1 =	sshll.u32 s1, $0x1  }
0x9: {  	s21 =	simm.s32 $0x8980;
	s22 =	simm.s32 $0x9180;
	s1 =	sor.u32 s0, s1  }
0xa: {  	s23 =	simm.s32 $0x9980;
	s24 =	simm.s32 $0xA180;
	s5 =	smul.u32 $0x14, s1  }
0xb: {  	[smem:$0x7FF] =	sst s3;
	s0 =	ssub.s32 $0x2, s0;
	s25 =	smul.u32 $0x28000, s1  }
0xc: {  	s6 =	sadd.s32 $0xA00, s4;
	s7 =	sshrl.u32 s0, $0x1;
	s1 =	smul.u32 $0x5000, s1  }
0xd: {  	_ =	strace $0x80000047;
	s0 =	ssub.s32 s0, s7;
	s5 =	sadd.s32 s5, s4  }
0xe: {  	s26 =	sshrl.u32 s25, $0x3;
	s4 =	sadd.s32 $0x100, s2;
	s1 =	sadd.s32 s6, s1  }
0xf: {  	s7 =	smax.u32 s0, $0x1;
	s0 =	simm.s32 $0x180;
	s25 =	simm.s32 $0xA980  }
0x10: {  	v2 =	vlaneseq.u32;
	s5 =	sadd.s32 $0x200, s5;
	s6 =	sadd.s32 s6, s26;
	[dreg:$0x4] =	wrdreg s1  }
0x11: {  	vm0 =	vmmov $0xffff;
	v1 =	vshrl.u32 v2, $0x3;
	s26 =	simm.s32 $0x1;
	[dreg:$0x3] =	wrdreg s5;
	s28 =	sadd.s32 $0x2800, s6  }
0x12: {  	v0 =	vand.u32 $0x7, v2;
	v2 =	vor.u32 $0x8, v2;
	v1 =	vmul.u32 $0x8, v1;
	s5 =	sadd.s32 $0x200, s2;
	s6 =	sadd.s32 $0x300, s2;
	[dreg:$0x5] =	wrdreg s28  }
.LBB2_1:
0x13: {  	s28 =	rddreg [dreg:$0x3]  }
0x14: {  	[tilespmem:s3], [sflag:$0x2] =	stream.linear.gather [hbm4b:s28+s3], $0xA0, $0x38;
	[tilespmem:$0x14180] =	vst v63  }
0x15: {  	_ =	swait.ge [sflag:s8], $0xA0  }
0x16: {  	[sflag:s8] =	ssyncset.done $0x0  }
0x17: {  	[sflag:s8] =	ssyncadd.s32 $0xFFFFFF60  }
0x18: {  	v3 =	vld [tilespmem:$0x0];
	_ =	sdelay $0x4  }
0x19: {  	v4 =	vshll.u32 v3, $0x3  }
0x1a: {  	v5 =	vld [tilespmem:$0x10];
	v6 =	vand.u32 $0x7, v3;
	v4 =	vand.u32 $0xFFFFFFC0, v4  }
0x1b: {  	v7 =	vld [tilespmem:$0x20];
	v4 =	vor.u32 v6, v4  }
0x1c: {  	v48 =	vld [tilespmem:$0x30];
	v8 =	vperm.xlane v4, v0  }
0x1d: {  	v9 =	vld [tilespmem:$0x40]  }
0x1e: {  	[tilespmem:$0x100] =	vst v3;
	v3 =	vadd.s32 v1, v8  }
0x1f: {  	[tilespmem:$0x110] =	vst v5  }
0x20: {  	[tilespmem:$0x120] =	vst v7  }
0x21: {  	[tilespmem:$0x130] =	vst v48  }
0x22: {  	[tilespmem:$0x140] =	vst v9  }
0x23: {  	[tilespmem:s0], [sflag:$0x1] =	stream.indirect_vreg.gather [hbm4b:s2+s3], $0x80, v3, vm0, $0xb8;
	[tilespmem:$0x14180] =	vst v63  }
0x24: {  	v4 =	vperm.xlane v4, v2  }
0x25: {  	[tilespmem:s29], [sflag:$0x1] =	stream.indirect_vreg.gather [hbm4b:s4+s3], $0x80, v3, vm0, $0xb8;
	[tilespmem:$0x14180] =	vst v63  }
0x26: {  	v4 =	vadd.s32 v1, v4  }
0x27: {  	[tilespmem:s30], [sflag:$0x1] =	stream.indirect_vreg.gather [hbm4b:s5+s3], $0x80, v3, vm0, $0xb8;
	[tilespmem:$0x14180] =	vst v63  }
0x28: {  	_ = 	snop  }
0x29: {  	[tilespmem:s31], [sflag:$0x1] =	stream.indirect_vreg.gather [hbm4b:s6+s3], $0x80, v3, vm0, $0xb8;
	[tilespmem:$0x14180] =	vst v63  }
0x2a: {  	s1 =	simm.s32 $0x2180  }
0x2b: {  	[tilespmem:s1], [sflag:$0x1] =	stream.indirect_vreg.gather [hbm4b:s2+s3], $0x80, v4, vm0, $0xb8;
	[tilespmem:$0x14180] =	vst v63  }
0x2c: {  	s9 =	simm.s32 $0x2980  }
0x2d: {  	[tilespmem:s9], [sflag:$0x1] =	stream.indirect_vreg.gather [hbm4b:s4+s3], $0x80, v4, vm0, $0xb8;
	[tilespmem:$0x14180] =	vst v63  }
0x2e: {  	_ = 	snop  }
0x2f: {  	[tilespmem:s10], [sflag:$0x1] =	stream.indirect_vreg.gather [hbm4b:s5+s3], $0x80, v4, vm0, $0xb8;
	[tilespmem:$0x14180] =	vst v63  }
0x30: {  	_ = 	snop  }
0x31: {  	[tilespmem:s11], [sflag:$0x1] =	stream.indirect_vreg.gather [hbm4b:s6+s3], $0x80, v4, vm0, $0xb8;
	[tilespmem:$0x14180] =	vst v63  }
0x32: {  	v3 =	vld [tilespmem:$0x110];
	_ =	sdelay $0x4  }
0x33: {  	v49 =	vshll.u32 v3, $0x3  }
0x34: {  	v3 =	vand.u32 $0x7, v3;
	v4 =	vand.u32 $0xFFFFFFC0, v49  }
0x35: {  	v3 =	vor.u32 v3, v4  }
0x36: {  	v4 =	vperm.xlane v3, v0;
	_ =	sdelay $0x1  }
0x37: {  	v4 =	vadd.s32 v1, v4;
	_ =	sdelay $0x4  }
0x38: {  	[tilespmem:s12], [sflag:$0x1] =	stream.indirect_vreg.gather [hbm4b:s2+s3], $0x80, v4, vm0, $0xb8;
	[tilespmem:$0x14180] =	vst v63  }
0x39: {  	v3 =	vperm.xlane v3, v2  }
0x3a: {  	[tilespmem:s13], [sflag:$0x1] =	stream.indirect_vreg.gather [hbm4b:s4+s3], $0x80, v4, vm0, $0xb8;
	[tilespmem:$0x14180] =	vst v63  }
0x3b: {  	v3 =	vadd.s32 v1, v3  }
0x3c: {  	[tilespmem:s14], [sflag:$0x1] =	stream.indirect_vreg.gather [hbm4b:s5+s3], $0x80, v4, vm0, $0xb8;
	[tilespmem:$0x14180] =	vst v63  }
0x3d: {  	_ = 	snop  }
0x3e: {  	[tilespmem:s15], [sflag:$0x1] =	stream.indirect_vreg.gather [hbm4b:s6+s3], $0x80, v4, vm0, $0xb8;
	[tilespmem:$0x14180] =	vst v63  }
0x3f: {  	_ = 	snop  }
0x40: {  	[tilespmem:s16], [sflag:$0x1] =	stream.indirect_vreg.gather [hbm4b:s2+s3], $0x80, v3, vm0, $0xb8;
	[tilespmem:$0x14180] =	vst v63  }
0x41: {  	_ = 	snop  }
0x42: {  	[tilespmem:s17], [sflag:$0x1] =	stream.indirect_vreg.gather [hbm4b:s4+s3], $0x80, v3, vm0, $0xb8;
	[tilespmem:$0x14180] =	vst v63  }
0x43: {  	_ = 	snop  }
0x44: {  	[tilespmem:s18], [sflag:$0x1] =	stream.indirect_vreg.gather [hbm4b:s5+s3], $0x80, v3, vm0, $0xb8;
	[tilespmem:$0x14180] =	vst v63  }
0x45: {  	_ = 	snop  }
0x46: {  	[tilespmem:s19], [sflag:$0x1] =	stream.indirect_vreg.gather [hbm4b:s6+s3], $0x80, v3, vm0, $0xb8;
	[tilespmem:$0x14180] =	vst v63  }
0x47: {  	v3 =	vld [tilespmem:$0x120];
	_ =	sdelay $0x4  }
0x48: {  	v50 =	vshll.u32 v3, $0x3  }
0x49: {  	v3 =	vand.u32 $0x7, v3;
	v4 =	vand.u32 $0xFFFFFFC0, v50  }
0x4a: {  	v3 =	vor.u32 v3, v4  }
0x4b: {  	v4 =	vperm.xlane v3, v0;
	_ =	sdelay $0x1  }
0x4c: {  	v4 =	vadd.s32 v1, v4;
	_ =	sdelay $0x4  }
0x4d: {  	[tilespmem:s20], [sflag:$0x1] =	stream.indirect_vreg.gather [hbm4b:s2+s3], $0x80, v4, vm0, $0xb8;
	[tilespmem:$0x14180] =	vst v63  }
0x4e: {  	v3 =	vperm.xlane v3, v2  }
0x4f: {  	[tilespmem:s21], [sflag:$0x1] =	stream.indirect_vreg.gather [hbm4b:s4+s3], $0x80, v4, vm0, $0xb8;
	[tilespmem:$0x14180] =	vst v63  }
0x50: {  	v3 =	vadd.s32 v1, v3  }
0x51: {  	[tilespmem:s22], [sflag:$0x1] =	stream.indirect_vreg.gather [hbm4b:s5+s3], $0x80, v4, vm0, $0xb8;
	[tilespmem:$0x14180] =	vst v63  }
0x52: {  	_ = 	snop  }
0x53: {  	[tilespmem:s23], [sflag:$0x1] =	stream.indirect_vreg.gather [hbm4b:s6+s3], $0x80, v4, vm0, $0xb8;
	[tilespmem:$0x14180] =	vst v63  }
0x54: {  	_ = 	snop  }
0x55: {  	[tilespmem:s24], [sflag:$0x1] =	stream.indirect_vreg.gather [hbm4b:s2+s3], $0x80, v3, vm0, $0xb8;
	[tilespmem:$0x14180] =	vst v63  }
0x56: {  	_ = 	snop  }
0x57: {  	[tilespmem:s25], [sflag:$0x1] =	stream.indirect_vreg.gather [hbm4b:s4+s3], $0x80, v3, vm0, $0xb8;
	[tilespmem:$0x14180] =	vst v63  }
0x58: {  	s9 =	simm.s32 $0xB180  }
0x59: {  	[tilespmem:s9], [sflag:$0x1] =	stream.indirect_vreg.gather [hbm4b:s5+s3], $0x80, v3, vm0, $0xb8;
	[tilespmem:$0x14180] =	vst v63  }
0x5a: {  	s28 =	simm.s32 $0xB980  }
0x5b: {  	[tilespmem:s28], [sflag:$0x1] =	stream.indirect_vreg.gather [hbm4b:s6+s3], $0x80, v3, vm0, $0xb8;
	[tilespmem:$0x14180] =	vst v63  }
0x5c: {  	v3 =	vld [tilespmem:$0x130];
	_ =	sdelay $0x4  }
0x5d: {  	v51 =	vshll.u32 v3, $0x3  }
0x5e: {  	v3 =	vand.u32 $0x7, v3;
	v4 =	vand.u32 $0xFFFFFFC0, v51  }
0x5f: {  	v3 =	vor.u32 v3, v4  }
0x60: {  	v4 =	vperm.xlane v3, v0;
	_ =	sdelay $0x1  }
0x61: {  	v4 =	vadd.s32 v1, v4;
	_ =	sdelay $0x3  }
0x62: {  	s28 =	simm.s32 $0xC180  }
0x63: {  	[tilespmem:s28], [sflag:$0x1] =	stream.indirect_vreg.gather [hbm4b:s2+s3], $0x80, v4, vm0, $0xb8;
	[tilespmem:$0x14180] =	vst v63  }
0x64: {  	v3 =	vperm.xlane v3, v2;
	s28 =	simm.s32 $0xC980  }
0x65: {  	[tilespmem:s28], [sflag:$0x1] =	stream.indirect_vreg.gather [hbm4b:s4+s3], $0x80, v4, vm0, $0xb8;
	[tilespmem:$0x14180] =	vst v63  }
0x66: {  	v3 =	vadd.s32 v1, v3;
	s28 =	simm.s32 $0xD180  }
0x67: {  	[tilespmem:s28], [sflag:$0x1] =	stream.indirect_vreg.gather [hbm4b:s5+s3], $0x80, v4, vm0, $0xb8;
	[tilespmem:$0x14180] =	vst v63  }
0x68: {  	s28 =	simm.s32 $0xD980  }
0x69: {  	[tilespmem:s28], [sflag:$0x1] =	stream.indirect_vreg.gather [hbm4b:s6+s3], $0x80, v4, vm0, $0xb8;
	[tilespmem:$0x14180] =	vst v63  }
0x6a: {  	s28 =	simm.s32 $0xE180  }
0x6b: {  	[tilespmem:s28], [sflag:$0x1] =	stream.indirect_vreg.gather [hbm4b:s2+s3], $0x80, v3, vm0, $0xb8;
	[tilespmem:$0x14180] =	vst v63  }
0x6c: {  	s28 =	simm.s32 $0xE980  }
0x6d: {  	[tilespmem:s28], [sflag:$0x1] =	stream.indirect_vreg.gather [hbm4b:s4+s3], $0x80, v3, vm0, $0xb8;
	[tilespmem:$0x14180] =	vst v63  }
0x6e: {  	s28 =	simm.s32 $0xF180  }
0x6f: {  	[tilespmem:s28], [sflag:$0x1] =	stream.indirect_vreg.gather [hbm4b:s5+s3], $0x80, v3, vm0, $0xb8;
	[tilespmem:$0x14180] =	vst v63  }
0x70: {  	s28 =	simm.s32 $0xF980  }
0x71: {  	[tilespmem:s28], [sflag:$0x1] =	stream.indirect_vreg.gather [hbm4b:s6+s3], $0x80, v3, vm0, $0xb8;
	[tilespmem:$0x14180] =	vst v63  }
0x72: {  	v3 =	vld [tilespmem:$0x140];
	_ =	sdelay $0x4  }
0x73: {  	v52 =	vshll.u32 v3, $0x3  }
0x74: {  	v3 =	vand.u32 $0x7, v3;
	v4 =	vand.u32 $0xFFFFFFC0, v52  }
0x75: {  	v3 =	vor.u32 v3, v4  }
0x76: {  	v4 =	vperm.xlane v3, v0;
	_ =	sdelay $0x1  }
0x77: {  	v4 =	vadd.s32 v1, v4;
	_ =	sdelay $0x3  }
0x78: {  	s28 =	simm.s32 $0x10180  }
0x79: {  	[tilespmem:s28], [sflag:$0x1] =	stream.indirect_vreg.gather [hbm4b:s2+s3], $0x80, v4, vm0, $0xb8;
	[tilespmem:$0x14180] =	vst v63  }
0x7a: {  	v3 =	vperm.xlane v3, v2;
	s28 =	simm.s32 $0x10980  }
0x7b: {  	[tilespmem:s28], [sflag:$0x1] =	stream.indirect_vreg.gather [hbm4b:s4+s3], $0x80, v4, vm0, $0xb8;
	[tilespmem:$0x14180] =	vst v63  }
0x7c: {  	v3 =	vadd.s32 v1, v3;
	s28 =	simm.s32 $0x11180  }
0x7d: {  	[tilespmem:s28], [sflag:$0x1] =	stream.indirect_vreg.gather [hbm4b:s5+s3], $0x80, v4, vm0, $0xb8;
	[tilespmem:$0x14180] =	vst v63  }
0x7e: {  	s28 =	simm.s32 $0x11980  }
0x7f: {  	[tilespmem:s28], [sflag:$0x1] =	stream.indirect_vreg.gather [hbm4b:s6+s3], $0x80, v4, vm0, $0xb8;
	[tilespmem:$0x14180] =	vst v63  }
0x80: {  	s28 =	simm.s32 $0x12180  }
0x81: {  	[tilespmem:s28], [sflag:$0x1] =	stream.indirect_vreg.gather [hbm4b:s2+s3], $0x80, v3, vm0, $0xb8;
	[tilespmem:$0x14180] =	vst v63  }
0x82: {  	s28 =	simm.s32 $0x12980  }
0x83: {  	[tilespmem:s28], [sflag:$0x1] =	stream.indirect_vreg.gather [hbm4b:s4+s3], $0x80, v3, vm0, $0xb8;
	[tilespmem:$0x14180] =	vst v63  }
0x84: {  	s28 =	simm.s32 $0x13180  }
0x85: {  	[tilespmem:s28], [sflag:$0x1] =	stream.indirect_vreg.gather [hbm4b:s5+s3], $0x80, v3, vm0, $0xb8;
	[tilespmem:$0x14180] =	vst v63  }
0x86: {  	s28 =	simm.s32 $0x13980  }
0x87: {  	[tilespmem:s28], [sflag:$0x1] =	stream.indirect_vreg.gather [hbm4b:s6+s3], $0x80, v3, vm0, $0xb8;
	[tilespmem:$0x14180] =	vst v63  }
0x88: {  	_ =	swait.ge [sflag:s26], $0x14000  }
0x89: {  	[sflag:s26] =	ssyncset.done $0x0  }
0x8a: {  	s28 =	rddreg [dreg:$0x4];
	[sflag:s26] =	ssyncadd.s32 $0xFFFEC000  }
0x8b: {  	[hbm4b:s28+s3] =	stream.linear.scatter [tilespmem:s0], [sflag:$0x2], $0x14000, $0x38;
	[tilespmem:$0x14180] =	vst v63  }
0x8c: {  	_ =	swait.ge [sflag:s8], $0x14000  }
0x8d: {  	[sflag:s8] =	ssyncset.done $0x0  }
0x8e: {  	[sflag:s8] =	ssyncadd.s32 $0xFFFEC000  }
0x8f: {  	v3 =	vld [tilespmem:$0x50];
	_ =	sdelay $0x4  }
0x90: {  	v53 =	vshll.u32 v3, $0x3  }
0x91: {  	v54 =	vld [tilespmem:$0x60];
	v55 =	vand.u32 $0x7, v3;
	v4 =	vand.u32 $0xFFFFFFC0, v53  }
0x92: {  	v56 =	vld [tilespmem:$0x70];
	v4 =	vor.u32 v55, v4  }
0x93: {  	v57 =	vld [tilespmem:$0x80];
	v58 =	vperm.xlane v4, v0  }
0x94: {  	v59 =	vld [tilespmem:$0x90]  }
0x95: {  	[tilespmem:$0x100] =	vst v3;
	v3 =	vadd.s32 v1, v58  }
0x96: {  	[tilespmem:$0x110] =	vst v54  }
0x97: {  	[tilespmem:$0x120] =	vst v56  }
0x98: {  	[tilespmem:$0x130] =	vst v57  }
0x99: {  	[tilespmem:$0x140] =	vst v59  }
0x9a: {  	[tilespmem:s0], [sflag:$0x1] =	stream.indirect_vreg.gather [hbm4b:s2+s3], $0x80, v3, vm0, $0xb8;
	[tilespmem:$0x14180] =	vst v63  }
0x9b: {  	v4 =	vperm.xlane v4, v2  }
0x9c: {  	[tilespmem:s29], [sflag:$0x1] =	stream.indirect_vreg.gather [hbm4b:s4+s3], $0x80, v3, vm0, $0xb8;
	[tilespmem:$0x14180] =	vst v63  }
0x9d: {  	v4 =	vadd.s32 v1, v4  }
0x9e: {  	[tilespmem:s30], [sflag:$0x1] =	stream.indirect_vreg.gather [hbm4b:s5+s3], $0x80, v3, vm0, $0xb8;
	[tilespmem:$0x14180] =	vst v63  }
0x9f: {  	_ = 	snop  }
0xa0: {  	[tilespmem:s31], [sflag:$0x1] =	stream.indirect_vreg.gather [hbm4b:s6+s3], $0x80, v3, vm0, $0xb8;
	[tilespmem:$0x14180] =	vst v63  }
0xa1: {  	_ = 	snop  }
0xa2: {  	[tilespmem:s1], [sflag:$0x1] =	stream.indirect_vreg.gather [hbm4b:s2+s3], $0x80, v4, vm0, $0xb8;
	[tilespmem:$0x14180] =	vst v63  }
0xa3: {  	s28 =	simm.s32 $0x2980  }
0xa4: {  	[tilespmem:s28], [sflag:$0x1] =	stream.indirect_vreg.gather [hbm4b:s4+s3], $0x80, v4, vm0, $0xb8;
	[tilespmem:$0x14180] =	vst v63  }
0xa5: {  	_ = 	snop  }
0xa6: {  	[tilespmem:s10], [sflag:$0x1] =	stream.indirect_vreg.gather [hbm4b:s5+s3], $0x80, v4, vm0, $0xb8;
	[tilespmem:$0x14180] =	vst v63  }
0xa7: {  	_ = 	snop  }
0xa8: {  	[tilespmem:s11], [sflag:$0x1] =	stream.indirect_vreg.gather [hbm4b:s6+s3], $0x80, v4, vm0, $0xb8;
	[tilespmem:$0x14180] =	vst v63  }
0xa9: {  	v3 =	vld [tilespmem:$0x110];
	_ =	sdelay $0x4  }
0xaa: {  	v60 =	vshll.u32 v3, $0x3  }
0xab: {  	v3 =	vand.u32 $0x7, v3;
	v4 =	vand.u32 $0xFFFFFFC0, v60  }
0xac: {  	v3 =	vor.u32 v3, v4  }
0xad: {  	v4 =	vperm.xlane v3, v0;
	_ =	sdelay $0x1  }
0xae: {  	v4 =	vadd.s32 v1, v4;
	_ =	sdelay $0x4  }
0xaf: {  	[tilespmem:s12], [sflag:$0x1] =	stream.indirect_vreg.gather [hbm4b:s2+s3], $0x80, v4, vm0, $0xb8;
	[tilespmem:$0x14180] =	vst v63  }
0xb0: {  	v3 =	vperm.xlane v3, v2  }
0xb1: {  	[tilespmem:s13], [sflag:$0x1] =	stream.indirect_vreg.gather [hbm4b:s4+s3], $0x80, v4, vm0, $0xb8;
	[tilespmem:$0x14180] =	vst v63  }
0xb2: {  	v3 =	vadd.s32 v1, v3  }
0xb3: {  	[tilespmem:s14], [sflag:$0x1] =	stream.indirect_vreg.gather [hbm4b:s5+s3], $0x80, v4, vm0, $0xb8;
	[tilespmem:$0x14180] =	vst v63  }
0xb4: {  	_ = 	snop  }
0xb5: {  	[tilespmem:s15], [sflag:$0x1] =	stream.indirect_vreg.gather [hbm4b:s6+s3], $0x80, v4, vm0, $0xb8;
	[tilespmem:$0x14180] =	vst v63  }
0xb6: {  	_ = 	snop  }
0xb7: {  	[tilespmem:s16], [sflag:$0x1] =	stream.indirect_vreg.gather [hbm4b:s2+s3], $0x80, v3, vm0, $0xb8;
	[tilespmem:$0x14180] =	vst v63  }
0xb8: {  	_ = 	snop  }
0xb9: {  	[tilespmem:s17], [sflag:$0x1] =	stream.indirect_vreg.gather [hbm4b:s4+s3], $0x80, v3, vm0, $0xb8;
	[tilespmem:$0x14180] =	vst v63  }
0xba: {  	_ = 	snop  }
0xbb: {  	[tilespmem:s18], [sflag:$0x1] =	stream.indirect_vreg.gather [hbm4b:s5+s3], $0x80, v3, vm0, $0xb8;
	[tilespmem:$0x14180] =	vst v63  }
0xbc: {  	_ = 	snop  }
0xbd: {  	[tilespmem:s19], [sflag:$0x1] =	stream.indirect_vreg.gather [hbm4b:s6+s3], $0x80, v3, vm0, $0xb8;
	[tilespmem:$0x14180] =	vst v63  }
0xbe: {  	v3 =	vld [tilespmem:$0x120];
	_ =	sdelay $0x4  }
0xbf: {  	v61 =	vshll.u32 v3, $0x3  }
0xc0: {  	v3 =	vand.u32 $0x7, v3;
	v4 =	vand.u32 $0xFFFFFFC0, v61  }
0xc1: {  	v3 =	vor.u32 v3, v4  }
0xc2: {  	v4 =	vperm.xlane v3, v0;
	_ =	sdelay $0x1  }
0xc3: {  	v4 =	vadd.s32 v1, v4;
	_ =	sdelay $0x4  }
0xc4: {  	[tilespmem:s20], [sflag:$0x1] =	stream.indirect_vreg.gather [hbm4b:s2+s3], $0x80, v4, vm0, $0xb8;
	[tilespmem:$0x14180] =	vst v63  }
0xc5: {  	v3 =	vperm.xlane v3, v2  }
0xc6: {  	[tilespmem:s21], [sflag:$0x1] =	stream.indirect_vreg.gather [hbm4b:s4+s3], $0x80, v4, vm0, $0xb8;
	[tilespmem:$0x14180] =	vst v63  }
0xc7: {  	v3 =	vadd.s32 v1, v3  }
0xc8: {  	[tilespmem:s22], [sflag:$0x1] =	stream.indirect_vreg.gather [hbm4b:s5+s3], $0x80, v4, vm0, $0xb8;
	[tilespmem:$0x14180] =	vst v63  }
0xc9: {  	_ = 	snop  }
0xca: {  	[tilespmem:s23], [sflag:$0x1] =	stream.indirect_vreg.gather [hbm4b:s6+s3], $0x80, v4, vm0, $0xb8;
	[tilespmem:$0x14180] =	vst v63  }
0xcb: {  	_ = 	snop  }
0xcc: {  	[tilespmem:s24], [sflag:$0x1] =	stream.indirect_vreg.gather [hbm4b:s2+s3], $0x80, v3, vm0, $0xb8;
	[tilespmem:$0x14180] =	vst v63  }
0xcd: {  	_ = 	snop  }
0xce: {  	[tilespmem:s25], [sflag:$0x1] =	stream.indirect_vreg.gather [hbm4b:s4+s3], $0x80, v3, vm0, $0xb8;
	[tilespmem:$0x14180] =	vst v63  }
0xcf: {  	_ = 	snop  }
0xd0: {  	[tilespmem:s9], [sflag:$0x1] =	stream.indirect_vreg.gather [hbm4b:s5+s3], $0x80, v3, vm0, $0xb8;
	[tilespmem:$0x14180] =	vst v63  }
0xd1: {  	s28 =	simm.s32 $0xB980  }
0xd2: {  	[tilespmem:s28], [sflag:$0x1] =	stream.indirect_vreg.gather [hbm4b:s6+s3], $0x80, v3, vm0, $0xb8;
	[tilespmem:$0x14180] =	vst v63  }
0xd3: {  	v3 =	vld [tilespmem:$0x130];
	_ =	sdelay $0x4  }
0xd4: {  	v62 =	vshll.u32 v3, $0x3  }
0xd5: {  	v3 =	vand.u32 $0x7, v3;
	v4 =	vand.u32 $0xFFFFFFC0, v62  }
0xd6: {  	v3 =	vor.u32 v3, v4  }
0xd7: {  	v4 =	vperm.xlane v3, v0;
	_ =	sdelay $0x1  }
0xd8: {  	v4 =	vadd.s32 v1, v4;
	_ =	sdelay $0x3  }
0xd9: {  	s9 =	simm.s32 $0xC180  }
0xda: {  	[tilespmem:s9], [sflag:$0x1] =	stream.indirect_vreg.gather [hbm4b:s2+s3], $0x80, v4, vm0, $0xb8;
	[tilespmem:$0x14180] =	vst v63  }
0xdb: {  	s28 =	simm.s32 $0xC980;
	v3 =	vperm.xlane v3, v2  }
0xdc: {  	[tilespmem:s28], [sflag:$0x1] =	stream.indirect_vreg.gather [hbm4b:s4+s3], $0x80, v4, vm0, $0xb8;
	[tilespmem:$0x14180] =	vst v63  }
0xdd: {  	v3 =	vadd.s32 v1, v3;
	s9 =	simm.s32 $0xD180  }
0xde: {  	[tilespmem:s9], [sflag:$0x1] =	stream.indirect_vreg.gather [hbm4b:s5+s3], $0x80, v4, vm0, $0xb8;
	[tilespmem:$0x14180] =	vst v63  }
0xdf: {  	s28 =	simm.s32 $0xD980  }
0xe0: {  	[tilespmem:s28], [sflag:$0x1] =	stream.indirect_vreg.gather [hbm4b:s6+s3], $0x80, v4, vm0, $0xb8;
	[tilespmem:$0x14180] =	vst v63  }
0xe1: {  	s9 =	simm.s32 $0xE180  }
0xe2: {  	[tilespmem:s9], [sflag:$0x1] =	stream.indirect_vreg.gather [hbm4b:s2+s3], $0x80, v3, vm0, $0xb8;
	[tilespmem:$0x14180] =	vst v63  }
0xe3: {  	s28 =	simm.s32 $0xE980  }
0xe4: {  	[tilespmem:s28], [sflag:$0x1] =	stream.indirect_vreg.gather [hbm4b:s4+s3], $0x80, v3, vm0, $0xb8;
	[tilespmem:$0x14180] =	vst v63  }
0xe5: {  	s9 =	simm.s32 $0xF180  }
0xe6: {  	[tilespmem:s9], [sflag:$0x1] =	stream.indirect_vreg.gather [hbm4b:s5+s3], $0x80, v3, vm0, $0xb8;
	[tilespmem:$0x14180] =	vst v63  }
0xe7: {  	s28 =	simm.s32 $0xF980  }
0xe8: {  	[tilespmem:s28], [sflag:$0x1] =	stream.indirect_vreg.gather [hbm4b:s6+s3], $0x80, v3, vm0, $0xb8;
	[tilespmem:$0x14180] =	vst v63  }
0xe9: {  	v3 =	vld [tilespmem:$0x140];
	_ =	sdelay $0x4  }
0xea: {  	v63 =	vshll.u32 v3, $0x3  }
0xeb: {  	v3 =	vand.u32 $0x7, v3;
	v4 =	vand.u32 $0xFFFFFFC0, v63  }
0xec: {  	v3 =	vor.u32 v3, v4  }
0xed: {  	v4 =	vperm.xlane v3, v0;
	_ =	sdelay $0x1  }
0xee: {  	v4 =	vadd.s32 v1, v4;
	_ =	sdelay $0x3  }
0xef: {  	s9 =	simm.s32 $0x10180  }
0xf0: {  	[tilespmem:s9], [sflag:$0x1] =	stream.indirect_vreg.gather [hbm4b:s2+s3], $0x80, v4, vm0, $0xb8;
	[tilespmem:$0x14180] =	vst v63  }
0xf1: {  	s28 =	simm.s32 $0x10980;
	v3 =	vperm.xlane v3, v2  }
0xf2: {  	[tilespmem:s28], [sflag:$0x1] =	stream.indirect_vreg.gather [hbm4b:s4+s3], $0x80, v4, vm0, $0xb8;
	[tilespmem:$0x14180] =	vst v63  }
0xf3: {  	v3 =	vadd.s32 v1, v3;
	s9 =	simm.s32 $0x11180  }
0xf4: {  	[tilespmem:s9], [sflag:$0x1] =	stream.indirect_vreg.gather [hbm4b:s5+s3], $0x80, v4, vm0, $0xb8;
	[tilespmem:$0x14180] =	vst v63  }
0xf5: {  	s28 =	simm.s32 $0x11980  }
0xf6: {  	[tilespmem:s28], [sflag:$0x1] =	stream.indirect_vreg.gather [hbm4b:s6+s3], $0x80, v4, vm0, $0xb8;
	[tilespmem:$0x14180] =	vst v63  }
0xf7: {  	s9 =	simm.s32 $0x12180  }
0xf8: {  	[tilespmem:s9], [sflag:$0x1] =	stream.indirect_vreg.gather [hbm4b:s2+s3], $0x80, v3, vm0, $0xb8;
	[tilespmem:$0x14180] =	vst v63  }
0xf9: {  	s28 =	simm.s32 $0x12980  }
0xfa: {  	[tilespmem:s28], [sflag:$0x1] =	stream.indirect_vreg.gather [hbm4b:s4+s3], $0x80, v3, vm0, $0xb8;
	[tilespmem:$0x14180] =	vst v63  }
0xfb: {  	s9 =	simm.s32 $0x13180  }
0xfc: {  	[tilespmem:s9], [sflag:$0x1] =	stream.indirect_vreg.gather [hbm4b:s5+s3], $0x80, v3, vm0, $0xb8;
	[tilespmem:$0x14180] =	vst v63  }
0xfd: {  	s28 =	simm.s32 $0x13980  }
0xfe: {  	[tilespmem:s28], [sflag:$0x1] =	stream.indirect_vreg.gather [hbm4b:s6+s3], $0x80, v3, vm0, $0xb8;
	[tilespmem:$0x14180] =	vst v63  }
0xff: {  	_ =	swait.ge [sflag:s26], $0x14000  }
0x100: {  	p0 =	sne.s32 s7, $0x1;
	[sflag:s26] =	ssyncset.done $0x0  }
.Ltmp0:
0x101: {  	s9 =	rddreg [dreg:$0x5];
	[sflag:s26] =	ssyncadd.s32 $0xFFFEC000;
	(pc) =	sbr.rel @p0 .LBB2_1-.Ltmp0, $4  }
0x102: {  	[hbm4b:s9+s3] =	stream.linear.scatter [tilespmem:s0], [sflag:$0x2], $0x14000, $0x38;
	[tilespmem:$0x14180] =	vst v63  }
0x103: {  	_ =	swait.ge [sflag:s8], $0x14000  }
0x104: {  	[sflag:s8] =	ssyncset.done $0x0  }
0x105: {  	s7 =	sadd.s32 $0xFFFFFFFF, s7;
	[sflag:s8] =	ssyncadd.s32 $0xFFFEC000  }
0x106: {  	_ =	sfence.sel $0x180000  }
0x107: {  	[bflag:$0x0] =	sbarrier.arrive $0xFFFF  }
0x108: {  	_ =	strace $0x90000047  }
0x109: {  	s0 =	stileid.u32;
	[bflag:$0x2] =	sbarrier.arrive $0xFFFF  }
0x10a: {  	p0 =	sne.s32 s0, $0x0;
	s0 =	rddreg [dreg:$0x2]  }
0x10b: {  	s0 =	sadd.s32 @!p0 $0x100000, s0  }
0x10c: {  	[sflag:s0] =	ssyncadd.tile.s32 @!p0 $0x1;
	_ =	shalt  }
.Lfunc_end2:
_tile_overlayer_lowered:
.L_overlay_start_2:
0x10d: {  	(tag) =	ssettag $0x2  }
0x10e: {  	s0 =	rddreg [dreg:$0x0];
	s2 =	stileid.u32  }
0x10f: {  	s1 =	rddreg [dreg:$0x1];
	p0 =	sne.s32 s2, $0x0  }
0x110: {  	s3 =	rddreg [dreg:$0x2];
	[bflag:$0x3] =	sbarrier.arrive $0xFFFF;
	s2 =	simm.s32 @!p0 $0x1C02  }
0x111: {  	[timem:s3], [sflag:s2] =	dma.local @!p0 [hbm:s0], s1  }
0x112: {  	s0 =	simm.s32 @!p0 $0x2  }
0x113: {  	_ =	swait.ge @!p0 [sflag:s0], s1  }
0x114: {  	s1 =	ssub.s32 @!p0 $0x0, s1;
	[sflag:s0] =	ssyncset.done @!p0 $0x0  }
0x115: {  	[sflag:s0] =	ssyncadd.s32 @!p0 s1  }
0x116: {  	[bflag:$0x3] =	sbarrier.arrive $0xFFFF  }
0x117: {  	_ =	shalt  }

// kernel: kernel.13.cloned.1.call-start
scs
__scs_entry_jumppad:
0x0: {  	(pc) =	sbr.rel $0x88, $3  }
0x1: {  	(tag) =	ssettag $0x0;
	lr =	simm.s32 $0x1  }
0x2: {  	[smem:$0x3F97] =	sst lr;
	_ =	strace $0xD0000000  }
0x3: {  	_ = 	snop  }
0x4: {  	_ = 	snop  }
0x5: {  	_ = 	snop  }
0x6: {  	_ = 	snop  }
0x7: {  	_ = 	snop  }
__scs_overlays_trampoline_lowered:
0x8: {  	[smem:$0x3FA6] =	sst s0  }
0x9: {  	[smem:$0x3FA7] =	sst s1  }
0xa: {  	[smem:$0x3FA8] =	sst s2  }
0xb: {  	[smem:$0x3FA9] =	sst s3  }
0xc: {  	[smem:$0x3FAA] =	sst s4  }
0xd: {  	[smem:$0x3FAB] =	sst s5  }
0xe: {  	[smem:$0x3FAC] =	sst s6  }
0xf: {  	[smem:$0x3FAD] =	sst s7  }
0x10: {  	[smem:$0x3FAE] =	sst s8  }
0x11: {  	[smem:$0x3FAF] =	sst s9;
	s0 =	simm.s32 @!p0 $0x0  }
0x12: {  	s1 =	sld [smem:$0x3F95];
	s0 =	simm.s32 @p0 $0x1  }
0x13: {  	[smem:$0x3FB0] =	sst s0;
	s0 =	simm.s32 @!p1 $0x0  }
0x14: {  	s2 =	sld [smem:$0x3F94];
	s0 =	simm.s32 @p1 $0x1  }
0x15: {  	[smem:$0x3FB1] =	sst s0;
	s0 =	simm.s32 @!p2 $0x0  }
0x16: {  	s3 =	sld [smem:$0x3FDB];
	s0 =	simm.s32 @p2 $0x1  }
0x17: {  	s4 =	simm.s32 $0x1BF5;
	[smem:$0x3FB3] =	sst s0  }
0x18: {  	s0 =	sld [smem:$0x3F96];
	_ =	swait.ge [sflag:s4], $0x0  }
0x19: {  	s7 =	sld [smem:$0x3F97]  }
0x1a: {  	s8 =	sadd.s32 $0xFFFFE003, lr  }
0x1b: {  	s9 =	sadd.s32 $0xFFFFFEF7, lr;
	s5 =	simm.s32 $0xFFFFFFFF;
	p2 =	slt.u32 s8, $0xFFFFF086  }
0x1c: {  	p1 =	slt.u32 s9, $0xF7A;
	s5 =	simm.s32 @!p2 $0x0  }
0x1d: {  	s5 =	simm.s32 @p1 $0x1;
	p0 =	seq.s32 s7, s2  }
0x1e: {  	s7 =	smul.u32 @!p0 $0xF7A, s2;
	p2 =	seq.s32 @!p0 s5, $0x0  }
0x1f: {  	s9 =	smul.u32 $0xF7A, s1;
	s8 =	simm.s32 @!p0 $0x1BF5;
	p2 =	por !p2, p0  }
0x20: {  	[sflag:s8] =	ssyncset.s32 @!p0 $0xFFFFF086;
	s6 =	sadd.s32 @!p0 s3, s7;
	s7 =	simm.s32 @!p0 $0x108  }
0x21: {  	s3 =	sadd.s32 s3, s9;
	s6 =	sadd.s32 @!p0 $0x88, s6;
	s7 =	simm.s32 @p2 $0x1082  }
0x22: {  	[simem:s7], [sflag:s8] =	dma.local @!p0 [hbm:s6], $0xF7A  }
0x23: {  	s9 =	sor.u32 $0xD0000000, s2;
	s6 =	simm.s32 $0x108;
	_ =	swait.ge @!p0 [sflag:s8], $0x0  }
0x24: {  	s3 =	sadd.s32 $0x88, s3;
	s6 =	simm.s32 @!p1 $0x1082;
	[sflag:s4] =	ssyncset.s32 $0xFFFFF086  }
0x25: {  	[simem:s6], [sflag:s4] =	dma.local [hbm:s3], $0xF7A  }
0x26: {  	[smem:$0x3F97] =	sst s1;
	(tag) =	ssettag s2;
	_ =	strace s9  }
0x27: {  	s1 =	sld [smem:$0x3FA7]  }
0x28: {  	s2 =	sld [smem:$0x3FA8]  }
0x29: {  	s4 =	sld [smem:$0x3FAA]  }
0x2a: {  	p0 =	seq.s32 s5, $0x0;
	s5 =	sld [smem:$0x3FAB]  }
0x2b: {  	s6 =	sld [smem:$0x3FAC]  }
0x2c: {  	s7 =	sld [smem:$0x3FAD]  }
0x2d: {  	s3 =	simm.s32 $0x108;
	s8 =	sld [smem:$0x3FAE]  }
0x2e: {  	s3 =	simm.s32 @!p0 $0x1082;
	s9 =	sld [smem:$0x3FAF]  }
0x2f: {  	lr =	sadd.s32 s0, s3;
	s0 =	sld [smem:$0x3FA6]  }
0x30: {  	s3 =	sld [smem:$0x3FA9]  }
0x31: {  	[smem:$0x3FB2] =	sst s10  }
0x32: {  	s10 =	sld [smem:$0x3FB0];
	_ =	sdelay $0x3  }
0x33: {  	p0 =	seq.s32 s10, $0x1;
	s10 =	sld [smem:$0x3FB2];
	_ =	sdelay $0x3  }
0x34: {  	[smem:$0x3FB2] =	sst s10  }
0x35: {  	s10 =	sld [smem:$0x3FB1];
	_ =	sdelay $0x3  }
0x36: {  	p1 =	seq.s32 s10, $0x1;
	s10 =	sld [smem:$0x3FB2];
	_ =	sdelay $0x3  }
0x37: {  	[smem:$0x3FB2] =	sst s10  }
0x38: {  	s10 =	sld [smem:$0x3FB3]  }
0x39: {  	_ = 	snop;
	(pc) =	sbr.ind lr, $3  }
0x3a: {  	_ = 	snop  }
0x3b: {  	_ = 	snop  }
0x3c: {  	p2 =	seq.s32 s10, $0x1;
	s10 =	sld [smem:$0x3FB2]  }
0x3d: {  	_ =	shalt  }
0x3e: {  	_ =	shalt  }
0x3f: {  	_ =	shalt  }
0x40: {  	_ =	shalt  }
0x41: {  	_ =	shalt  }
0x42: {  	_ =	shalt  }
0x43: {  	_ =	shalt  }
0x44: {  	_ =	shalt  }
0x45: {  	_ =	shalt  }
0x46: {  	_ =	shalt  }
0x47: {  	_ =	shalt  }
0x48: {  	_ =	shalt  }
0x49: {  	_ =	shalt  }
0x4a: {  	_ =	shalt  }
0x4b: {  	_ =	shalt  }
0x4c: {  	_ =	shalt  }
0x4d: {  	_ =	shalt  }
0x4e: {  	_ =	shalt  }
0x4f: {  	_ =	shalt  }
0x50: {  	_ =	shalt  }
0x51: {  	_ =	shalt  }
0x52: {  	_ =	shalt  }
0x53: {  	_ =	shalt  }
0x54: {  	_ =	shalt  }
0x55: {  	_ =	shalt  }
0x56: {  	_ =	shalt  }
0x57: {  	_ =	shalt  }
0x58: {  	_ =	shalt  }
0x59: {  	_ =	shalt  }
0x5a: {  	_ =	shalt  }
0x5b: {  	_ =	shalt  }
0x5c: {  	_ =	shalt  }
0x5d: {  	_ =	shalt  }
0x5e: {  	_ =	shalt  }
0x5f: {  	_ =	shalt  }
0x60: {  	_ =	shalt  }
0x61: {  	_ =	shalt  }
0x62: {  	_ =	shalt  }
0x63: {  	_ =	shalt  }
0x64: {  	_ =	shalt  }
0x65: {  	_ =	shalt  }
0x66: {  	_ =	shalt  }
0x67: {  	_ =	shalt  }
0x68: {  	_ =	shalt  }
0x69: {  	_ =	shalt  }
0x6a: {  	_ =	shalt  }
0x6b: {  	_ =	shalt  }
0x6c: {  	_ =	shalt  }
0x6d: {  	_ =	shalt  }
0x6e: {  	_ =	shalt  }
0x6f: {  	_ =	shalt  }
0x70: {  	_ =	shalt  }
0x71: {  	_ =	shalt  }
0x72: {  	_ =	shalt  }
0x73: {  	_ =	shalt  }
0x74: {  	_ =	shalt  }
0x75: {  	_ =	shalt  }
0x76: {  	_ =	shalt  }
0x77: {  	_ =	shalt  }
0x78: {  	_ =	shalt  }
0x79: {  	_ =	shalt  }
0x7a: {  	_ =	shalt  }
0x7b: {  	_ =	shalt  }
0x7c: {  	_ =	shalt  }
0x7d: {  	_ =	shalt  }
0x7e: {  	_ =	shalt  }
0x7f: {  	_ =	shalt  }
0x80: {  	_ =	shalt  }
0x81: {  	_ =	shalt  }
0x82: {  	_ =	shalt  }
0x83: {  	_ =	shalt  }
0x84: {  	_ =	shalt  }
0x85: {  	_ =	shalt  }
0x86: {  	_ =	shalt  }
0x87: {  	_ =	shalt  }
.Lfunc_end0:
.L_simem_size_0:
called_computation.1_lowered:
.L_overlay_start_0:
0x88: {  	s2 =	sld [smem:$0x3FD9]  }
0x89: {  	s3 =	sld [smem:$0x3FFE];
	_ =	sdelay $0x1  }
0x8a: {  	s1 =	srdreg.scid  }
0x8b: {  	s0 =	sand.u32 $0x1, s1  }
0x8c: {  	s14 =	sshll.u32 s0, $0xA;
	s2 =	sadd.s32 s3, s2  }
0x8d: {  	s2 =	sadd.s32 s2, s14  }
0x8e: {  	[smem:$0x3FBE] =	sst s2  }
0x8f: {  	_ = 	snop  }
0x90: {  	s2 =	sld [smem:$0x3FD0];
	_ =	sdelay $0x2  }
0x91: {  	s15 =	simm.s32 $0xA;
	s4 =	simm.s32 $0x10  }
0x92: {  	[smem:s4], [sflag:s15] =	dma.local [hbm:s2], $0x1  }
0x93: {  	_ =	swait.eq [sflag:s15], $0x1  }
0x94: {  	[sflag:s15] =	ssyncset.done $0x0  }
0x95: {  	[sflag:s15] =	ssyncadd.s32 $0xFFFFFFFF  }
0x96: {  	s16 =	sld [smem:$0x10];
	(tm) =	ssettm $0x1  }
0x97: {  	s17 =	sld [smem:$0x3FFB];
	_ =	sdelay $0x3  }
0x98: {  	_ =	strace s17  }
0x99: {  	s3 =	sld [smem:$0x3FFC];
	_ =	sdelay $0x3  }
0x9a: {  	_ =	strace s3  }
0x9b: {  	s3 =	sld [smem:$0x3FFD];
	_ =	sdelay $0x3  }
0x9c: {  	_ =	strace s3  }
0x9d: {  	_ =	strace $0x8FFFFFFF  }
0x9e: {  	s18 =	sld [smem:$0x3FDB];
	_ =	sdelay $0x1  }
0x9f: {  	s19 =	simm.s32 $_scs_section_size  }
0xa0: {  	s5 =	simm.s32 $_size__tile_overlayer_lowered;
	s6 =	simm.s32 $_tile_overlayer_lowered  }
0xa1: {  	s22 =	simm.s32 $0x1BFF;
	s21 =	sshll.u32 s6, $0x1;
	s3 =	sadd.s32 s19, s18  }
0xa2: {  	s7 =	simm.s32 $0x0;
	s20 =	sshll.u32 s5, $0x1;
	s5 =	sadd.s32 s21, s3  }
0xa3: {  	[timem:s7], [sflag:s22] =	dma.local [hbm:s5], s20  }
0xa4: {  	_ =	swait.ge [sflag:s22], s20  }
0xa5: {  	s4 =	ssub.s32 $0x0, s20;
	[sflag:s22] =	ssyncset.done $0x0  }
0xa6: {  	[sflag:s22] =	ssyncadd.s32 s4;
	_ =	sdelay $0x1  }
0xa7: {  	s23 =	simm.s32 $0x1B8B  }
0xa8: {  	_ =	swait.ge [sflag:s23], $0x1  }
0xa9: {  	[sflag:s23] =	ssyncset.done $0x0  }
0xaa: {  	s25 =	simm.s32 $0x1B8E;
	s24 =	sld [smem:$0x3FFE];
	[sflag:s23] =	ssyncadd.s32 $0xFFFFFFFF  }
0xab: {  	s26 =	simm.s32 $execute0_lowered;
	[smem:$0x3FD2] =	sst s25  }
0xac: {  	s5 =	sshll.u32 s26, $0x1;
	_ =	strace $0x80000049;
	[dreg:$0x1] =	wrdreg $0xFFFFFFFF  }
0xad: {  	s28 =	simm.s32 $_size_execute0_lowered;
	s3 =	sadd.s32 s3, s5;
	[dreg:$0x0] =	wrdreg $0x0  }
0xae: {  	s5 =	sshll.u32 s28, $0x1;
	[dreg:$0x2] =	wrdreg s3  }
0xaf: {  	[dreg:$0x3] =	wrdreg s5  }
0xb0: {  	[dreg:$0x4] =	wrdreg $0xC0  }
0xb1: {  	_ =	task [dreg:s7], $0x5FFFF  }
0xb2: {  	[dreg:$0x1] =	wrdreg $0xFFFFFFFF  }
0xb3: {  	[dreg:$0x0] =	wrdreg $0x60  }
0xb4: {  	[dreg:$0x2] =	wrdreg s24  }
0xb5: {  	[dreg:$0x3] =	wrdreg s16  }
0xb6: {  	[dreg:$0x4] =	wrdreg $0x9  }
0xb7: {  	_ =	task.clear_ibuf [dreg:s7], $0x5FFFF;
	_ =	strace $0x90000049  }
0xb8: {  	s29 =	simm.s32 $0x9;
	_ =	strace $0x8000004B  }
0xb9: {  	_ =	swait.ge [sflag:s29], $0x1  }
0xba: {  	[sflag:s29] =	ssyncadd.s32 $0xFFFFFFFF  }
0xbb: {  	_ =	strace $0x9000004B  }
0xbc: {  	_ =	sfence  }
0xbd: {  	s30 =	sld [smem:$0x0];
	_ =	sdelay $0x2  }
0xbe: {  	s31 =	sshll.u32 s1, $0xD;
	s1 =	sshrl.u32 s1, $0x2  }
0xbf: {  	s3 =	sand.u32 $0x4000, s31;
	s1 =	sadd.s32 s1, s30  }
0xc0: {  	s0 =	sor.u32 s3, s0;
	s1 =	sshll.u32 s1, $0x11  }
0xc1: {  	s0 =	sor.u32 s1, s0  }
0xc2: {  	s0 =	sadd.s32 $0x8F2B, s0  }
0xc3: {  	[sflag:s0] =	ssyncadd.remote.s32 $0x1  }
0xc4: {  	_ =	sfence.sel $0xFFFF  }
0xc5: {  	[dreg:$0x0] =	wrdreg $0xFFFFFFFF;
	(pc) =	sbr.abs _section_cstart, $3  }
0xc6: {  	[dreg:$0x1] =	wrdreg $0xFFFFFFFF  }
0xc7: {  	_ =	task.clear_ibuf [dreg:s7], $0x2FFFF;
	_ =	strace $0x9FFFFFFF  }
0xc8: {  	(tm) =	ssettm $0x7FFFFFFF  }
0xc9: {  	_ =	shalt  }
tec
execute0_lowered:
.L_overlay_start_1:
0x0: {  	(tag) =	ssettag $0x1  }
0x1: {  	s0 =	rddreg [dreg:$0x0];
	s1 =	srdreg.scid  }
0x2: {  	s2 =	stileid.u32;
	s4 =	rddreg [dreg:$0x1]  }
0x3: {  	s15 =	simm.s32 $0x2;
	s31 =	simm.s32 $0x100;
	s26 =	simm.s32 $0x1  }
0x4: {  	s1 =	sand.u32 $0x1, s1;
	s3 =	sshll.u32 s2, $0x1;
	s2 =	simm.s32 $0x0  }
0x5: {  	s8 =	sadd.s32 $0xA00, s0;
	s5 =	sor.u32 s1, s3;
	[smem:$0x7FF] =	sst s2  }
0x6: {  	s3 =	sadd.s32 $0xA0A00, s0;
	s1 =	ssub.s32 $0x2, s1;
	s6 =	smul.u32 $0x14, s5  }
0x7: {  	_ =	strace $0x8000004A;
	s9 =	sshrl.u32 s1, $0x1;
	s10 =	smul.u32 $0x28000, s5  }
0x8: {  	s5 =	smul.u32 $0x5000, s5;
	[dreg:$0x7] =	wrdreg s31;
	s1 =	ssub.s32 s1, s9  }
0x9: {  	s7 =	sadd.s32 s6, s0;
	s4 =	sadd.s32 s4, s6;
	s29 =	sshrl.u32 s10, $0x3  }
0xa: {  	s5 =	sadd.s32 s8, s5;
	s7 =	sadd.s32 $0x600, s7;
	[dreg:$0x4] =	wrdreg s4  }
0xb: {  	v2 =	vlaneseq.u32;
	s6 =	sadd.s32 s8, s29;
	s4 =	sadd.s32 $0xA0B00, s0;
	[dreg:$0x5] =	wrdreg s5  }
0xc: {  	vm0 =	vmmov $0xffff;
	v1 =	vshrl.u32 v2, $0x3;
	s5 =	sadd.s32 $0xA0C00, s0;
	[dreg:$0x3] =	wrdreg s7;
	s30 =	sadd.s32 $0x2800, s6  }
0xd: {  	v0 =	vand.u32 $0x7, v2;
	v2 =	vor.u32 $0x8, v2;
	v1 =	vmul.u32 $0x8, v1;
	s6 =	sadd.s32 $0xA0D00, s0;
	s7 =	smax.u32 s1, $0x1;
	[dreg:$0x6] =	wrdreg s30  }
.LBB2_1:
0xe: {  	s28 =	rddreg [dreg:$0x3]  }
0xf: {  	[tilespmem:s2], [sflag:$0x2] =	stream.linear.gather [hbm4b:s28+s2], $0xA0, $0x38;
	[tilespmem:$0x14300] =	vst v63  }
0x10: {  	_ =	swait.ge [sflag:s15], $0xA0  }
0x11: {  	s30 =	rddreg [dreg:$0x4];
	[sflag:s15] =	ssyncset.done $0x0  }
0x12: {  	s29 =	rddreg [dreg:$0x7];
	[sflag:s15] =	ssyncadd.s32 $0xFFFFFF60  }
0x13: {  	[tilespmem:s29], [sflag:$0x2] =	stream.linear.gather [hbm4b:s30+s2], $0xA0, $0x38;
	[tilespmem:$0x14300] =	vst v63  }
0x14: {  	_ =	swait.ge [sflag:s15], $0xA0  }
0x15: {  	[sflag:s15] =	ssyncset.done $0x0  }
0x16: {  	[sflag:s15] =	ssyncadd.s32 $0xFFFFFF60  }
0x17: {  	v3 =	vld [tilespmem:$0x0];
	_ =	sdelay $0x4  }
0x18: {  	[tilespmem:$0x200] =	vst v3  }
0x19: {  	v3 =	vld [tilespmem:$0x200]  }
0x1a: {  	v4 =	vld [tilespmem:$0x100]  }
0x1b: {  	v5 =	vld [tilespmem:$0x10]  }
0x1c: {  	v6 =	vld [tilespmem:$0x110]  }
0x1d: {  	v7 =	vld [tilespmem:$0x20]  }
0x1e: {  	v8 =	vld [tilespmem:$0x120];
	v9 =	vshll.u32 v3, $0x3  }
0x1f: {  	v30 =	vld [tilespmem:$0x30];
	[tilespmem:$0x280] =	vst v4;
	v3 =	vand.u32 $0x7, v3;
	v9 =	vand.u32 $0xFFFFFFC0, v9  }
0x20: {  	v31 =	vld [tilespmem:$0x130];
	[tilespmem:$0x210] =	vst v5;
	v3 =	vor.u32 v3, v9  }
0x21: {  	v32 =	vld [tilespmem:$0x40];
	[tilespmem:$0x290] =	vst v6;
	v9 =	vperm.xlane v3, v0  }
0x22: {  	v33 =	vld [tilespmem:$0x140];
	[tilespmem:$0x220] =	vst v7  }
0x23: {  	[tilespmem:$0x2A0] =	vst v8;
	v34 =	vadd.s32 v1, v9  }
0x24: {  	[tilespmem:$0x230] =	vst v30  }
0x25: {  	[tilespmem:$0x2B0] =	vst v31  }
0x26: {  	[tilespmem:$0x240] =	vst v32  }
0x27: {  	s0 =	simm.s32 $0x300;
	[tilespmem:$0x2C0] =	vst v33  }
0x28: {  	[tilespmem:s0], [sflag:$0x1] =	stream.indirect_vreg.gather [hbm4b:s3+s2], $0x80, v34, vm0, $0xb8;
	[tilespmem:$0x14300] =	vst v63  }
0x29: {  	s31 =	simm.s32 $0xB00;
	v3 =	vperm.xlane v3, v2  }
0x2a: {  	[tilespmem:s31], [sflag:$0x1] =	stream.indirect_vreg.gather [hbm4b:s4+s2], $0x80, v34, vm0, $0xb8;
	[tilespmem:$0x14300] =	vst v63  }
0x2b: {  	s1 =	simm.s32 $0x1300;
	v3 =	vadd.s32 v1, v3  }
0x2c: {  	[tilespmem:s1], [sflag:$0x1] =	stream.indirect_vreg.gather [hbm4b:s5+s2], $0x80, v34, vm0, $0xb8;
	[tilespmem:$0x14300] =	vst v63  }
0x2d: {  	s8 =	simm.s32 $0x1B00  }
0x2e: {  	[tilespmem:s8], [sflag:$0x1] =	stream.indirect_vreg.gather [hbm4b:s6+s2], $0x80, v34, vm0, $0xb8;
	[tilespmem:$0x14300] =	vst v63  }
0x2f: {  	s9 =	simm.s32 $0x2300  }
0x30: {  	[tilespmem:s9], [sflag:$0x1] =	stream.indirect_vreg.gather [hbm4b:s3+s2], $0x80, v3, vm0, $0xb8;
	[tilespmem:$0x14300] =	vst v63  }
0x31: {  	s9 =	simm.s32 $0x2B00  }
0x32: {  	[tilespmem:s9], [sflag:$0x1] =	stream.indirect_vreg.gather [hbm4b:s4+s2], $0x80, v3, vm0, $0xb8;
	[tilespmem:$0x14300] =	vst v63  }
0x33: {  	s1 =	simm.s32 $0x3300  }
0x34: {  	[tilespmem:s1], [sflag:$0x1] =	stream.indirect_vreg.gather [hbm4b:s5+s2], $0x80, v3, vm0, $0xb8;
	[tilespmem:$0x14300] =	vst v63  }
0x35: {  	s10 =	simm.s32 $0x3B00  }
0x36: {  	[tilespmem:s10], [sflag:$0x1] =	stream.indirect_vreg.gather [hbm4b:s6+s2], $0x80, v3, vm0, $0xb8;
	[tilespmem:$0x14300] =	vst v63  }
0x37: {  	v3 =	vld [tilespmem:$0x210];
	_ =	sdelay $0x4  }
0x38: {  	v35 =	vshll.u32 v3, $0x3  }
0x39: {  	v3 =	vand.u32 $0x7, v3;
	v4 =	vand.u32 $0xFFFFFFC0, v35  }
0x3a: {  	v3 =	vor.u32 v3, v4  }
0x3b: {  	v4 =	vperm.xlane v3, v0;
	_ =	sdelay $0x1  }
0x3c: {  	v4 =	vadd.s32 v1, v4;
	_ =	sdelay $0x3  }
0x3d: {  	s11 =	simm.s32 $0x4300  }
0x3e: {  	[tilespmem:s11], [sflag:$0x1] =	stream.indirect_vreg.gather [hbm4b:s3+s2], $0x80, v4, vm0, $0xb8;
	[tilespmem:$0x14300] =	vst v63  }
0x3f: {  	s12 =	simm.s32 $0x4B00;
	v3 =	vperm.xlane v3, v2  }
0x40: {  	[tilespmem:s12], [sflag:$0x1] =	stream.indirect_vreg.gather [hbm4b:s4+s2], $0x80, v4, vm0, $0xb8;
	[tilespmem:$0x14300] =	vst v63  }
0x41: {  	s13 =	simm.s32 $0x5300;
	v3 =	vadd.s32 v1, v3  }
0x42: {  	[tilespmem:s13], [sflag:$0x1] =	stream.indirect_vreg.gather [hbm4b:s5+s2], $0x80, v4, vm0, $0xb8;
	[tilespmem:$0x14300] =	vst v63  }
0x43: {  	s14 =	simm.s32 $0x5B00  }
0x44: {  	[tilespmem:s14], [sflag:$0x1] =	stream.indirect_vreg.gather [hbm4b:s6+s2], $0x80, v4, vm0, $0xb8;
	[tilespmem:$0x14300] =	vst v63  }
0x45: {  	s20 =	simm.s32 $0x6300  }
0x46: {  	[tilespmem:s20], [sflag:$0x1] =	stream.indirect_vreg.gather [hbm4b:s3+s2], $0x80, v3, vm0, $0xb8;
	[tilespmem:$0x14300] =	vst v63  }
0x47: {  	s21 =	simm.s32 $0x6B00  }
0x48: {  	[tilespmem:s21], [sflag:$0x1] =	stream.indirect_vreg.gather [hbm4b:s4+s2], $0x80, v3, vm0, $0xb8;
	[tilespmem:$0x14300] =	vst v63  }
0x49: {  	s22 =	simm.s32 $0x7300  }
0x4a: {  	[tilespmem:s22], [sflag:$0x1] =	stream.indirect_vreg.gather [hbm4b:s5+s2], $0x80, v3, vm0, $0xb8;
	[tilespmem:$0x14300] =	vst v63  }
0x4b: {  	s24 =	simm.s32 $0x7B00  }
0x4c: {  	[tilespmem:s24], [sflag:$0x1] =	stream.indirect_vreg.gather [hbm4b:s6+s2], $0x80, v3, vm0, $0xb8;
	[tilespmem:$0x14300] =	vst v63  }
0x4d: {  	v3 =	vld [tilespmem:$0x220];
	_ =	sdelay $0x4  }
0x4e: {  	v36 =	vshll.u32 v3, $0x3  }
0x4f: {  	v3 =	vand.u32 $0x7, v3;
	v4 =	vand.u32 $0xFFFFFFC0, v36  }
0x50: {  	v3 =	vor.u32 v3, v4  }
0x51: {  	v4 =	vperm.xlane v3, v0;
	_ =	sdelay $0x1  }
0x52: {  	v4 =	vadd.s32 v1, v4;
	_ =	sdelay $0x3  }
0x53: {  	s25 =	simm.s32 $0x8300  }
0x54: {  	[tilespmem:s25], [sflag:$0x1] =	stream.indirect_vreg.gather [hbm4b:s3+s2], $0x80, v4, vm0, $0xb8;
	[tilespmem:$0x14300] =	vst v63  }
0x55: {  	s28 =	simm.s32 $0x8B00;
	v3 =	vperm.xlane v3, v2  }
0x56: {  	[tilespmem:s28], [sflag:$0x1] =	stream.indirect_vreg.gather [hbm4b:s4+s2], $0x80, v4, vm0, $0xb8;
	[tilespmem:$0x14300] =	vst v63  }
0x57: {  	s29 =	simm.s32 $0x9300;
	v3 =	vadd.s32 v1, v3  }
0x58: {  	[tilespmem:s29], [sflag:$0x1] =	stream.indirect_vreg.gather [hbm4b:s5+s2], $0x80, v4, vm0, $0xb8;
	[tilespmem:$0x14300] =	vst v63  }
0x59: {  	s30 =	simm.s32 $0x9B00  }
0x5a: {  	[tilespmem:s30], [sflag:$0x1] =	stream.indirect_vreg.gather [hbm4b:s6+s2], $0x80, v4, vm0, $0xb8;
	[tilespmem:$0x14300] =	vst v63  }
0x5b: {  	s31 =	simm.s32 $0xA300  }
0x5c: {  	[tilespmem:s31], [sflag:$0x1] =	stream.indirect_vreg.gather [hbm4b:s3+s2], $0x80, v3, vm0, $0xb8;
	[tilespmem:$0x14300] =	vst v63  }
0x5d: {  	s1 =	simm.s32 $0xAB00  }
0x5e: {  	[tilespmem:s1], [sflag:$0x1] =	stream.indirect_vreg.gather [hbm4b:s4+s2], $0x80, v3, vm0, $0xb8;
	[tilespmem:$0x14300] =	vst v63  }
0x5f: {  	s9 =	simm.s32 $0xB300  }
0x60: {  	[tilespmem:s9], [sflag:$0x1] =	stream.indirect_vreg.gather [hbm4b:s5+s2], $0x80, v3, vm0, $0xb8;
	[tilespmem:$0x14300] =	vst v63  }
0x61: {  	s10 =	simm.s32 $0xBB00  }
0x62: {  	[tilespmem:s10], [sflag:$0x1] =	stream.indirect_vreg.gather [hbm4b:s6+s2], $0x80, v3, vm0, $0xb8;
	[tilespmem:$0x14300] =	vst v63  }
0x63: {  	v3 =	vld [tilespmem:$0x230];
	_ =	sdelay $0x4  }
0x64: {  	v37 =	vshll.u32 v3, $0x3  }
0x65: {  	v3 =	vand.u32 $0x7, v3;
	v4 =	vand.u32 $0xFFFFFFC0, v37  }
0x66: {  	v3 =	vor.u32 v3, v4  }
0x67: {  	v4 =	vperm.xlane v3, v0;
	_ =	sdelay $0x1  }
0x68: {  	v4 =	vadd.s32 v1, v4;
	_ =	sdelay $0x3  }
0x69: {  	s11 =	simm.s32 $0xC300  }
0x6a: {  	[tilespmem:s11], [sflag:$0x1] =	stream.indirect_vreg.gather [hbm4b:s3+s2], $0x80, v4, vm0, $0xb8;
	[tilespmem:$0x14300] =	vst v63  }
0x6b: {  	s12 =	simm.s32 $0xCB00;
	v3 =	vperm.xlane v3, v2  }
0x6c: {  	[tilespmem:s12], [sflag:$0x1] =	stream.indirect_vreg.gather [hbm4b:s4+s2], $0x80, v4, vm0, $0xb8;
	[tilespmem:$0x14300] =	vst v63  }
0x6d: {  	s13 =	simm.s32 $0xD300;
	v3 =	vadd.s32 v1, v3  }
0x6e: {  	[tilespmem:s13], [sflag:$0x1] =	stream.indirect_vreg.gather [hbm4b:s5+s2], $0x80, v4, vm0, $0xb8;
	[tilespmem:$0x14300] =	vst v63  }
0x6f: {  	s14 =	simm.s32 $0xDB00  }
0x70: {  	[tilespmem:s14], [sflag:$0x1] =	stream.indirect_vreg.gather [hbm4b:s6+s2], $0x80, v4, vm0, $0xb8;
	[tilespmem:$0x14300] =	vst v63  }
0x71: {  	s0 =	simm.s32 $0xE300  }
0x72: {  	[tilespmem:s0], [sflag:$0x1] =	stream.indirect_vreg.gather [hbm4b:s3+s2], $0x80, v3, vm0, $0xb8;
	[tilespmem:$0x14300] =	vst v63  }
0x73: {  	s1 =	simm.s32 $0xEB00  }
0x74: {  	[tilespmem:s1], [sflag:$0x1] =	stream.indirect_vreg.gather [hbm4b:s4+s2], $0x80, v3, vm0, $0xb8;
	[tilespmem:$0x14300] =	vst v63  }
0x75: {  	s9 =	simm.s32 $0xF300  }
0x76: {  	[tilespmem:s9], [sflag:$0x1] =	stream.indirect_vreg.gather [hbm4b:s5+s2], $0x80, v3, vm0, $0xb8;
	[tilespmem:$0x14300] =	vst v63  }
0x77: {  	s11 =	simm.s32 $0xFB00  }
0x78: {  	[tilespmem:s11], [sflag:$0x1] =	stream.indirect_vreg.gather [hbm4b:s6+s2], $0x80, v3, vm0, $0xb8;
	[tilespmem:$0x14300] =	vst v63  }
0x79: {  	v3 =	vld [tilespmem:$0x240];
	_ =	sdelay $0x4  }
0x7a: {  	v38 =	vshll.u32 v3, $0x3  }
0x7b: {  	v3 =	vand.u32 $0x7, v3;
	v4 =	vand.u32 $0xFFFFFFC0, v38  }
0x7c: {  	v3 =	vor.u32 v3, v4  }
0x7d: {  	v4 =	vperm.xlane v3, v0;
	_ =	sdelay $0x1  }
0x7e: {  	v4 =	vadd.s32 v1, v4;
	_ =	sdelay $0x3  }
0x7f: {  	s13 =	simm.s32 $0x10300  }
0x80: {  	[tilespmem:s13], [sflag:$0x1] =	stream.indirect_vreg.gather [hbm4b:s3+s2], $0x80, v4, vm0, $0xb8;
	[tilespmem:$0x14300] =	vst v63  }
0x81: {  	s14 =	simm.s32 $0x10B00;
	v3 =	vperm.xlane v3, v2  }
0x82: {  	[tilespmem:s14], [sflag:$0x1] =	stream.indirect_vreg.gather [hbm4b:s4+s2], $0x80, v4, vm0, $0xb8;
	[tilespmem:$0x14300] =	vst v63  }
0x83: {  	s0 =	simm.s32 $0x11300;
	v3 =	vadd.s32 v1, v3  }
0x84: {  	[tilespmem:s0], [sflag:$0x1] =	stream.indirect_vreg.gather [hbm4b:s5+s2], $0x80, v4, vm0, $0xb8;
	[tilespmem:$0x14300] =	vst v63  }
0x85: {  	s1 =	simm.s32 $0x11B00  }
0x86: {  	[tilespmem:s1], [sflag:$0x1] =	stream.indirect_vreg.gather [hbm4b:s6+s2], $0x80, v4, vm0, $0xb8;
	[tilespmem:$0x14300] =	vst v63  }
0x87: {  	s9 =	simm.s32 $0x12300  }
0x88: {  	[tilespmem:s9], [sflag:$0x1] =	stream.indirect_vreg.gather [hbm4b:s3+s2], $0x80, v3, vm0, $0xb8;
	[tilespmem:$0x14300] =	vst v63  }
0x89: {  	s0 =	simm.s32 $0x12B00  }
0x8a: {  	[tilespmem:s0], [sflag:$0x1] =	stream.indirect_vreg.gather [hbm4b:s4+s2], $0x80, v3, vm0, $0xb8;
	[tilespmem:$0x14300] =	vst v63  }
0x8b: {  	s1 =	simm.s32 $0x13300  }
0x8c: {  	[tilespmem:s1], [sflag:$0x1] =	stream.indirect_vreg.gather [hbm4b:s5+s2], $0x80, v3, vm0, $0xb8;
	[tilespmem:$0x14300] =	vst v63  }
0x8d: {  	s9 =	simm.s32 $0x13B00  }
0x8e: {  	[tilespmem:s9], [sflag:$0x1] =	stream.indirect_vreg.gather [hbm4b:s6+s2], $0x80, v3, vm0, $0xb8;
	[tilespmem:$0x14300] =	vst v63  }
0x8f: {  	_ =	swait.ge [sflag:s26], $0x14000  }
0x90: {  	[sflag:s26] =	ssyncset.done $0x0  }
0x91: {  	[sflag:s26] =	ssyncadd.s32 $0xFFFEC000  }
0x92: {  	v3 =	vld [tilespmem:$0x280];
	_ =	sdelay $0x4  }
0x93: {  	v39 =	vshll.u32 v3, $0x3  }
0x94: {  	v3 =	vand.u32 $0x7, v3;
	v4 =	vand.u32 $0xFFFFFFC0, v39  }
0x95: {  	v3 =	vor.u32 v3, v4  }
0x96: {  	v4 =	vperm.xlane v3, v0;
	_ =	sdelay $0x1  }
0x97: {  	v4 =	vadd.s32 v1, v4;
	_ =	sdelay $0x3  }
0x98: {  	s0 =	simm.s32 $0x300  }
0x99: {  	[tilespmem:s0], [sflag:$0x1] =	stream.indirect_vreg.gather [hbm4b:s3+s2], $0x80, v4, vm0, $0xb8;
	[tilespmem:$0x14300] =	vst v63  }
0x9a: {  	s18 =	simm.s32 $0xB00;
	v3 =	vperm.xlane v3, v2  }
0x9b: {  	[tilespmem:s18], [sflag:$0x1] =	stream.indirect_vreg.gather [hbm4b:s4+s2], $0x80, v4, vm0, $0xb8;
	[tilespmem:$0x14300] =	vst v63  }
0x9c: {  	v3 =	vadd.s32 v1, v3;
	s18 =	simm.s32 $0x1300  }
0x9d: {  	[tilespmem:s18], [sflag:$0x1] =	stream.indirect_vreg.gather [hbm4b:s5+s2], $0x80, v4, vm0, $0xb8;
	[tilespmem:$0x14300] =	vst v63  }
0x9e: {  	s9 =	simm.s32 $0x1B00  }
0x9f: {  	[tilespmem:s9], [sflag:$0x1] =	stream.indirect_vreg.gather [hbm4b:s6+s2], $0x80, v4, vm0, $0xb8;
	[tilespmem:$0x14300] =	vst v63  }
0xa0: {  	s9 =	simm.s32 $0x2300  }
0xa1: {  	[tilespmem:s9], [sflag:$0x1] =	stream.indirect_vreg.gather [hbm4b:s3+s2], $0x80, v3, vm0, $0xb8;
	[tilespmem:$0x14300] =	vst v63  }
0xa2: {  	s18 =	simm.s32 $0x2B00  }
0xa3: {  	[tilespmem:s18], [sflag:$0x1] =	stream.indirect_vreg.gather [hbm4b:s4+s2], $0x80, v3, vm0, $0xb8;
	[tilespmem:$0x14300] =	vst v63  }
0xa4: {  	s18 =	simm.s32 $0x3300  }
0xa5: {  	[tilespmem:s18], [sflag:$0x1] =	stream.indirect_vreg.gather [hbm4b:s5+s2], $0x80, v3, vm0, $0xb8;
	[tilespmem:$0x14300] =	vst v63  }
0xa6: {  	s16 =	simm.s32 $0x3B00  }
0xa7: {  	[tilespmem:s16], [sflag:$0x1] =	stream.indirect_vreg.gather [hbm4b:s6+s2], $0x80, v3, vm0, $0xb8;
	[tilespmem:$0x14300] =	vst v63  }
0xa8: {  	v3 =	vld [tilespmem:$0x290];
	_ =	sdelay $0x4  }
0xa9: {  	v40 =	vshll.u32 v3, $0x3  }
0xaa: {  	v3 =	vand.u32 $0x7, v3;
	v4 =	vand.u32 $0xFFFFFFC0, v40  }
0xab: {  	v3 =	vor.u32 v3, v4  }
0xac: {  	v4 =	vperm.xlane v3, v0;
	_ =	sdelay $0x1  }
0xad: {  	v4 =	vadd.s32 v1, v4;
	_ =	sdelay $0x3  }
0xae: {  	s17 =	simm.s32 $0x4300  }
0xaf: {  	[tilespmem:s17], [sflag:$0x1] =	stream.indirect_vreg.gather [hbm4b:s3+s2], $0x80, v4, vm0, $0xb8;
	[tilespmem:$0x14300] =	vst v63  }
0xb0: {  	s19 =	simm.s32 $0x4B00;
	v3 =	vperm.xlane v3, v2  }
0xb1: {  	[tilespmem:s19], [sflag:$0x1] =	stream.indirect_vreg.gather [hbm4b:s4+s2], $0x80, v4, vm0, $0xb8;
	[tilespmem:$0x14300] =	vst v63  }
0xb2: {  	s1 =	simm.s32 $0x5300;
	v3 =	vadd.s32 v1, v3  }
0xb3: {  	[tilespmem:s1], [sflag:$0x1] =	stream.indirect_vreg.gather [hbm4b:s5+s2], $0x80, v4, vm0, $0xb8;
	[tilespmem:$0x14300] =	vst v63  }
0xb4: {  	s17 =	simm.s32 $0x5B00  }
0xb5: {  	[tilespmem:s17], [sflag:$0x1] =	stream.indirect_vreg.gather [hbm4b:s6+s2], $0x80, v4, vm0, $0xb8;
	[tilespmem:$0x14300] =	vst v63  }
0xb6: {  	s17 =	simm.s32 $0x6300  }
0xb7: {  	[tilespmem:s17], [sflag:$0x1] =	stream.indirect_vreg.gather [hbm4b:s3+s2], $0x80, v3, vm0, $0xb8;
	[tilespmem:$0x14300] =	vst v63  }
0xb8: {  	s23 =	simm.s32 $0x6B00  }
0xb9: {  	[tilespmem:s23], [sflag:$0x1] =	stream.indirect_vreg.gather [hbm4b:s4+s2], $0x80, v3, vm0, $0xb8;
	[tilespmem:$0x14300] =	vst v63  }
0xba: {  	s8 =	simm.s32 $0x7300  }
0xbb: {  	[tilespmem:s8], [sflag:$0x1] =	stream.indirect_vreg.gather [hbm4b:s5+s2], $0x80, v3, vm0, $0xb8;
	[tilespmem:$0x14300] =	vst v63  }
0xbc: {  	s20 =	simm.s32 $0x7B00  }
0xbd: {  	[tilespmem:s20], [sflag:$0x1] =	stream.indirect_vreg.gather [hbm4b:s6+s2], $0x80, v3, vm0, $0xb8;
	[tilespmem:$0x14300] =	vst v63  }
0xbe: {  	v3 =	vld [tilespmem:$0x2A0];
	_ =	sdelay $0x4  }
0xbf: {  	v41 =	vshll.u32 v3, $0x3  }
0xc0: {  	v3 =	vand.u32 $0x7, v3;
	v4 =	vand.u32 $0xFFFFFFC0, v41  }
0xc1: {  	v3 =	vor.u32 v3, v4  }
0xc2: {  	v4 =	vperm.xlane v3, v0;
	_ =	sdelay $0x1  }
0xc3: {  	v4 =	vadd.s32 v1, v4;
	_ =	sdelay $0x3  }
0xc4: {  	s21 =	simm.s32 $0x8300  }
0xc5: {  	[tilespmem:s21], [sflag:$0x1] =	stream.indirect_vreg.gather [hbm4b:s3+s2], $0x80, v4, vm0, $0xb8;
	[tilespmem:$0x14300] =	vst v63  }
0xc6: {  	s22 =	simm.s32 $0x8B00;
	v3 =	vperm.xlane v3, v2  }
0xc7: {  	[tilespmem:s22], [sflag:$0x1] =	stream.indirect_vreg.gather [hbm4b:s4+s2], $0x80, v4, vm0, $0xb8;
	[tilespmem:$0x14300] =	vst v63  }
0xc8: {  	s24 =	simm.s32 $0x9300;
	v3 =	vadd.s32 v1, v3  }
0xc9: {  	[tilespmem:s24], [sflag:$0x1] =	stream.indirect_vreg.gather [hbm4b:s5+s2], $0x80, v4, vm0, $0xb8;
	[tilespmem:$0x14300] =	vst v63  }
0xca: {  	s29 =	simm.s32 $0x9B00  }
0xcb: {  	[tilespmem:s29], [sflag:$0x1] =	stream.indirect_vreg.gather [hbm4b:s6+s2], $0x80, v4, vm0, $0xb8;
	[tilespmem:$0x14300] =	vst v63  }
0xcc: {  	s30 =	simm.s32 $0xA300  }
0xcd: {  	[tilespmem:s30], [sflag:$0x1] =	stream.indirect_vreg.gather [hbm4b:s3+s2], $0x80, v3, vm0, $0xb8;
	[tilespmem:$0x14300] =	vst v63  }
0xce: {  	s25 =	simm.s32 $0xAB00  }
0xcf: {  	[tilespmem:s25], [sflag:$0x1] =	stream.indirect_vreg.gather [hbm4b:s4+s2], $0x80, v3, vm0, $0xb8;
	[tilespmem:$0x14300] =	vst v63  }
0xd0: {  	s30 =	simm.s32 $0xB300  }
0xd1: {  	[tilespmem:s30], [sflag:$0x1] =	stream.indirect_vreg.gather [hbm4b:s5+s2], $0x80, v3, vm0, $0xb8;
	[tilespmem:$0x14300] =	vst v63  }
0xd2: {  	s10 =	simm.s32 $0xBB00  }
0xd3: {  	[tilespmem:s10], [sflag:$0x1] =	stream.indirect_vreg.gather [hbm4b:s6+s2], $0x80, v3, vm0, $0xb8;
	[tilespmem:$0x14300] =	vst v63  }
0xd4: {  	v3 =	vld [tilespmem:$0x2B0];
	_ =	sdelay $0x4  }
0xd5: {  	v42 =	vshll.u32 v3, $0x3  }
0xd6: {  	v3 =	vand.u32 $0x7, v3;
	v4 =	vand.u32 $0xFFFFFFC0, v42  }
0xd7: {  	v3 =	vor.u32 v3, v4  }
0xd8: {  	v4 =	vperm.xlane v3, v0;
	_ =	sdelay $0x1  }
0xd9: {  	v4 =	vadd.s32 v1, v4;
	_ =	sdelay $0x3  }
0xda: {  	s31 =	simm.s32 $0xC300  }
0xdb: {  	[tilespmem:s31], [sflag:$0x1] =	stream.indirect_vreg.gather [hbm4b:s3+s2], $0x80, v4, vm0, $0xb8;
	[tilespmem:$0x14300] =	vst v63  }
0xdc: {  	s12 =	simm.s32 $0xCB00;
	v3 =	vperm.xlane v3, v2  }
0xdd: {  	[tilespmem:s12], [sflag:$0x1] =	stream.indirect_vreg.gather [hbm4b:s4+s2], $0x80, v4, vm0, $0xb8;
	[tilespmem:$0x14300] =	vst v63  }
0xde: {  	v3 =	vadd.s32 v1, v3;
	s31 =	simm.s32 $0xD300  }
0xdf: {  	[tilespmem:s31], [sflag:$0x1] =	stream.indirect_vreg.gather [hbm4b:s5+s2], $0x80, v4, vm0, $0xb8;
	[tilespmem:$0x14300] =	vst v63  }
0xe0: {  	s12 =	simm.s32 $0xDB00  }
0xe1: {  	[tilespmem:s12], [sflag:$0x1] =	stream.indirect_vreg.gather [hbm4b:s6+s2], $0x80, v4, vm0, $0xb8;
	[tilespmem:$0x14300] =	vst v63  }
0xe2: {  	s16 =	simm.s32 $0xE300  }
0xe3: {  	[tilespmem:s16], [sflag:$0x1] =	stream.indirect_vreg.gather [hbm4b:s3+s2], $0x80, v3, vm0, $0xb8;
	[tilespmem:$0x14300] =	vst v63  }
0xe4: {  	s17 =	simm.s32 $0xEB00  }
0xe5: {  	[tilespmem:s17], [sflag:$0x1] =	stream.indirect_vreg.gather [hbm4b:s4+s2], $0x80, v3, vm0, $0xb8;
	[tilespmem:$0x14300] =	vst v63  }
0xe6: {  	s20 =	simm.s32 $0xF300  }
0xe7: {  	[tilespmem:s20], [sflag:$0x1] =	stream.indirect_vreg.gather [hbm4b:s5+s2], $0x80, v3, vm0, $0xb8;
	[tilespmem:$0x14300] =	vst v63  }
0xe8: {  	s11 =	simm.s32 $0xFB00  }
0xe9: {  	[tilespmem:s11], [sflag:$0x1] =	stream.indirect_vreg.gather [hbm4b:s6+s2], $0x80, v3, vm0, $0xb8;
	[tilespmem:$0x14300] =	vst v63  }
0xea: {  	v3 =	vld [tilespmem:$0x2C0];
	_ =	sdelay $0x4  }
0xeb: {  	v43 =	vshll.u32 v3, $0x3  }
0xec: {  	v3 =	vand.u32 $0x7, v3;
	v4 =	vand.u32 $0xFFFFFFC0, v43  }
0xed: {  	v3 =	vor.u32 v3, v4  }
0xee: {  	v4 =	vperm.xlane v3, v0;
	_ =	sdelay $0x1  }
0xef: {  	v4 =	vadd.s32 v1, v4;
	_ =	sdelay $0x3  }
0xf0: {  	s13 =	simm.s32 $0x10300  }
0xf1: {  	[tilespmem:s13], [sflag:$0x1] =	stream.indirect_vreg.gather [hbm4b:s3+s2], $0x80, v4, vm0, $0xb8;
	[tilespmem:$0x14300] =	vst v63  }
0xf2: {  	s14 =	simm.s32 $0x10B00;
	v3 =	vperm.xlane v3, v2  }
0xf3: {  	[tilespmem:s14], [sflag:$0x1] =	stream.indirect_vreg.gather [hbm4b:s4+s2], $0x80, v4, vm0, $0xb8;
	[tilespmem:$0x14300] =	vst v63  }
0xf4: {  	s21 =	simm.s32 $0x11300;
	v3 =	vadd.s32 v1, v3  }
0xf5: {  	[tilespmem:s21], [sflag:$0x1] =	stream.indirect_vreg.gather [hbm4b:s5+s2], $0x80, v4, vm0, $0xb8;
	[tilespmem:$0x14300] =	vst v63  }
0xf6: {  	s22 =	simm.s32 $0x11B00  }
0xf7: {  	[tilespmem:s22], [sflag:$0x1] =	stream.indirect_vreg.gather [hbm4b:s6+s2], $0x80, v4, vm0, $0xb8;
	[tilespmem:$0x14300] =	vst v63  }
0xf8: {  	s25 =	simm.s32 $0x12300  }
0xf9: {  	[tilespmem:s25], [sflag:$0x1] =	stream.indirect_vreg.gather [hbm4b:s3+s2], $0x80, v3, vm0, $0xb8;
	[tilespmem:$0x14300] =	vst v63  }
0xfa: {  	s29 =	simm.s32 $0x12B00  }
0xfb: {  	[tilespmem:s29], [sflag:$0x1] =	stream.indirect_vreg.gather [hbm4b:s4+s2], $0x80, v3, vm0, $0xb8;
	[tilespmem:$0x14300] =	vst v63  }
0xfc: {  	s13 =	simm.s32 $0x13300  }
0xfd: {  	[tilespmem:s13], [sflag:$0x1] =	stream.indirect_vreg.gather [hbm4b:s5+s2], $0x80, v3, vm0, $0xb8;
	[tilespmem:$0x14300] =	vst v63  }
0xfe: {  	s28 =	simm.s32 $0x13B00  }
0xff: {  	[tilespmem:s28], [sflag:$0x1] =	stream.indirect_vreg.gather [hbm4b:s6+s2], $0x80, v3, vm0, $0xb8;
	[tilespmem:$0x14300] =	vst v63  }
0x100: {  	_ =	swait.ge [sflag:s26], $0x14000  }
0x101: {  	[sflag:s26] =	ssyncset.done $0x0  }
0x102: {  	s17 =	rddreg [dreg:$0x5];
	[sflag:s26] =	ssyncadd.s32 $0xFFFEC000  }
0x103: {  	[hbm4b:s17+s2] =	stream.linear.scatter [tilespmem:s0], [sflag:$0x2], $0x14000, $0x38;
	[tilespmem:$0x14300] =	vst v63  }
0x104: {  	_ =	swait.ge [sflag:s15], $0x14000  }
0x105: {  	[sflag:s15] =	ssyncset.done $0x0  }
0x106: {  	[sflag:s15] =	ssyncadd.s32 $0xFFFEC000  }
0x107: {  	v3 =	vld [tilespmem:$0x50];
	_ =	sdelay $0x4  }
0x108: {  	[tilespmem:$0x200] =	vst v3  }
0x109: {  	v3 =	vld [tilespmem:$0x200]  }
0x10a: {  	v44 =	vld [tilespmem:$0x150]  }
0x10b: {  	v45 =	vld [tilespmem:$0x60]  }
0x10c: {  	v46 =	vld [tilespmem:$0x160]  }
0x10d: {  	v47 =	vld [tilespmem:$0x70]  }
0x10e: {  	v48 =	vld [tilespmem:$0x170];
	v49 =	vshll.u32 v3, $0x3  }
0x10f: {  	v50 =	vld [tilespmem:$0x80];
	[tilespmem:$0x280] =	vst v44;
	v3 =	vand.u32 $0x7, v3;
	v9 =	vand.u32 $0xFFFFFFC0, v49  }
0x110: {  	v51 =	vld [tilespmem:$0x180];
	[tilespmem:$0x210] =	vst v45;
	v3 =	vor.u32 v3, v9  }
0x111: {  	v52 =	vld [tilespmem:$0x90];
	[tilespmem:$0x290] =	vst v46;
	v9 =	vperm.xlane v3, v0  }
0x112: {  	v53 =	vld [tilespmem:$0x190];
	[tilespmem:$0x220] =	vst v47  }
0x113: {  	[tilespmem:$0x2A0] =	vst v48;
	v54 =	vadd.s32 v1, v9  }
0x114: {  	[tilespmem:$0x230] =	vst v50  }
0x115: {  	[tilespmem:$0x2B0] =	vst v51  }
0x116: {  	[tilespmem:$0x240] =	vst v52  }
0x117: {  	s20 =	simm.s32 $0x300;
	[tilespmem:$0x2C0] =	vst v53  }
0x118: {  	[tilespmem:s20], [sflag:$0x1] =	stream.indirect_vreg.gather [hbm4b:s3+s2], $0x80, v54, vm0, $0xb8;
	[tilespmem:$0x14300] =	vst v63  }
0x119: {  	s13 =	simm.s32 $0xB00;
	v3 =	vperm.xlane v3, v2  }
0x11a: {  	[tilespmem:s13], [sflag:$0x1] =	stream.indirect_vreg.gather [hbm4b:s4+s2], $0x80, v54, vm0, $0xb8;
	[tilespmem:$0x14300] =	vst v63  }
0x11b: {  	s10 =	simm.s32 $0x1300;
	v3 =	vadd.s32 v1, v3  }
0x11c: {  	[tilespmem:s10], [sflag:$0x1] =	stream.indirect_vreg.gather [hbm4b:s5+s2], $0x80, v54, vm0, $0xb8;
	[tilespmem:$0x14300] =	vst v63  }
0x11d: {  	s22 =	simm.s32 $0x1B00  }
0x11e: {  	[tilespmem:s22], [sflag:$0x1] =	stream.indirect_vreg.gather [hbm4b:s6+s2], $0x80, v54, vm0, $0xb8;
	[tilespmem:$0x14300] =	vst v63  }
0x11f: {  	_ = 	snop  }
0x120: {  	[tilespmem:s9], [sflag:$0x1] =	stream.indirect_vreg.gather [hbm4b:s3+s2], $0x80, v3, vm0, $0xb8;
	[tilespmem:$0x14300] =	vst v63  }
0x121: {  	s28 =	simm.s32 $0x2B00  }
0x122: {  	[tilespmem:s28], [sflag:$0x1] =	stream.indirect_vreg.gather [hbm4b:s4+s2], $0x80, v3, vm0, $0xb8;
	[tilespmem:$0x14300] =	vst v63  }
0x123: {  	_ = 	snop  }
0x124: {  	[tilespmem:s18], [sflag:$0x1] =	stream.indirect_vreg.gather [hbm4b:s5+s2], $0x80, v3, vm0, $0xb8;
	[tilespmem:$0x14300] =	vst v63  }
0x125: {  	s21 =	simm.s32 $0x3B00  }
0x126: {  	[tilespmem:s21], [sflag:$0x1] =	stream.indirect_vreg.gather [hbm4b:s6+s2], $0x80, v3, vm0, $0xb8;
	[tilespmem:$0x14300] =	vst v63  }
0x127: {  	v3 =	vld [tilespmem:$0x210];
	_ =	sdelay $0x4  }
0x128: {  	v55 =	vshll.u32 v3, $0x3  }
0x129: {  	v3 =	vand.u32 $0x7, v3;
	v4 =	vand.u32 $0xFFFFFFC0, v55  }
0x12a: {  	v3 =	vor.u32 v3, v4  }
0x12b: {  	v4 =	vperm.xlane v3, v0;
	_ =	sdelay $0x1  }
0x12c: {  	v4 =	vadd.s32 v1, v4;
	_ =	sdelay $0x3  }
0x12d: {  	s25 =	simm.s32 $0x4300  }
0x12e: {  	[tilespmem:s25], [sflag:$0x1] =	stream.indirect_vreg.gather [hbm4b:s3+s2], $0x80, v4, vm0, $0xb8;
	[tilespmem:$0x14300] =	vst v63  }
0x12f: {  	s19 =	simm.s32 $0x4B00;
	v3 =	vperm.xlane v3, v2  }
0x130: {  	[tilespmem:s19], [sflag:$0x1] =	stream.indirect_vreg.gather [hbm4b:s4+s2], $0x80, v4, vm0, $0xb8;
	[tilespmem:$0x14300] =	vst v63  }
0x131: {  	v3 =	vadd.s32 v1, v3  }
0x132: {  	[tilespmem:s1], [sflag:$0x1] =	stream.indirect_vreg.gather [hbm4b:s5+s2], $0x80, v4, vm0, $0xb8;
	[tilespmem:$0x14300] =	vst v63  }
0x133: {  	s29 =	simm.s32 $0x5B00  }
0x134: {  	[tilespmem:s29], [sflag:$0x1] =	stream.indirect_vreg.gather [hbm4b:s6+s2], $0x80, v4, vm0, $0xb8;
	[tilespmem:$0x14300] =	vst v63  }
0x135: {  	s0 =	simm.s32 $0x6300  }
0x136: {  	[tilespmem:s0], [sflag:$0x1] =	stream.indirect_vreg.gather [hbm4b:s3+s2], $0x80, v3, vm0, $0xb8;
	[tilespmem:$0x14300] =	vst v63  }
0x137: {  	s1 =	simm.s32 $0x6B00  }
0x138: {  	[tilespmem:s1], [sflag:$0x1] =	stream.indirect_vreg.gather [hbm4b:s4+s2], $0x80, v3, vm0, $0xb8;
	[tilespmem:$0x14300] =	vst v63  }
0x139: {  	s1 =	simm.s32 $0x7300  }
0x13a: {  	[tilespmem:s1], [sflag:$0x1] =	stream.indirect_vreg.gather [hbm4b:s5+s2], $0x80, v3, vm0, $0xb8;
	[tilespmem:$0x14300] =	vst v63  }
0x13b: {  	s8 =	simm.s32 $0x7B00  }
0x13c: {  	[tilespmem:s8], [sflag:$0x1] =	stream.indirect_vreg.gather [hbm4b:s6+s2], $0x80, v3, vm0, $0xb8;
	[tilespmem:$0x14300] =	vst v63  }
0x13d: {  	v3 =	vld [tilespmem:$0x220];
	_ =	sdelay $0x4  }
0x13e: {  	v56 =	vshll.u32 v3, $0x3  }
0x13f: {  	v3 =	vand.u32 $0x7, v3;
	v4 =	vand.u32 $0xFFFFFFC0, v56  }
0x140: {  	v3 =	vor.u32 v3, v4  }
0x141: {  	v4 =	vperm.xlane v3, v0;
	_ =	sdelay $0x1  }
0x142: {  	v4 =	vadd.s32 v1, v4;
	_ =	sdelay $0x3  }
0x143: {  	s9 =	simm.s32 $0x8300  }
0x144: {  	[tilespmem:s9], [sflag:$0x1] =	stream.indirect_vreg.gather [hbm4b:s3+s2], $0x80, v4, vm0, $0xb8;
	[tilespmem:$0x14300] =	vst v63  }
0x145: {  	s18 =	simm.s32 $0x8B00;
	v3 =	vperm.xlane v3, v2  }
0x146: {  	[tilespmem:s18], [sflag:$0x1] =	stream.indirect_vreg.gather [hbm4b:s4+s2], $0x80, v4, vm0, $0xb8;
	[tilespmem:$0x14300] =	vst v63  }
0x147: {  	v3 =	vadd.s32 v1, v3;
	s18 =	simm.s32 $0x9300  }
0x148: {  	[tilespmem:s18], [sflag:$0x1] =	stream.indirect_vreg.gather [hbm4b:s5+s2], $0x80, v4, vm0, $0xb8;
	[tilespmem:$0x14300] =	vst v63  }
0x149: {  	s8 =	simm.s32 $0x9B00  }
0x14a: {  	[tilespmem:s8], [sflag:$0x1] =	stream.indirect_vreg.gather [hbm4b:s6+s2], $0x80, v4, vm0, $0xb8;
	[tilespmem:$0x14300] =	vst v63  }
0x14b: {  	s24 =	simm.s32 $0xA300  }
0x14c: {  	[tilespmem:s24], [sflag:$0x1] =	stream.indirect_vreg.gather [hbm4b:s3+s2], $0x80, v3, vm0, $0xb8;
	[tilespmem:$0x14300] =	vst v63  }
0x14d: {  	s25 =	simm.s32 $0xAB00  }
0x14e: {  	[tilespmem:s25], [sflag:$0x1] =	stream.indirect_vreg.gather [hbm4b:s4+s2], $0x80, v3, vm0, $0xb8;
	[tilespmem:$0x14300] =	vst v63  }
0x14f: {  	s23 =	simm.s32 $0xB300  }
0x150: {  	[tilespmem:s23], [sflag:$0x1] =	stream.indirect_vreg.gather [hbm4b:s5+s2], $0x80, v3, vm0, $0xb8;
	[tilespmem:$0x14300] =	vst v63  }
0x151: {  	s24 =	simm.s32 $0xBB00  }
0x152: {  	[tilespmem:s24], [sflag:$0x1] =	stream.indirect_vreg.gather [hbm4b:s6+s2], $0x80, v3, vm0, $0xb8;
	[tilespmem:$0x14300] =	vst v63  }
0x153: {  	v3 =	vld [tilespmem:$0x230];
	_ =	sdelay $0x4  }
0x154: {  	v57 =	vshll.u32 v3, $0x3  }
0x155: {  	v3 =	vand.u32 $0x7, v3;
	v4 =	vand.u32 $0xFFFFFFC0, v57  }
0x156: {  	v3 =	vor.u32 v3, v4  }
0x157: {  	v4 =	vperm.xlane v3, v0;
	_ =	sdelay $0x1  }
0x158: {  	v4 =	vadd.s32 v1, v4;
	_ =	sdelay $0x3  }
0x159: {  	s24 =	simm.s32 $0xC300  }
0x15a: {  	[tilespmem:s24], [sflag:$0x1] =	stream.indirect_vreg.gather [hbm4b:s3+s2], $0x80, v4, vm0, $0xb8;
	[tilespmem:$0x14300] =	vst v63  }
0x15b: {  	v3 =	vperm.xlane v3, v2;
	s24 =	simm.s32 $0xCB00  }
0x15c: {  	[tilespmem:s24], [sflag:$0x1] =	stream.indirect_vreg.gather [hbm4b:s4+s2], $0x80, v4, vm0, $0xb8;
	[tilespmem:$0x14300] =	vst v63  }
0x15d: {  	v3 =	vadd.s32 v1, v3;
	s24 =	simm.s32 $0xD300  }
0x15e: {  	[tilespmem:s24], [sflag:$0x1] =	stream.indirect_vreg.gather [hbm4b:s5+s2], $0x80, v4, vm0, $0xb8;
	[tilespmem:$0x14300] =	vst v63  }
0x15f: {  	s30 =	simm.s32 $0xDB00  }
0x160: {  	[tilespmem:s30], [sflag:$0x1] =	stream.indirect_vreg.gather [hbm4b:s6+s2], $0x80, v4, vm0, $0xb8;
	[tilespmem:$0x14300] =	vst v63  }
0x161: {  	s24 =	simm.s32 $0xE300  }
0x162: {  	[tilespmem:s24], [sflag:$0x1] =	stream.indirect_vreg.gather [hbm4b:s3+s2], $0x80, v3, vm0, $0xb8;
	[tilespmem:$0x14300] =	vst v63  }
0x163: {  	s31 =	simm.s32 $0xEB00  }
0x164: {  	[tilespmem:s31], [sflag:$0x1] =	stream.indirect_vreg.gather [hbm4b:s4+s2], $0x80, v3, vm0, $0xb8;
	[tilespmem:$0x14300] =	vst v63  }
0x165: {  	s12 =	simm.s32 $0xF300  }
0x166: {  	[tilespmem:s12], [sflag:$0x1] =	stream.indirect_vreg.gather [hbm4b:s5+s2], $0x80, v3, vm0, $0xb8;
	[tilespmem:$0x14300] =	vst v63  }
0x167: {  	s31 =	simm.s32 $0xFB00  }
0x168: {  	[tilespmem:s31], [sflag:$0x1] =	stream.indirect_vreg.gather [hbm4b:s6+s2], $0x80, v3, vm0, $0xb8;
	[tilespmem:$0x14300] =	vst v63  }
0x169: {  	v3 =	vld [tilespmem:$0x240];
	_ =	sdelay $0x4  }
0x16a: {  	v58 =	vshll.u32 v3, $0x3  }
0x16b: {  	v3 =	vand.u32 $0x7, v3;
	v4 =	vand.u32 $0xFFFFFFC0, v58  }
0x16c: {  	v3 =	vor.u32 v3, v4  }
0x16d: {  	v4 =	vperm.xlane v3, v0;
	_ =	sdelay $0x1  }
0x16e: {  	v4 =	vadd.s32 v1, v4;
	_ =	sdelay $0x3  }
0x16f: {  	s9 =	simm.s32 $0x10300  }
0x170: {  	[tilespmem:s9], [sflag:$0x1] =	stream.indirect_vreg.gather [hbm4b:s3+s2], $0x80, v4, vm0, $0xb8;
	[tilespmem:$0x14300] =	vst v63  }
0x171: {  	s12 =	simm.s32 $0x10B00;
	v3 =	vperm.xlane v3, v2  }
0x172: {  	[tilespmem:s12], [sflag:$0x1] =	stream.indirect_vreg.gather [hbm4b:s4+s2], $0x80, v4, vm0, $0xb8;
	[tilespmem:$0x14300] =	vst v63  }
0x173: {  	s11 =	simm.s32 $0x11300;
	v3 =	vadd.s32 v1, v3  }
0x174: {  	[tilespmem:s11], [sflag:$0x1] =	stream.indirect_vreg.gather [hbm4b:s5+s2], $0x80, v4, vm0, $0xb8;
	[tilespmem:$0x14300] =	vst v63  }
0x175: {  	s11 =	simm.s32 $0x11B00  }
0x176: {  	[tilespmem:s11], [sflag:$0x1] =	stream.indirect_vreg.gather [hbm4b:s6+s2], $0x80, v4, vm0, $0xb8;
	[tilespmem:$0x14300] =	vst v63  }
0x177: {  	s14 =	simm.s32 $0x12300  }
0x178: {  	[tilespmem:s14], [sflag:$0x1] =	stream.indirect_vreg.gather [hbm4b:s3+s2], $0x80, v3, vm0, $0xb8;
	[tilespmem:$0x14300] =	vst v63  }
0x179: {  	s16 =	simm.s32 $0x12B00  }
0x17a: {  	[tilespmem:s16], [sflag:$0x1] =	stream.indirect_vreg.gather [hbm4b:s4+s2], $0x80, v3, vm0, $0xb8;
	[tilespmem:$0x14300] =	vst v63  }
0x17b: {  	s11 =	simm.s32 $0x13300  }
0x17c: {  	[tilespmem:s11], [sflag:$0x1] =	stream.indirect_vreg.gather [hbm4b:s5+s2], $0x80, v3, vm0, $0xb8;
	[tilespmem:$0x14300] =	vst v63  }
0x17d: {  	s11 =	simm.s32 $0x13B00  }
0x17e: {  	[tilespmem:s11], [sflag:$0x1] =	stream.indirect_vreg.gather [hbm4b:s6+s2], $0x80, v3, vm0, $0xb8;
	[tilespmem:$0x14300] =	vst v63  }
0x17f: {  	_ =	swait.ge [sflag:s26], $0x14000  }
0x180: {  	[sflag:s26] =	ssyncset.done $0x0  }
0x181: {  	[sflag:s26] =	ssyncadd.s32 $0xFFFEC000  }
0x182: {  	v3 =	vld [tilespmem:$0x280];
	_ =	sdelay $0x4  }
0x183: {  	v59 =	vshll.u32 v3, $0x3  }
0x184: {  	v3 =	vand.u32 $0x7, v3;
	v4 =	vand.u32 $0xFFFFFFC0, v59  }
0x185: {  	v3 =	vor.u32 v3, v4  }
0x186: {  	v4 =	vperm.xlane v3, v0;
	_ =	sdelay $0x1  }
0x187: {  	v4 =	vadd.s32 v1, v4;
	_ =	sdelay $0x3  }
0x188: {  	s14 =	simm.s32 $0x300  }
0x189: {  	[tilespmem:s14], [sflag:$0x1] =	stream.indirect_vreg.gather [hbm4b:s3+s2], $0x80, v4, vm0, $0xb8;
	[tilespmem:$0x14300] =	vst v63  }
0x18a: {  	v3 =	vperm.xlane v3, v2  }
0x18b: {  	[tilespmem:s13], [sflag:$0x1] =	stream.indirect_vreg.gather [hbm4b:s4+s2], $0x80, v4, vm0, $0xb8;
	[tilespmem:$0x14300] =	vst v63  }
0x18c: {  	v3 =	vadd.s32 v1, v3  }
0x18d: {  	[tilespmem:s10], [sflag:$0x1] =	stream.indirect_vreg.gather [hbm4b:s5+s2], $0x80, v4, vm0, $0xb8;
	[tilespmem:$0x14300] =	vst v63  }
0x18e: {  	_ = 	snop  }
0x18f: {  	[tilespmem:s22], [sflag:$0x1] =	stream.indirect_vreg.gather [hbm4b:s6+s2], $0x80, v4, vm0, $0xb8;
	[tilespmem:$0x14300] =	vst v63  }
0x190: {  	s13 =	simm.s32 $0x2300  }
0x191: {  	[tilespmem:s13], [sflag:$0x1] =	stream.indirect_vreg.gather [hbm4b:s3+s2], $0x80, v3, vm0, $0xb8;
	[tilespmem:$0x14300] =	vst v63  }
0x192: {  	_ = 	snop  }
0x193: {  	[tilespmem:s28], [sflag:$0x1] =	stream.indirect_vreg.gather [hbm4b:s4+s2], $0x80, v3, vm0, $0xb8;
	[tilespmem:$0x14300] =	vst v63  }
0x194: {  	s17 =	simm.s32 $0x3300  }
0x195: {  	[tilespmem:s17], [sflag:$0x1] =	stream.indirect_vreg.gather [hbm4b:s5+s2], $0x80, v3, vm0, $0xb8;
	[tilespmem:$0x14300] =	vst v63  }
0x196: {  	s17 =	simm.s32 $0x3B00  }
0x197: {  	[tilespmem:s17], [sflag:$0x1] =	stream.indirect_vreg.gather [hbm4b:s6+s2], $0x80, v3, vm0, $0xb8;
	[tilespmem:$0x14300] =	vst v63  }
0x198: {  	v3 =	vld [tilespmem:$0x290];
	_ =	sdelay $0x4  }
0x199: {  	v60 =	vshll.u32 v3, $0x3  }
0x19a: {  	v3 =	vand.u32 $0x7, v3;
	v4 =	vand.u32 $0xFFFFFFC0, v60  }
0x19b: {  	v3 =	vor.u32 v3, v4  }
0x19c: {  	v4 =	vperm.xlane v3, v0;
	_ =	sdelay $0x1  }
0x19d: {  	v4 =	vadd.s32 v1, v4;
	_ =	sdelay $0x3  }
0x19e: {  	s22 =	simm.s32 $0x4300  }
0x19f: {  	[tilespmem:s22], [sflag:$0x1] =	stream.indirect_vreg.gather [hbm4b:s3+s2], $0x80, v4, vm0, $0xb8;
	[tilespmem:$0x14300] =	vst v63  }
0x1a0: {  	s28 =	simm.s32 $0x4B00;
	v3 =	vperm.xlane v3, v2  }
0x1a1: {  	[tilespmem:s28], [sflag:$0x1] =	stream.indirect_vreg.gather [hbm4b:s4+s2], $0x80, v4, vm0, $0xb8;
	[tilespmem:$0x14300] =	vst v63  }
0x1a2: {  	s21 =	simm.s32 $0x5300;
	v3 =	vadd.s32 v1, v3  }
0x1a3: {  	[tilespmem:s21], [sflag:$0x1] =	stream.indirect_vreg.gather [hbm4b:s5+s2], $0x80, v4, vm0, $0xb8;
	[tilespmem:$0x14300] =	vst v63  }
0x1a4: {  	s19 =	simm.s32 $0x5B00  }
0x1a5: {  	[tilespmem:s19], [sflag:$0x1] =	stream.indirect_vreg.gather [hbm4b:s6+s2], $0x80, v4, vm0, $0xb8;
	[tilespmem:$0x14300] =	vst v63  }
0x1a6: {  	_ = 	snop  }
0x1a7: {  	[tilespmem:s0], [sflag:$0x1] =	stream.indirect_vreg.gather [hbm4b:s3+s2], $0x80, v3, vm0, $0xb8;
	[tilespmem:$0x14300] =	vst v63  }
0x1a8: {  	s20 =	simm.s32 $0x6B00  }
0x1a9: {  	[tilespmem:s20], [sflag:$0x1] =	stream.indirect_vreg.gather [hbm4b:s4+s2], $0x80, v3, vm0, $0xb8;
	[tilespmem:$0x14300] =	vst v63  }
0x1aa: {  	_ = 	snop  }
0x1ab: {  	[tilespmem:s1], [sflag:$0x1] =	stream.indirect_vreg.gather [hbm4b:s5+s2], $0x80, v3, vm0, $0xb8;
	[tilespmem:$0x14300] =	vst v63  }
0x1ac: {  	s10 =	simm.s32 $0x7B00  }
0x1ad: {  	[tilespmem:s10], [sflag:$0x1] =	stream.indirect_vreg.gather [hbm4b:s6+s2], $0x80, v3, vm0, $0xb8;
	[tilespmem:$0x14300] =	vst v63  }
0x1ae: {  	v3 =	vld [tilespmem:$0x2A0];
	_ =	sdelay $0x4  }
0x1af: {  	v61 =	vshll.u32 v3, $0x3  }
0x1b0: {  	v3 =	vand.u32 $0x7, v3;
	v4 =	vand.u32 $0xFFFFFFC0, v61  }
0x1b1: {  	v3 =	vor.u32 v3, v4  }
0x1b2: {  	v4 =	vperm.xlane v3, v0;
	_ =	sdelay $0x1  }
0x1b3: {  	v4 =	vadd.s32 v1, v4;
	_ =	sdelay $0x3  }
0x1b4: {  	s13 =	simm.s32 $0x8300  }
0x1b5: {  	[tilespmem:s13], [sflag:$0x1] =	stream.indirect_vreg.gather [hbm4b:s3+s2], $0x80, v4, vm0, $0xb8;
	[tilespmem:$0x14300] =	vst v63  }
0x1b6: {  	s17 =	simm.s32 $0x8B00;
	v3 =	vperm.xlane v3, v2  }
0x1b7: {  	[tilespmem:s17], [sflag:$0x1] =	stream.indirect_vreg.gather [hbm4b:s4+s2], $0x80, v4, vm0, $0xb8;
	[tilespmem:$0x14300] =	vst v63  }
0x1b8: {  	v3 =	vadd.s32 v1, v3  }
0x1b9: {  	[tilespmem:s18], [sflag:$0x1] =	stream.indirect_vreg.gather [hbm4b:s5+s2], $0x80, v4, vm0, $0xb8;
	[tilespmem:$0x14300] =	vst v63  }
0x1ba: {  	_ = 	snop  }
0x1bb: {  	[tilespmem:s8], [sflag:$0x1] =	stream.indirect_vreg.gather [hbm4b:s6+s2], $0x80, v4, vm0, $0xb8;
	[tilespmem:$0x14300] =	vst v63  }
0x1bc: {  	s29 =	simm.s32 $0xA300  }
0x1bd: {  	[tilespmem:s29], [sflag:$0x1] =	stream.indirect_vreg.gather [hbm4b:s3+s2], $0x80, v3, vm0, $0xb8;
	[tilespmem:$0x14300] =	vst v63  }
0x1be: {  	_ = 	snop  }
0x1bf: {  	[tilespmem:s25], [sflag:$0x1] =	stream.indirect_vreg.gather [hbm4b:s4+s2], $0x80, v3, vm0, $0xb8;
	[tilespmem:$0x14300] =	vst v63  }
0x1c0: {  	s23 =	simm.s32 $0xB300  }
0x1c1: {  	[tilespmem:s23], [sflag:$0x1] =	stream.indirect_vreg.gather [hbm4b:s5+s2], $0x80, v3, vm0, $0xb8;
	[tilespmem:$0x14300] =	vst v63  }
0x1c2: {  	s19 =	simm.s32 $0xBB00  }
0x1c3: {  	[tilespmem:s19], [sflag:$0x1] =	stream.indirect_vreg.gather [hbm4b:s6+s2], $0x80, v3, vm0, $0xb8;
	[tilespmem:$0x14300] =	vst v63  }
0x1c4: {  	v3 =	vld [tilespmem:$0x2B0];
	_ =	sdelay $0x4  }
0x1c5: {  	v62 =	vshll.u32 v3, $0x3  }
0x1c6: {  	v3 =	vand.u32 $0x7, v3;
	v4 =	vand.u32 $0xFFFFFFC0, v62  }
0x1c7: {  	v3 =	vor.u32 v3, v4  }
0x1c8: {  	v4 =	vperm.xlane v3, v0;
	_ =	sdelay $0x1  }
0x1c9: {  	v4 =	vadd.s32 v1, v4;
	_ =	sdelay $0x3  }
0x1ca: {  	s20 =	simm.s32 $0xC300  }
0x1cb: {  	[tilespmem:s20], [sflag:$0x1] =	stream.indirect_vreg.gather [hbm4b:s3+s2], $0x80, v4, vm0, $0xb8;
	[tilespmem:$0x14300] =	vst v63  }
0x1cc: {  	s21 =	simm.s32 $0xCB00;
	v3 =	vperm.xlane v3, v2  }
0x1cd: {  	[tilespmem:s21], [sflag:$0x1] =	stream.indirect_vreg.gather [hbm4b:s4+s2], $0x80, v4, vm0, $0xb8;
	[tilespmem:$0x14300] =	vst v63  }
0x1ce: {  	s22 =	simm.s32 $0xD300;
	v3 =	vadd.s32 v1, v3  }
0x1cf: {  	[tilespmem:s22], [sflag:$0x1] =	stream.indirect_vreg.gather [hbm4b:s5+s2], $0x80, v4, vm0, $0xb8;
	[tilespmem:$0x14300] =	vst v63  }
0x1d0: {  	s30 =	simm.s32 $0xDB00  }
0x1d1: {  	[tilespmem:s30], [sflag:$0x1] =	stream.indirect_vreg.gather [hbm4b:s6+s2], $0x80, v4, vm0, $0xb8;
	[tilespmem:$0x14300] =	vst v63  }
0x1d2: {  	_ = 	snop  }
0x1d3: {  	[tilespmem:s24], [sflag:$0x1] =	stream.indirect_vreg.gather [hbm4b:s3+s2], $0x80, v3, vm0, $0xb8;
	[tilespmem:$0x14300] =	vst v63  }
0x1d4: {  	s23 =	simm.s32 $0xEB00  }
0x1d5: {  	[tilespmem:s23], [sflag:$0x1] =	stream.indirect_vreg.gather [hbm4b:s4+s2], $0x80, v3, vm0, $0xb8;
	[tilespmem:$0x14300] =	vst v63  }
0x1d6: {  	s24 =	simm.s32 $0xF300  }
0x1d7: {  	[tilespmem:s24], [sflag:$0x1] =	stream.indirect_vreg.gather [hbm4b:s5+s2], $0x80, v3, vm0, $0xb8;
	[tilespmem:$0x14300] =	vst v63  }
0x1d8: {  	_ = 	snop  }
0x1d9: {  	[tilespmem:s31], [sflag:$0x1] =	stream.indirect_vreg.gather [hbm4b:s6+s2], $0x80, v3, vm0, $0xb8;
	[tilespmem:$0x14300] =	vst v63  }
0x1da: {  	v3 =	vld [tilespmem:$0x2C0];
	_ =	sdelay $0x4  }
0x1db: {  	v63 =	vshll.u32 v3, $0x3  }
0x1dc: {  	v3 =	vand.u32 $0x7, v3;
	v4 =	vand.u32 $0xFFFFFFC0, v63  }
0x1dd: {  	v3 =	vor.u32 v3, v4  }
0x1de: {  	v4 =	vperm.xlane v3, v0;
	_ =	sdelay $0x1  }
0x1df: {  	v4 =	vadd.s32 v1, v4;
	_ =	sdelay $0x4  }
0x1e0: {  	[tilespmem:s9], [sflag:$0x1] =	stream.indirect_vreg.gather [hbm4b:s3+s2], $0x80, v4, vm0, $0xb8;
	[tilespmem:$0x14300] =	vst v63  }
0x1e1: {  	s25 =	simm.s32 $0x10B00;
	v3 =	vperm.xlane v3, v2  }
0x1e2: {  	[tilespmem:s25], [sflag:$0x1] =	stream.indirect_vreg.gather [hbm4b:s4+s2], $0x80, v4, vm0, $0xb8;
	[tilespmem:$0x14300] =	vst v63  }
0x1e3: {  	s12 =	simm.s32 $0x11300;
	v3 =	vadd.s32 v1, v3  }
0x1e4: {  	[tilespmem:s12], [sflag:$0x1] =	stream.indirect_vreg.gather [hbm4b:s5+s2], $0x80, v4, vm0, $0xb8;
	[tilespmem:$0x14300] =	vst v63  }
0x1e5: {  	s28 =	simm.s32 $0x11B00  }
0x1e6: {  	[tilespmem:s28], [sflag:$0x1] =	stream.indirect_vreg.gather [hbm4b:s6+s2], $0x80, v4, vm0, $0xb8;
	[tilespmem:$0x14300] =	vst v63  }
0x1e7: {  	s29 =	simm.s32 $0x12300  }
0x1e8: {  	[tilespmem:s29], [sflag:$0x1] =	stream.indirect_vreg.gather [hbm4b:s3+s2], $0x80, v3, vm0, $0xb8;
	[tilespmem:$0x14300] =	vst v63  }
0x1e9: {  	s30 =	simm.s32 $0x12B00  }
0x1ea: {  	[tilespmem:s30], [sflag:$0x1] =	stream.indirect_vreg.gather [hbm4b:s4+s2], $0x80, v3, vm0, $0xb8;
	[tilespmem:$0x14300] =	vst v63  }
0x1eb: {  	s16 =	simm.s32 $0x13300  }
0x1ec: {  	[tilespmem:s16], [sflag:$0x1] =	stream.indirect_vreg.gather [hbm4b:s5+s2], $0x80, v3, vm0, $0xb8;
	[tilespmem:$0x14300] =	vst v63  }
0x1ed: {  	_ = 	snop  }
0x1ee: {  	[tilespmem:s11], [sflag:$0x1] =	stream.indirect_vreg.gather [hbm4b:s6+s2], $0x80, v3, vm0, $0xb8;
	[tilespmem:$0x14300] =	vst v63  }
0x1ef: {  	_ =	swait.ge [sflag:s26], $0x14000  }
0x1f0: {  	p0 =	sne.s32 s7, $0x1;
	[sflag:s26] =	ssyncset.done $0x0  }
.Ltmp0:
0x1f1: {  	s31 =	rddreg [dreg:$0x6];
	[sflag:s26] =	ssyncadd.s32 $0xFFFEC000;
	(pc) =	sbr.rel @p0 .LBB2_1-.Ltmp0, $4  }
0x1f2: {  	[hbm4b:s31+s2] =	stream.linear.scatter [tilespmem:s14], [sflag:$0x2], $0x14000, $0x38;
	[tilespmem:$0x14300] =	vst v63  }
0x1f3: {  	_ =	swait.ge [sflag:s15], $0x14000  }
0x1f4: {  	[sflag:s15] =	ssyncset.done $0x0  }
0x1f5: {  	s7 =	sadd.s32 $0xFFFFFFFF, s7;
	[sflag:s15] =	ssyncadd.s32 $0xFFFEC000  }
0x1f6: {  	_ =	sfence.sel $0x180000  }
0x1f7: {  	[bflag:$0x0] =	sbarrier.arrive $0xFFFF  }
0x1f8: {  	_ =	strace $0x9000004A  }
0x1f9: {  	s0 =	stileid.u32;
	[bflag:$0x2] =	sbarrier.arrive $0xFFFF  }
0x1fa: {  	p0 =	sne.s32 s0, $0x0;
	s0 =	rddreg [dreg:$0x2]  }
0x1fb: {  	s0 =	sadd.s32 @!p0 $0x100000, s0  }
0x1fc: {  	[sflag:s0] =	ssyncadd.tile.s32 @!p0 $0x1;
	_ =	shalt  }
.Lfunc_end2:
_tile_overlayer_lowered:
.L_overlay_start_2:
0x1fd: {  	(tag) =	ssettag $0x2  }
0x1fe: {  	s0 =	rddreg [dreg:$0x0];
	s2 =	stileid.u32  }
0x1ff: {  	s1 =	rddreg [dreg:$0x1];
	p0 =	sne.s32 s2, $0x0  }
0x200: {  	s3 =	rddreg [dreg:$0x2];
	[bflag:$0x3] =	sbarrier.arrive $0xFFFF;
	s2 =	simm.s32 @!p0 $0x1C02  }
0x201: {  	[timem:s3], [sflag:s2] =	dma.local @!p0 [hbm:s0], s1  }
0x202: {  	s0 =	simm.s32 @!p0 $0x2  }
0x203: {  	_ =	swait.ge @!p0 [sflag:s0], s1  }
0x204: {  	s1 =	ssub.s32 @!p0 $0x0, s1;
	[sflag:s0] =	ssyncset.done @!p0 $0x0  }
0x205: {  	[sflag:s0] =	ssyncadd.s32 @!p0 s1  }
0x206: {  	[bflag:$0x3] =	sbarrier.arrive $0xFFFF  }
0x207: {  	_ =	shalt  }

// kernel: kernel.16.cloned.1.call-start
scs
__scs_entry_jumppad:
0x0: {  	(pc) =	sbr.rel $0x88, $3  }
0x1: {  	(tag) =	ssettag $0x0;
	lr =	simm.s32 $0x1  }
0x2: {  	[smem:$0x3F97] =	sst lr;
	_ =	strace $0xD0000000  }
0x3: {  	_ = 	snop  }
0x4: {  	_ = 	snop  }
0x5: {  	_ = 	snop  }
0x6: {  	_ = 	snop  }
0x7: {  	_ = 	snop  }
__scs_overlays_trampoline_lowered:
0x8: {  	[smem:$0x3FA6] =	sst s0  }
0x9: {  	[smem:$0x3FA7] =	sst s1  }
0xa: {  	[smem:$0x3FA8] =	sst s2  }
0xb: {  	[smem:$0x3FA9] =	sst s3  }
0xc: {  	[smem:$0x3FAA] =	sst s4  }
0xd: {  	[smem:$0x3FAB] =	sst s5  }
0xe: {  	[smem:$0x3FAC] =	sst s6  }
0xf: {  	[smem:$0x3FAD] =	sst s7  }
0x10: {  	[smem:$0x3FAE] =	sst s8  }
0x11: {  	[smem:$0x3FAF] =	sst s9;
	s0 =	simm.s32 @!p0 $0x0  }
0x12: {  	s1 =	sld [smem:$0x3F95];
	s0 =	simm.s32 @p0 $0x1  }
0x13: {  	[smem:$0x3FB0] =	sst s0;
	s0 =	simm.s32 @!p1 $0x0  }
0x14: {  	s2 =	sld [smem:$0x3F94];
	s0 =	simm.s32 @p1 $0x1  }
0x15: {  	[smem:$0x3FB1] =	sst s0;
	s0 =	simm.s32 @!p2 $0x0  }
0x16: {  	s3 =	sld [smem:$0x3FDB];
	s0 =	simm.s32 @p2 $0x1  }
0x17: {  	s4 =	simm.s32 $0x1BF5;
	[smem:$0x3FB3] =	sst s0  }
0x18: {  	s0 =	sld [smem:$0x3F96];
	_ =	swait.ge [sflag:s4], $0x0  }
0x19: {  	s7 =	sld [smem:$0x3F97]  }
0x1a: {  	s8 =	sadd.s32 $0xFFFFE003, lr  }
0x1b: {  	s9 =	sadd.s32 $0xFFFFFEF7, lr;
	s5 =	simm.s32 $0xFFFFFFFF;
	p2 =	slt.u32 s8, $0xFFFFF086  }
0x1c: {  	p1 =	slt.u32 s9, $0xF7A;
	s5 =	simm.s32 @!p2 $0x0  }
0x1d: {  	s5 =	simm.s32 @p1 $0x1;
	p0 =	seq.s32 s7, s2  }
0x1e: {  	s7 =	smul.u32 @!p0 $0xF7A, s2;
	p2 =	seq.s32 @!p0 s5, $0x0  }
0x1f: {  	s9 =	smul.u32 $0xF7A, s1;
	s8 =	simm.s32 @!p0 $0x1BF5;
	p2 =	por !p2, p0  }
0x20: {  	[sflag:s8] =	ssyncset.s32 @!p0 $0xFFFFF086;
	s6 =	sadd.s32 @!p0 s3, s7;
	s7 =	simm.s32 @!p0 $0x108  }
0x21: {  	s3 =	sadd.s32 s3, s9;
	s6 =	sadd.s32 @!p0 $0x88, s6;
	s7 =	simm.s32 @p2 $0x1082  }
0x22: {  	[simem:s7], [sflag:s8] =	dma.local @!p0 [hbm:s6], $0xF7A  }
0x23: {  	s9 =	sor.u32 $0xD0000000, s2;
	s6 =	simm.s32 $0x108;
	_ =	swait.ge @!p0 [sflag:s8], $0x0  }
0x24: {  	s3 =	sadd.s32 $0x88, s3;
	s6 =	simm.s32 @!p1 $0x1082;
	[sflag:s4] =	ssyncset.s32 $0xFFFFF086  }
0x25: {  	[simem:s6], [sflag:s4] =	dma.local [hbm:s3], $0xF7A  }
0x26: {  	[smem:$0x3F97] =	sst s1;
	(tag) =	ssettag s2;
	_ =	strace s9  }
0x27: {  	s1 =	sld [smem:$0x3FA7]  }
0x28: {  	s2 =	sld [smem:$0x3FA8]  }
0x29: {  	s4 =	sld [smem:$0x3FAA]  }
0x2a: {  	p0 =	seq.s32 s5, $0x0;
	s5 =	sld [smem:$0x3FAB]  }
0x2b: {  	s6 =	sld [smem:$0x3FAC]  }
0x2c: {  	s7 =	sld [smem:$0x3FAD]  }
0x2d: {  	s3 =	simm.s32 $0x108;
	s8 =	sld [smem:$0x3FAE]  }
0x2e: {  	s3 =	simm.s32 @!p0 $0x1082;
	s9 =	sld [smem:$0x3FAF]  }
0x2f: {  	lr =	sadd.s32 s0, s3;
	s0 =	sld [smem:$0x3FA6]  }
0x30: {  	s3 =	sld [smem:$0x3FA9]  }
0x31: {  	[smem:$0x3FB2] =	sst s10  }
0x32: {  	s10 =	sld [smem:$0x3FB0];
	_ =	sdelay $0x3  }
0x33: {  	p0 =	seq.s32 s10, $0x1;
	s10 =	sld [smem:$0x3FB2];
	_ =	sdelay $0x3  }
0x34: {  	[smem:$0x3FB2] =	sst s10  }
0x35: {  	s10 =	sld [smem:$0x3FB1];
	_ =	sdelay $0x3  }
0x36: {  	p1 =	seq.s32 s10, $0x1;
	s10 =	sld [smem:$0x3FB2];
	_ =	sdelay $0x3  }
0x37: {  	[smem:$0x3FB2] =	sst s10  }
0x38: {  	s10 =	sld [smem:$0x3FB3]  }
0x39: {  	_ = 	snop;
	(pc) =	sbr.ind lr, $3  }
0x3a: {  	_ = 	snop  }
0x3b: {  	_ = 	snop  }
0x3c: {  	p2 =	seq.s32 s10, $0x1;
	s10 =	sld [smem:$0x3FB2]  }
0x3d: {  	_ =	shalt  }
0x3e: {  	_ =	shalt  }
0x3f: {  	_ =	shalt  }
0x40: {  	_ =	shalt  }
0x41: {  	_ =	shalt  }
0x42: {  	_ =	shalt  }
0x43: {  	_ =	shalt  }
0x44: {  	_ =	shalt  }
0x45: {  	_ =	shalt  }
0x46: {  	_ =	shalt  }
0x47: {  	_ =	shalt  }
0x48: {  	_ =	shalt  }
0x49: {  	_ =	shalt  }
0x4a: {  	_ =	shalt  }
0x4b: {  	_ =	shalt  }
0x4c: {  	_ =	shalt  }
0x4d: {  	_ =	shalt  }
0x4e: {  	_ =	shalt  }
0x4f: {  	_ =	shalt  }
0x50: {  	_ =	shalt  }
0x51: {  	_ =	shalt  }
0x52: {  	_ =	shalt  }
0x53: {  	_ =	shalt  }
0x54: {  	_ =	shalt  }
0x55: {  	_ =	shalt  }
0x56: {  	_ =	shalt  }
0x57: {  	_ =	shalt  }
0x58: {  	_ =	shalt  }
0x59: {  	_ =	shalt  }
0x5a: {  	_ =	shalt  }
0x5b: {  	_ =	shalt  }
0x5c: {  	_ =	shalt  }
0x5d: {  	_ =	shalt  }
0x5e: {  	_ =	shalt  }
0x5f: {  	_ =	shalt  }
0x60: {  	_ =	shalt  }
0x61: {  	_ =	shalt  }
0x62: {  	_ =	shalt  }
0x63: {  	_ =	shalt  }
0x64: {  	_ =	shalt  }
0x65: {  	_ =	shalt  }
0x66: {  	_ =	shalt  }
0x67: {  	_ =	shalt  }
0x68: {  	_ =	shalt  }
0x69: {  	_ =	shalt  }
0x6a: {  	_ =	shalt  }
0x6b: {  	_ =	shalt  }
0x6c: {  	_ =	shalt  }
0x6d: {  	_ =	shalt  }
0x6e: {  	_ =	shalt  }
0x6f: {  	_ =	shalt  }
0x70: {  	_ =	shalt  }
0x71: {  	_ =	shalt  }
0x72: {  	_ =	shalt  }
0x73: {  	_ =	shalt  }
0x74: {  	_ =	shalt  }
0x75: {  	_ =	shalt  }
0x76: {  	_ =	shalt  }
0x77: {  	_ =	shalt  }
0x78: {  	_ =	shalt  }
0x79: {  	_ =	shalt  }
0x7a: {  	_ =	shalt  }
0x7b: {  	_ =	shalt  }
0x7c: {  	_ =	shalt  }
0x7d: {  	_ =	shalt  }
0x7e: {  	_ =	shalt  }
0x7f: {  	_ =	shalt  }
0x80: {  	_ =	shalt  }
0x81: {  	_ =	shalt  }
0x82: {  	_ =	shalt  }
0x83: {  	_ =	shalt  }
0x84: {  	_ =	shalt  }
0x85: {  	_ =	shalt  }
0x86: {  	_ =	shalt  }
0x87: {  	_ =	shalt  }
.Lfunc_end0:
.L_simem_size_0:
called_computation.2_lowered:
.L_overlay_start_0:
0x88: {  	s2 =	sld [smem:$0x3FD9]  }
0x89: {  	s3 =	sld [smem:$0x3FFE];
	_ =	sdelay $0x1  }
0x8a: {  	s1 =	srdreg.scid  }
0x8b: {  	s0 =	sand.u32 $0x1, s1  }
0x8c: {  	s14 =	sshll.u32 s0, $0xA;
	s2 =	sadd.s32 s3, s2  }
0x8d: {  	s2 =	sadd.s32 s2, s14  }
0x8e: {  	[smem:$0x3FBE] =	sst s2  }
0x8f: {  	_ = 	snop  }
0x90: {  	s2 =	sld [smem:$0x3FD0];
	_ =	sdelay $0x2  }
0x91: {  	s15 =	simm.s32 $0xA;
	s4 =	simm.s32 $0x10  }
0x92: {  	[smem:s4], [sflag:s15] =	dma.local [hbm:s2], $0x1  }
0x93: {  	_ =	swait.eq [sflag:s15], $0x1  }
0x94: {  	[sflag:s15] =	ssyncset.done $0x0  }
0x95: {  	[sflag:s15] =	ssyncadd.s32 $0xFFFFFFFF  }
0x96: {  	s16 =	sld [smem:$0x10];
	(tm) =	ssettm $0x1  }
0x97: {  	s17 =	sld [smem:$0x3FFB];
	_ =	sdelay $0x3  }
0x98: {  	_ =	strace s17  }
0x99: {  	s3 =	sld [smem:$0x3FFC];
	_ =	sdelay $0x3  }
0x9a: {  	_ =	strace s3  }
0x9b: {  	s3 =	sld [smem:$0x3FFD];
	_ =	sdelay $0x3  }
0x9c: {  	_ =	strace s3  }
0x9d: {  	_ =	strace $0x8FFFFFFF  }
0x9e: {  	s18 =	sld [smem:$0x3FDB];
	_ =	sdelay $0x1  }
0x9f: {  	s19 =	simm.s32 $_scs_section_size  }
0xa0: {  	s5 =	simm.s32 $_size__tile_overlayer_lowered;
	s6 =	simm.s32 $_tile_overlayer_lowered  }
0xa1: {  	s22 =	simm.s32 $0x1BFF;
	s21 =	sshll.u32 s6, $0x1;
	s3 =	sadd.s32 s19, s18  }
0xa2: {  	s7 =	simm.s32 $0x0;
	s20 =	sshll.u32 s5, $0x1;
	s5 =	sadd.s32 s21, s3  }
0xa3: {  	[timem:s7], [sflag:s22] =	dma.local [hbm:s5], s20  }
0xa4: {  	_ =	swait.ge [sflag:s22], s20  }
0xa5: {  	s4 =	ssub.s32 $0x0, s20;
	[sflag:s22] =	ssyncset.done $0x0  }
0xa6: {  	[sflag:s22] =	ssyncadd.s32 s4;
	_ =	sdelay $0x1  }
0xa7: {  	s23 =	simm.s32 $0x1B8B  }
0xa8: {  	_ =	swait.ge [sflag:s23], $0x1  }
0xa9: {  	[sflag:s23] =	ssyncset.done $0x0  }
0xaa: {  	s25 =	simm.s32 $0x1B8E;
	s24 =	sld [smem:$0x3FFE];
	[sflag:s23] =	ssyncadd.s32 $0xFFFFFFFF  }
0xab: {  	s26 =	simm.s32 $execute0_lowered;
	[smem:$0x3FD2] =	sst s25  }
0xac: {  	s5 =	sshll.u32 s26, $0x1;
	_ =	strace $0x8000004C;
	[dreg:$0x1] =	wrdreg $0xFFFFFFFF  }
0xad: {  	s28 =	simm.s32 $_size_execute0_lowered;
	s3 =	sadd.s32 s3, s5;
	[dreg:$0x0] =	wrdreg $0x0  }
0xae: {  	s5 =	sshll.u32 s28, $0x1;
	[dreg:$0x2] =	wrdreg s3  }
0xaf: {  	[dreg:$0x3] =	wrdreg s5  }
0xb0: {  	[dreg:$0x4] =	wrdreg $0xC0  }
0xb1: {  	_ =	task [dreg:s7], $0x5FFFF  }
0xb2: {  	[dreg:$0x1] =	wrdreg $0xFFFFFFFF  }
0xb3: {  	[dreg:$0x0] =	wrdreg $0x60  }
0xb4: {  	[dreg:$0x2] =	wrdreg s24  }
0xb5: {  	[dreg:$0x3] =	wrdreg s16  }
0xb6: {  	[dreg:$0x4] =	wrdreg $0x9  }
0xb7: {  	_ =	task.clear_ibuf [dreg:s7], $0x5FFFF;
	_ =	strace $0x9000004C  }
0xb8: {  	s29 =	simm.s32 $0x9;
	_ =	strace $0x8000004E  }
0xb9: {  	_ =	swait.ge [sflag:s29], $0x1  }
0xba: {  	[sflag:s29] =	ssyncadd.s32 $0xFFFFFFFF  }
0xbb: {  	_ =	strace $0x9000004E  }
0xbc: {  	_ =	sfence  }
0xbd: {  	s30 =	sld [smem:$0x0];
	_ =	sdelay $0x2  }
0xbe: {  	s31 =	sshll.u32 s1, $0xD;
	s1 =	sshrl.u32 s1, $0x2  }
0xbf: {  	s3 =	sand.u32 $0x4000, s31;
	s1 =	sadd.s32 s1, s30  }
0xc0: {  	s0 =	sor.u32 s3, s0;
	s1 =	sshll.u32 s1, $0x11  }
0xc1: {  	s0 =	sor.u32 s1, s0  }
0xc2: {  	s0 =	sadd.s32 $0x8F2B, s0  }
0xc3: {  	[sflag:s0] =	ssyncadd.remote.s32 $0x1  }
0xc4: {  	_ =	sfence.sel $0xFFFF  }
0xc5: {  	[dreg:$0x0] =	wrdreg $0xFFFFFFFF;
	(pc) =	sbr.abs _section_cstart, $3  }
0xc6: {  	[dreg:$0x1] =	wrdreg $0xFFFFFFFF  }
0xc7: {  	_ =	task.clear_ibuf [dreg:s7], $0x2FFFF;
	_ =	strace $0x9FFFFFFF  }
0xc8: {  	(tm) =	ssettm $0x7FFFFFFF  }
0xc9: {  	_ =	shalt  }
tec
execute0_lowered:
.L_overlay_start_1:
0x0: {  	(tag) =	ssettag $0x1  }
0x1: {  	s0 =	srdreg.scid;
	s1 =	rddreg [dreg:$0x0]  }
0x2: {  	s2 =	stileid.u32;
	s6 =	rddreg [dreg:$0x1]  }
0x3: {  	s26 =	simm.s32 $0x80;
	s18 =	simm.s32 $0x1;
	s21 =	simm.s32 $0x1900  }
0x4: {  	s22 =	simm.s32 $0x2100;
	s23 =	simm.s32 $0x2900;
	s24 =	simm.s32 $0x3100  }
0x5: {  	s28 =	simm.s32 $0x4900;
	s29 =	simm.s32 $0x5100;
	s30 =	simm.s32 $0x5900  }
0x6: {  	s31 =	simm.s32 $0x6100;
	s10 =	simm.s32 $0x7900;
	s11 =	simm.s32 $0x8100  }
0x7: {  	s12 =	simm.s32 $0x8900;
	s13 =	simm.s32 $0x9100;
	s14 =	simm.s32 $0x9900  }
0x8: {  	s15 =	simm.s32 $0xA100;
	s16 =	simm.s32 $0xA900;
	s17 =	simm.s32 $0xB100  }
0x9: {  	s0 =	sand.u32 $0x1, s0;
	s3 =	sshll.u32 s2, $0x7;
	s2 =	simm.s32 $0x0  }
0xa: {  	s9 =	simm.s32 $0xB900;
	s4 =	sshll.u32 s0, $0x6;
	[smem:$0x7FF] =	sst s2  }
0xb: {  	s0 =	ssub.s32 $0x2, s0;
	s4 =	sor.u32 s4, s3;
	_ =	strace $0x8000004D  }
0xc: {  	s8 =	sshrl.u32 s0, $0x1;
	[dreg:$0x6] =	wrdreg s26;
	s3 =	sshrl.u32 s4, $0x3  }
0xd: {  	s26 =	simm.s32 $0x4100;
	s0 =	ssub.s32 s0, s8;
	s5 =	sadd.s32 s3, s1  }
0xe: {  	s25 =	sshll.u32 s4, $0x7;
	s4 =	sadd.s32 $0xA0B00, s1;
	s7 =	sadd.s32 $0x140A00, s5  }
0xf: {  	s8 =	simm.s32 $0x2;
	s5 =	sadd.s32 $0x200, s5;
	[dreg:$0x3] =	wrdreg s7  }
0x10: {  	v2 =	vlaneseq.u32;
	s3 =	sadd.s32 $0xA0A00, s1;
	[dreg:$0x4] =	wrdreg s5;
	s5 =	sadd.s32 $0xA0C00, s1  }
0x11: {  	vm0 =	vmmov $0xffff;
	v1 =	vshrl.u32 v2, $0x3;
	s7 =	sadd.s32 s6, s25;
	s6 =	sadd.s32 $0xA0D00, s1;
	s25 =	simm.s32 $0x3900  }
0x12: {  	v0 =	vand.u32 $0x7, v2;
	v2 =	vor.u32 $0x8, v2;
	v1 =	vmul.u32 $0x8, v1;
	s1 =	simm.s32 $0x6900;
	[dreg:$0x5] =	wrdreg s7;
	s7 =	smax.u32 s0, $0x1  }
.LBB2_1:
0x13: {  	s19 =	rddreg [dreg:$0x3]  }
0x14: {  	[tilespmem:s2], [sflag:$0x2] =	stream.linear.gather [hbm4b:s19+s2], $0x40, $0x38;
	[tilespmem:$0x10100] =	vst v63  }
0x15: {  	_ =	swait.ge [sflag:s8], $0x40  }
0x16: {  	s0 =	rddreg [dreg:$0x4];
	[sflag:s8] =	ssyncset.done $0x0  }
0x17: {  	s20 =	rddreg [dreg:$0x6];
	[sflag:s8] =	ssyncadd.s32 $0xFFFFFFC0  }
0x18: {  	[tilespmem:s20], [sflag:$0x2] =	stream.linear.gather [hbm4b:s0+s2], $0x40, $0x38;
	[tilespmem:$0x10100] =	vst v63  }
0x19: {  	_ =	swait.ge [sflag:s8], $0x40  }
0x1a: {  	[sflag:s8] =	ssyncset.done $0x0  }
0x1b: {  	[sflag:s8] =	ssyncadd.s32 $0xFFFFFFC0  }
0x1c: {  	v3 =	vld [tilespmem:$0x0];
	_ =	sdelay $0x4  }
0x1d: {  	v4 =	vshll.u32 v3, $0x3  }
0x1e: {  	v3 =	vand.u32 $0x7, v3;
	v4 =	vand.u32 $0xFFFFFFC0, v4  }
0x1f: {  	v3 =	vor.u32 v3, v4  }
0x20: {  	v4 =	vperm.xlane v3, v0;
	_ =	sdelay $0x1  }
0x21: {  	v4 =	vadd.s32 v1, v4;
	_ =	sdelay $0x3  }
0x22: {  	s0 =	simm.s32 $0x100  }
0x23: {  	[tilespmem:s0], [sflag:$0x1] =	stream.indirect_vreg.gather [hbm4b:s3+s2], $0x80, v4, vm0, $0xb8;
	[tilespmem:$0x10100] =	vst v63  }
0x24: {  	s19 =	simm.s32 $0x900;
	v3 =	vperm.xlane v3, v2  }
0x25: {  	[tilespmem:s19], [sflag:$0x1] =	stream.indirect_vreg.gather [hbm4b:s4+s2], $0x80, v4, vm0, $0xb8;
	[tilespmem:$0x10100] =	vst v63  }
0x26: {  	s20 =	simm.s32 $0x1100;
	v3 =	vadd.s32 v1, v3  }
0x27: {  	[tilespmem:s20], [sflag:$0x1] =	stream.indirect_vreg.gather [hbm4b:s5+s2], $0x80, v4, vm0, $0xb8;
	[tilespmem:$0x10100] =	vst v63  }
0x28: {  	_ = 	snop  }
0x29: {  	[tilespmem:s21], [sflag:$0x1] =	stream.indirect_vreg.gather [hbm4b:s6+s2], $0x80, v4, vm0, $0xb8;
	[tilespmem:$0x10100] =	vst v63  }
0x2a: {  	_ = 	snop  }
0x2b: {  	[tilespmem:s22], [sflag:$0x1] =	stream.indirect_vreg.gather [hbm4b:s3+s2], $0x80, v3, vm0, $0xb8;
	[tilespmem:$0x10100] =	vst v63  }
0x2c: {  	_ = 	snop  }
0x2d: {  	[tilespmem:s23], [sflag:$0x1] =	stream.indirect_vreg.gather [hbm4b:s4+s2], $0x80, v3, vm0, $0xb8;
	[tilespmem:$0x10100] =	vst v63  }
0x2e: {  	_ = 	snop  }
0x2f: {  	[tilespmem:s24], [sflag:$0x1] =	stream.indirect_vreg.gather [hbm4b:s5+s2], $0x80, v3, vm0, $0xb8;
	[tilespmem:$0x10100] =	vst v63  }
0x30: {  	_ = 	snop  }
0x31: {  	[tilespmem:s25], [sflag:$0x1] =	stream.indirect_vreg.gather [hbm4b:s6+s2], $0x80, v3, vm0, $0xb8;
	[tilespmem:$0x10100] =	vst v63  }
0x32: {  	v3 =	vld [tilespmem:$0x10];
	_ =	sdelay $0x4  }
0x33: {  	v57 =	vshll.u32 v3, $0x3  }
0x34: {  	v3 =	vand.u32 $0x7, v3;
	v4 =	vand.u32 $0xFFFFFFC0, v57  }
0x35: {  	v3 =	vor.u32 v3, v4  }
0x36: {  	v4 =	vperm.xlane v3, v0;
	_ =	sdelay $0x1  }
0x37: {  	v4 =	vadd.s32 v1, v4;
	_ =	sdelay $0x4  }
0x38: {  	[tilespmem:s26], [sflag:$0x1] =	stream.indirect_vreg.gather [hbm4b:s3+s2], $0x80, v4, vm0, $0xb8;
	[tilespmem:$0x10100] =	vst v63  }
0x39: {  	v3 =	vperm.xlane v3, v2  }
0x3a: {  	[tilespmem:s28], [sflag:$0x1] =	stream.indirect_vreg.gather [hbm4b:s4+s2], $0x80, v4, vm0, $0xb8;
	[tilespmem:$0x10100] =	vst v63  }
0x3b: {  	v3 =	vadd.s32 v1, v3  }
0x3c: {  	[tilespmem:s29], [sflag:$0x1] =	stream.indirect_vreg.gather [hbm4b:s5+s2], $0x80, v4, vm0, $0xb8;
	[tilespmem:$0x10100] =	vst v63  }
0x3d: {  	_ = 	snop  }
0x3e: {  	[tilespmem:s30], [sflag:$0x1] =	stream.indirect_vreg.gather [hbm4b:s6+s2], $0x80, v4, vm0, $0xb8;
	[tilespmem:$0x10100] =	vst v63  }
0x3f: {  	_ = 	snop  }
0x40: {  	[tilespmem:s31], [sflag:$0x1] =	stream.indirect_vreg.gather [hbm4b:s3+s2], $0x80, v3, vm0, $0xb8;
	[tilespmem:$0x10100] =	vst v63  }
0x41: {  	_ = 	snop  }
0x42: {  	[tilespmem:s1], [sflag:$0x1] =	stream.indirect_vreg.gather [hbm4b:s4+s2], $0x80, v3, vm0, $0xb8;
	[tilespmem:$0x10100] =	vst v63  }
0x43: {  	s0 =	simm.s32 $0x7100  }
0x44: {  	[tilespmem:s0], [sflag:$0x1] =	stream.indirect_vreg.gather [hbm4b:s5+s2], $0x80, v3, vm0, $0xb8;
	[tilespmem:$0x10100] =	vst v63  }
0x45: {  	_ = 	snop  }
0x46: {  	[tilespmem:s10], [sflag:$0x1] =	stream.indirect_vreg.gather [hbm4b:s6+s2], $0x80, v3, vm0, $0xb8;
	[tilespmem:$0x10100] =	vst v63  }
0x47: {  	v3 =	vld [tilespmem:$0x20];
	_ =	sdelay $0x4  }
0x48: {  	v58 =	vshll.u32 v3, $0x3  }
0x49: {  	v3 =	vand.u32 $0x7, v3;
	v4 =	vand.u32 $0xFFFFFFC0, v58  }
0x4a: {  	v3 =	vor.u32 v3, v4  }
0x4b: {  	v4 =	vperm.xlane v3, v0;
	_ =	sdelay $0x1  }
0x4c: {  	v4 =	vadd.s32 v1, v4;
	_ =	sdelay $0x4  }
0x4d: {  	[tilespmem:s11], [sflag:$0x1] =	stream.indirect_vreg.gather [hbm4b:s3+s2], $0x80, v4, vm0, $0xb8;
	[tilespmem:$0x10100] =	vst v63  }
0x4e: {  	v3 =	vperm.xlane v3, v2  }
0x4f: {  	[tilespmem:s12], [sflag:$0x1] =	stream.indirect_vreg.gather [hbm4b:s4+s2], $0x80, v4, vm0, $0xb8;
	[tilespmem:$0x10100] =	vst v63  }
0x50: {  	v3 =	vadd.s32 v1, v3  }
0x51: {  	[tilespmem:s13], [sflag:$0x1] =	stream.indirect_vreg.gather [hbm4b:s5+s2], $0x80, v4, vm0, $0xb8;
	[tilespmem:$0x10100] =	vst v63  }
0x52: {  	_ = 	snop  }
0x53: {  	[tilespmem:s14], [sflag:$0x1] =	stream.indirect_vreg.gather [hbm4b:s6+s2], $0x80, v4, vm0, $0xb8;
	[tilespmem:$0x10100] =	vst v63  }
0x54: {  	_ = 	snop  }
0x55: {  	[tilespmem:s15], [sflag:$0x1] =	stream.indirect_vreg.gather [hbm4b:s3+s2], $0x80, v3, vm0, $0xb8;
	[tilespmem:$0x10100] =	vst v63  }
0x56: {  	_ = 	snop  }
0x57: {  	[tilespmem:s16], [sflag:$0x1] =	stream.indirect_vreg.gather [hbm4b:s4+s2], $0x80, v3, vm0, $0xb8;
	[tilespmem:$0x10100] =	vst v63  }
0x58: {  	_ = 	snop  }
0x59: {  	[tilespmem:s17], [sflag:$0x1] =	stream.indirect_vreg.gather [hbm4b:s5+s2], $0x80, v3, vm0, $0xb8;
	[tilespmem:$0x10100] =	vst v63  }
0x5a: {  	_ = 	snop  }
0x5b: {  	[tilespmem:s9], [sflag:$0x1] =	stream.indirect_vreg.gather [hbm4b:s6+s2], $0x80, v3, vm0, $0xb8;
	[tilespmem:$0x10100] =	vst v63  }
0x5c: {  	v3 =	vld [tilespmem:$0x30];
	_ =	sdelay $0x4  }
0x5d: {  	v59 =	vshll.u32 v3, $0x3  }
0x5e: {  	v3 =	vand.u32 $0x7, v3;
	v4 =	vand.u32 $0xFFFFFFC0, v59  }
0x5f: {  	v3 =	vor.u32 v3, v4  }
0x60: {  	v4 =	vperm.xlane v3, v0;
	_ =	sdelay $0x1  }
0x61: {  	v4 =	vadd.s32 v1, v4;
	_ =	sdelay $0x3  }
0x62: {  	s0 =	simm.s32 $0xC100  }
0x63: {  	[tilespmem:s0], [sflag:$0x1] =	stream.indirect_vreg.gather [hbm4b:s3+s2], $0x80, v4, vm0, $0xb8;
	[tilespmem:$0x10100] =	vst v63  }
0x64: {  	v3 =	vperm.xlane v3, v2;
	s0 =	simm.s32 $0xC900  }
0x65: {  	[tilespmem:s0], [sflag:$0x1] =	stream.indirect_vreg.gather [hbm4b:s4+s2], $0x80, v4, vm0, $0xb8;
	[tilespmem:$0x10100] =	vst v63  }
0x66: {  	v3 =	vadd.s32 v1, v3;
	s0 =	simm.s32 $0xD100  }
0x67: {  	[tilespmem:s0], [sflag:$0x1] =	stream.indirect_vreg.gather [hbm4b:s5+s2], $0x80, v4, vm0, $0xb8;
	[tilespmem:$0x10100] =	vst v63  }
0x68: {  	s0 =	simm.s32 $0xD900  }
0x69: {  	[tilespmem:s0], [sflag:$0x1] =	stream.indirect_vreg.gather [hbm4b:s6+s2], $0x80, v4, vm0, $0xb8;
	[tilespmem:$0x10100] =	vst v63  }
0x6a: {  	s0 =	simm.s32 $0xE100  }
0x6b: {  	[tilespmem:s0], [sflag:$0x1] =	stream.indirect_vreg.gather [hbm4b:s3+s2], $0x80, v3, vm0, $0xb8;
	[tilespmem:$0x10100] =	vst v63  }
0x6c: {  	s0 =	simm.s32 $0xE900  }
0x6d: {  	[tilespmem:s0], [sflag:$0x1] =	stream.indirect_vreg.gather [hbm4b:s4+s2], $0x80, v3, vm0, $0xb8;
	[tilespmem:$0x10100] =	vst v63  }
0x6e: {  	s0 =	simm.s32 $0xF100  }
0x6f: {  	[tilespmem:s0], [sflag:$0x1] =	stream.indirect_vreg.gather [hbm4b:s5+s2], $0x80, v3, vm0, $0xb8;
	[tilespmem:$0x10100] =	vst v63  }
0x70: {  	s0 =	simm.s32 $0xF900  }
0x71: {  	[tilespmem:s0], [sflag:$0x1] =	stream.indirect_vreg.gather [hbm4b:s6+s2], $0x80, v3, vm0, $0xb8;
	[tilespmem:$0x10100] =	vst v63  }
0x72: {  	_ =	swait.ge [sflag:s18], $0x10000  }
0x73: {  	[sflag:s18] =	ssyncset.done $0x0  }
0x74: {  	[sflag:s18] =	ssyncadd.s32 $0xFFFF0000  }
0x75: {  	v3 =	vld [tilespmem:$0x80];
	_ =	sdelay $0x4  }
0x76: {  	v60 =	vshll.u32 v3, $0x3  }
0x77: {  	v3 =	vand.u32 $0x7, v3;
	v4 =	vand.u32 $0xFFFFFFC0, v60  }
0x78: {  	v3 =	vor.u32 v3, v4  }
0x79: {  	v4 =	vperm.xlane v3, v0;
	_ =	sdelay $0x1  }
0x7a: {  	v4 =	vadd.s32 v1, v4;
	_ =	sdelay $0x3  }
0x7b: {  	s0 =	simm.s32 $0x100  }
0x7c: {  	[tilespmem:s0], [sflag:$0x1] =	stream.indirect_vreg.gather [hbm4b:s3+s2], $0x80, v4, vm0, $0xb8;
	[tilespmem:$0x10100] =	vst v63  }
0x7d: {  	v3 =	vperm.xlane v3, v2  }
0x7e: {  	[tilespmem:s19], [sflag:$0x1] =	stream.indirect_vreg.gather [hbm4b:s4+s2], $0x80, v4, vm0, $0xb8;
	[tilespmem:$0x10100] =	vst v63  }
0x7f: {  	v3 =	vadd.s32 v1, v3  }
0x80: {  	[tilespmem:s20], [sflag:$0x1] =	stream.indirect_vreg.gather [hbm4b:s5+s2], $0x80, v4, vm0, $0xb8;
	[tilespmem:$0x10100] =	vst v63  }
0x81: {  	_ = 	snop  }
0x82: {  	[tilespmem:s21], [sflag:$0x1] =	stream.indirect_vreg.gather [hbm4b:s6+s2], $0x80, v4, vm0, $0xb8;
	[tilespmem:$0x10100] =	vst v63  }
0x83: {  	_ = 	snop  }
0x84: {  	[tilespmem:s22], [sflag:$0x1] =	stream.indirect_vreg.gather [hbm4b:s3+s2], $0x80, v3, vm0, $0xb8;
	[tilespmem:$0x10100] =	vst v63  }
0x85: {  	_ = 	snop  }
0x86: {  	[tilespmem:s23], [sflag:$0x1] =	stream.indirect_vreg.gather [hbm4b:s4+s2], $0x80, v3, vm0, $0xb8;
	[tilespmem:$0x10100] =	vst v63  }
0x87: {  	_ = 	snop  }
0x88: {  	[tilespmem:s24], [sflag:$0x1] =	stream.indirect_vreg.gather [hbm4b:s5+s2], $0x80, v3, vm0, $0xb8;
	[tilespmem:$0x10100] =	vst v63  }
0x89: {  	_ = 	snop  }
0x8a: {  	[tilespmem:s25], [sflag:$0x1] =	stream.indirect_vreg.gather [hbm4b:s6+s2], $0x80, v3, vm0, $0xb8;
	[tilespmem:$0x10100] =	vst v63  }
0x8b: {  	v3 =	vld [tilespmem:$0x90];
	_ =	sdelay $0x4  }
0x8c: {  	v61 =	vshll.u32 v3, $0x3  }
0x8d: {  	v3 =	vand.u32 $0x7, v3;
	v4 =	vand.u32 $0xFFFFFFC0, v61  }
0x8e: {  	v3 =	vor.u32 v3, v4  }
0x8f: {  	v4 =	vperm.xlane v3, v0;
	_ =	sdelay $0x1  }
0x90: {  	v4 =	vadd.s32 v1, v4;
	_ =	sdelay $0x4  }
0x91: {  	[tilespmem:s26], [sflag:$0x1] =	stream.indirect_vreg.gather [hbm4b:s3+s2], $0x80, v4, vm0, $0xb8;
	[tilespmem:$0x10100] =	vst v63  }
0x92: {  	v3 =	vperm.xlane v3, v2  }
0x93: {  	[tilespmem:s28], [sflag:$0x1] =	stream.indirect_vreg.gather [hbm4b:s4+s2], $0x80, v4, vm0, $0xb8;
	[tilespmem:$0x10100] =	vst v63  }
0x94: {  	v3 =	vadd.s32 v1, v3  }
0x95: {  	[tilespmem:s29], [sflag:$0x1] =	stream.indirect_vreg.gather [hbm4b:s5+s2], $0x80, v4, vm0, $0xb8;
	[tilespmem:$0x10100] =	vst v63  }
0x96: {  	_ = 	snop  }
0x97: {  	[tilespmem:s30], [sflag:$0x1] =	stream.indirect_vreg.gather [hbm4b:s6+s2], $0x80, v4, vm0, $0xb8;
	[tilespmem:$0x10100] =	vst v63  }
0x98: {  	_ = 	snop  }
0x99: {  	[tilespmem:s31], [sflag:$0x1] =	stream.indirect_vreg.gather [hbm4b:s3+s2], $0x80, v3, vm0, $0xb8;
	[tilespmem:$0x10100] =	vst v63  }
0x9a: {  	_ = 	snop  }
0x9b: {  	[tilespmem:s1], [sflag:$0x1] =	stream.indirect_vreg.gather [hbm4b:s4+s2], $0x80, v3, vm0, $0xb8;
	[tilespmem:$0x10100] =	vst v63  }
0x9c: {  	s20 =	simm.s32 $0x7100  }
0x9d: {  	[tilespmem:s20], [sflag:$0x1] =	stream.indirect_vreg.gather [hbm4b:s5+s2], $0x80, v3, vm0, $0xb8;
	[tilespmem:$0x10100] =	vst v63  }
0x9e: {  	_ = 	snop  }
0x9f: {  	[tilespmem:s10], [sflag:$0x1] =	stream.indirect_vreg.gather [hbm4b:s6+s2], $0x80, v3, vm0, $0xb8;
	[tilespmem:$0x10100] =	vst v63  }
0xa0: {  	v3 =	vld [tilespmem:$0xA0];
	_ =	sdelay $0x4  }
0xa1: {  	v62 =	vshll.u32 v3, $0x3  }
0xa2: {  	v3 =	vand.u32 $0x7, v3;
	v4 =	vand.u32 $0xFFFFFFC0, v62  }
0xa3: {  	v3 =	vor.u32 v3, v4  }
0xa4: {  	v4 =	vperm.xlane v3, v0;
	_ =	sdelay $0x1  }
0xa5: {  	v4 =	vadd.s32 v1, v4;
	_ =	sdelay $0x4  }
0xa6: {  	[tilespmem:s11], [sflag:$0x1] =	stream.indirect_vreg.gather [hbm4b:s3+s2], $0x80, v4, vm0, $0xb8;
	[tilespmem:$0x10100] =	vst v63  }
0xa7: {  	v3 =	vperm.xlane v3, v2  }
0xa8: {  	[tilespmem:s12], [sflag:$0x1] =	stream.indirect_vreg.gather [hbm4b:s4+s2], $0x80, v4, vm0, $0xb8;
	[tilespmem:$0x10100] =	vst v63  }
0xa9: {  	v3 =	vadd.s32 v1, v3  }
0xaa: {  	[tilespmem:s13], [sflag:$0x1] =	stream.indirect_vreg.gather [hbm4b:s5+s2], $0x80, v4, vm0, $0xb8;
	[tilespmem:$0x10100] =	vst v63  }
0xab: {  	_ = 	snop  }
0xac: {  	[tilespmem:s14], [sflag:$0x1] =	stream.indirect_vreg.gather [hbm4b:s6+s2], $0x80, v4, vm0, $0xb8;
	[tilespmem:$0x10100] =	vst v63  }
0xad: {  	_ = 	snop  }
0xae: {  	[tilespmem:s15], [sflag:$0x1] =	stream.indirect_vreg.gather [hbm4b:s3+s2], $0x80, v3, vm0, $0xb8;
	[tilespmem:$0x10100] =	vst v63  }
0xaf: {  	_ = 	snop  }
0xb0: {  	[tilespmem:s16], [sflag:$0x1] =	stream.indirect_vreg.gather [hbm4b:s4+s2], $0x80, v3, vm0, $0xb8;
	[tilespmem:$0x10100] =	vst v63  }
0xb1: {  	_ = 	snop  }
0xb2: {  	[tilespmem:s17], [sflag:$0x1] =	stream.indirect_vreg.gather [hbm4b:s5+s2], $0x80, v3, vm0, $0xb8;
	[tilespmem:$0x10100] =	vst v63  }
0xb3: {  	_ = 	snop  }
0xb4: {  	[tilespmem:s9], [sflag:$0x1] =	stream.indirect_vreg.gather [hbm4b:s6+s2], $0x80, v3, vm0, $0xb8;
	[tilespmem:$0x10100] =	vst v63  }
0xb5: {  	v3 =	vld [tilespmem:$0xB0];
	_ =	sdelay $0x4  }
0xb6: {  	v63 =	vshll.u32 v3, $0x3  }
0xb7: {  	v3 =	vand.u32 $0x7, v3;
	v4 =	vand.u32 $0xFFFFFFC0, v63  }
0xb8: {  	v3 =	vor.u32 v3, v4  }
0xb9: {  	v4 =	vperm.xlane v3, v0;
	_ =	sdelay $0x1  }
0xba: {  	v4 =	vadd.s32 v1, v4;
	_ =	sdelay $0x3  }
0xbb: {  	s19 =	simm.s32 $0xC100  }
0xbc: {  	[tilespmem:s19], [sflag:$0x1] =	stream.indirect_vreg.gather [hbm4b:s3+s2], $0x80, v4, vm0, $0xb8;
	[tilespmem:$0x10100] =	vst v63  }
0xbd: {  	s20 =	simm.s32 $0xC900;
	v3 =	vperm.xlane v3, v2  }
0xbe: {  	[tilespmem:s20], [sflag:$0x1] =	stream.indirect_vreg.gather [hbm4b:s4+s2], $0x80, v4, vm0, $0xb8;
	[tilespmem:$0x10100] =	vst v63  }
0xbf: {  	v3 =	vadd.s32 v1, v3;
	s19 =	simm.s32 $0xD100  }
0xc0: {  	[tilespmem:s19], [sflag:$0x1] =	stream.indirect_vreg.gather [hbm4b:s5+s2], $0x80, v4, vm0, $0xb8;
	[tilespmem:$0x10100] =	vst v63  }
0xc1: {  	s20 =	simm.s32 $0xD900  }
0xc2: {  	[tilespmem:s20], [sflag:$0x1] =	stream.indirect_vreg.gather [hbm4b:s6+s2], $0x80, v4, vm0, $0xb8;
	[tilespmem:$0x10100] =	vst v63  }
0xc3: {  	s19 =	simm.s32 $0xE100  }
0xc4: {  	[tilespmem:s19], [sflag:$0x1] =	stream.indirect_vreg.gather [hbm4b:s3+s2], $0x80, v3, vm0, $0xb8;
	[tilespmem:$0x10100] =	vst v63  }
0xc5: {  	s20 =	simm.s32 $0xE900  }
0xc6: {  	[tilespmem:s20], [sflag:$0x1] =	stream.indirect_vreg.gather [hbm4b:s4+s2], $0x80, v3, vm0, $0xb8;
	[tilespmem:$0x10100] =	vst v63  }
0xc7: {  	s19 =	simm.s32 $0xF100  }
0xc8: {  	[tilespmem:s19], [sflag:$0x1] =	stream.indirect_vreg.gather [hbm4b:s5+s2], $0x80, v3, vm0, $0xb8;
	[tilespmem:$0x10100] =	vst v63  }
0xc9: {  	s20 =	simm.s32 $0xF900  }
0xca: {  	[tilespmem:s20], [sflag:$0x1] =	stream.indirect_vreg.gather [hbm4b:s6+s2], $0x80, v3, vm0, $0xb8;
	[tilespmem:$0x10100] =	vst v63  }
0xcb: {  	_ =	swait.ge [sflag:s18], $0x10000  }
0xcc: {  	p0 =	sne.s32 s7, $0x1;
	s20 =	simm.s32 $0x100;
	[sflag:s18] =	ssyncset.done $0x0  }
.Ltmp0:
0xcd: {  	s0 =	rddreg [dreg:$0x5];
	[sflag:s18] =	ssyncadd.s32 $0xFFFF0000;
	(pc) =	sbr.rel @p0 .LBB2_1-.Ltmp0, $4  }
0xce: {  	[hbm4b:s0+s2] =	stream.linear.scatter [tilespmem:s20], [sflag:$0x2], $0x10000, $0x38;
	[tilespmem:$0x10100] =	vst v63  }
0xcf: {  	_ =	swait.ge [sflag:s8], $0x10000  }
0xd0: {  	[sflag:s8] =	ssyncset.done $0x0  }
0xd1: {  	s7 =	sadd.s32 $0xFFFFFFFF, s7;
	[sflag:s8] =	ssyncadd.s32 $0xFFFF0000  }
0xd2: {  	_ =	sfence.sel $0x180000  }
0xd3: {  	[bflag:$0x0] =	sbarrier.arrive $0xFFFF  }
0xd4: {  	_ =	strace $0x9000004D  }
0xd5: {  	s0 =	stileid.u32;
	[bflag:$0x2] =	sbarrier.arrive $0xFFFF  }
0xd6: {  	p0 =	sne.s32 s0, $0x0;
	s0 =	rddreg [dreg:$0x2]  }
0xd7: {  	s0 =	sadd.s32 @!p0 $0x100000, s0  }
0xd8: {  	[sflag:s0] =	ssyncadd.tile.s32 @!p0 $0x1;
	_ =	shalt  }
.Lfunc_end2:
_tile_overlayer_lowered:
.L_overlay_start_2:
0xd9: {  	(tag) =	ssettag $0x2  }
0xda: {  	s0 =	rddreg [dreg:$0x0];
	s2 =	stileid.u32  }
0xdb: {  	s1 =	rddreg [dreg:$0x1];
	p0 =	sne.s32 s2, $0x0  }
0xdc: {  	s3 =	rddreg [dreg:$0x2];
	[bflag:$0x3] =	sbarrier.arrive $0xFFFF;
	s2 =	simm.s32 @!p0 $0x1C02  }
0xdd: {  	[timem:s3], [sflag:s2] =	dma.local @!p0 [hbm:s0], s1  }
0xde: {  	s0 =	simm.s32 @!p0 $0x2  }
0xdf: {  	_ =	swait.ge @!p0 [sflag:s0], s1  }
0xe0: {  	s1 =	ssub.s32 @!p0 $0x0, s1;
	[sflag:s0] =	ssyncset.done @!p0 $0x0  }
0xe1: {  	[sflag:s0] =	ssyncadd.s32 @!p0 s1  }
0xe2: {  	[bflag:$0x3] =	sbarrier.arrive $0xFFFF  }
0xe3: {  	_ =	shalt  }

</sc_bundles>
